<compile_context>
chip_gen: v7x
topology: tpu7x:2x2x1
jax: 0.10.2.dev20260603
libtpu: 0.0.44.dev20260713+nightly
codegen_flags: <defaults>
</compile_context>

<pallas_src>
import functools
import math

import jax
import jax.numpy as jnp
from jax import lax
from jax.experimental import pallas as pl
from jax.experimental.pallas import tpu as pltpu
from jax.experimental.pallas import tpu_sc as plsc

_INFO = plsc.get_sparse_core_info()
_NC, _NS, _L = _INFO.num_cores, _INFO.num_subcores, _INFO.num_lanes
_NW = _NC * _NS


@jax.jit
def _embed_lookup(x, table):
    b, h = x.shape
    _, d = table.shape
    scale = math.sqrt(d)
    bw = b // _NW
    nbk = bw // 128
    n_units = h * nbk
    hp = (h + 7) // 8 * 8
    et = d // 8
    mesh = plsc.VectorSubcoreMesh(core_axis_name="c", subcore_axis_name="s")

    @functools.partial(
        pl.kernel,
        out_type=jax.ShapeDtypeStruct((h, et, b // 128, 8, 128), jnp.float32),
        mesh=mesh,
        scratch_types=[
            pltpu.VMEM((bw, h), jnp.int32),
            pltpu.VMEM((h * bw,), jnp.int32),
            pltpu.VMEM((128, d), jnp.float32),
            pltpu.VMEM((128, d), jnp.float32),
            pltpu.VMEM((128, d), jnp.float32),
            pltpu.VMEM((128, d), jnp.float32),
            pltpu.VMEM((et, 8, 128), jnp.float32),
            pltpu.VMEM((et, 8, 128), jnp.float32),
            pltpu.VMEM((et, 8, 128), jnp.float32),
            pltpu.VMEM((et, 8, 128), jnp.float32),
            pltpu.SemaphoreType.DMA,
            pltpu.SemaphoreType.DMA,
            pltpu.SemaphoreType.DMA,
            pltpu.SemaphoreType.DMA,
            pltpu.SemaphoreType.DMA,
            pltpu.SemaphoreType.DMA,
            pltpu.SemaphoreType.DMA,
            pltpu.SemaphoreType.DMA,
        ],
        compiler_params=pltpu.CompilerParams(
            use_tc_tiling_on_sc=False, needs_layout_passes=False
        ),
    )
    def body(x_hbm, table_hbm, out_hbm, xs, idxb, r0_v, r1_v, r2_v, r3_v,
             o0, o1, o2, o3, g0, g1, g2, g3, w0, w1, w2, w3):
        wid = lax.axis_index("s") * _NC + lax.axis_index("c")
        b0 = wid * bw
        iota = lax.iota(jnp.int32, _L)
        rows = (r0_v, r1_v, r2_v, r3_v)
        gsems = (g0, g1, g2, g3)
        obs = (o0, o1, o2, o3)
        wsems = (w0, w1, w2, w3)

        pltpu.sync_copy(x_hbm.at[pl.ds(b0, bw)], xs)

        n_full = h // _L
        tail_lo = n_full * _L
        tail_mask = iota < (h - tail_lo)

        @plsc.parallel_loop(0, bw, unroll=2)
        def _stage(r):
            rvec = iota * 0 + r
            for j in range(n_full):
                vals = xs[r, pl.ds(j * _L, _L)]
                pos = (j * _L + iota) * bw + r
                plsc.store_scatter(idxb, [pos], vals)
            if h % _L:
                vals = plsc.load_gather(
                    xs, [rvec, tail_lo + iota], mask=tail_mask
                )
                pos = (tail_lo + iota) * bw + r
                plsc.store_scatter(idxb, [pos], vals, mask=tail_mask)

        def g_desc(u, par2):
            off = (u // nbk) * bw + (u % nbk) * 128
            return pltpu.make_async_copy(
                table_hbm.at[idxb.at[pl.ds(off, 128)]], rows[par2], gsems[par2]
            )

        for pre in range(3):
            g_desc(pre, pre).start()

        @pl.loop(0, n_units // 4)
        def _it(it):
            for par in range(4):
                u = it * 4 + par
                rbuf = rows[par]
                ob = obs[par]
                g_desc(u, par).wait()
                if par == 0:
                    g_desc(u + 3, 3).start()
                else:
                    @pl.when(it < n_units // 4 - 1)
                    def _():
                        g_desc(u + 3, par - 1).start()

                @pl.when(it >= 1)
                def _():
                    pltpu.make_async_copy(
                        ob, out_hbm.at[it - 1, pl.ds(0, et), wid * nbk + par],
                        wsems[par],
                    ).wait()

                @plsc.parallel_loop(0, 128, unroll=4)
                def _row(r):
                    rvec = iota * 0 + r
                    for j in range(d // _L):
                        vals = rbuf[r, pl.ds(j * _L, _L)]
                        col = j * _L + iota
                        plsc.store_scatter(
                            ob, [col // 8, col % 8, rvec], vals * scale
                        )

                pltpu.async_copy(
                    ob, out_hbm.at[it, pl.ds(0, et), wid * nbk + par],
                    wsems[par],
                )

        for par in range(4):
            pltpu.make_async_copy(
                obs[par],
                out_hbm.at[n_units // 4 - 1, pl.ds(0, et), wid * nbk + par],
                wsems[par],
            ).wait()

    raw = body(x, table)
    return raw.transpose(2, 4, 0, 1, 3).reshape(b, h, d)


def kernel(x, table):
    return _embed_lookup(x, table)

# --- scband reference (transcript-rebuilt; emitter-appended) ---
"""Pipeline reference for scband-embedder-33019708572291 (READ-ONLY COPY).

The authoritative reference and input builder live on the scoring server;
editing this copy changes nothing except your own understanding.
"""

import jax, jax.numpy as jnp
import numpy as np
import math

VOCAB = 1000000
EMBED_DIM = 64
BATCH = 16384
HIST = 50

def setup_inputs(seed: int = 0) -> dict:
    key = jax.random.key(seed)
    k_idx, k_tab = jax.random.split(key)
    x = jax.random.randint(k_idx, (BATCH, HIST), 0, VOCAB, dtype=jnp.int64 if jax.config.jax_enable_x64 else jnp.int32)
    table = jax.random.normal(k_tab, (VOCAB, EMBED_DIM), dtype=jnp.float32)
    return {"x": x, "table": table}

def reference(x, table):
    # nn.Embedding lookup followed by sqrt(embed_dim) scaling
    emb = jnp.take(table, x, axis=0)
    return emb * math.sqrt(EMBED_DIM)

if __name__ == "__main__":
    import jax
    _d = setup_inputs()
    print(jax.jit(kernel)(*tuple(_d.values())))

</pallas_src>

<mosaic_0001>
#map = affine_map<(d0, d1) -> (0, 0)>
#map1 = affine_map<(d0, d1) -> (0, 0, 0, 0, 0)>
module attributes {stable_mosaic.version = 14 : i64} {
  func.func @body(%arg0: i32, %arg1: i32, %arg2: memref<16384x50xi32, #tpu.memory_space<hbm>>, %arg3: memref<1000000x64xf32, #tpu.memory_space<hbm>>, %arg4: memref<50x8x128x8x128xf32, #tpu.memory_space<hbm>>, %arg5: memref<512x50xi32, #tpu.memory_space<vmem>>, %arg6: memref<25600xi32, #tpu.memory_space<vmem>>, %arg7: memref<128x64xf32, #tpu.memory_space<vmem>>, %arg8: memref<128x64xf32, #tpu.memory_space<vmem>>, %arg9: memref<128x64xf32, #tpu.memory_space<vmem>>, %arg10: memref<128x64xf32, #tpu.memory_space<vmem>>, %arg11: memref<8x8x128xf32, #tpu.memory_space<vmem>>, %arg12: memref<8x8x128xf32, #tpu.memory_space<vmem>>, %arg13: memref<8x8x128xf32, #tpu.memory_space<vmem>>, %arg14: memref<8x8x128xf32, #tpu.memory_space<vmem>>, %arg15: memref<!tpu.dma_semaphore, #tpu.memory_space<semaphore_mem>>, %arg16: memref<!tpu.dma_semaphore, #tpu.memory_space<semaphore_mem>>, %arg17: memref<!tpu.dma_semaphore, #tpu.memory_space<semaphore_mem>>, %arg18: memref<!tpu.dma_semaphore, #tpu.memory_space<semaphore_mem>>, %arg19: memref<!tpu.dma_semaphore, #tpu.memory_space<semaphore_mem>>, %arg20: memref<!tpu.dma_semaphore, #tpu.memory_space<semaphore_mem>>, %arg21: memref<!tpu.dma_semaphore, #tpu.memory_space<semaphore_mem>>, %arg22: memref<!tpu.dma_semaphore, #tpu.memory_space<semaphore_mem>>) attributes {dimension_semantics = [#tpu.dimension_semantics<core_parallel>, #tpu.dimension_semantics<subcore_parallel>], iteration_bounds = array<i64: 2, 16>, scalar_prefetch = 0 : i64, scratch_operands = 18 : i64, tpu.core_type = #tpu.core_type<sc_vector_subcore>, window_params = [{transform_indices = #map}, {transform_indices = #map}, {transform_indices = #map1}]} {
    %mul3A = arith.constant 2 : i32
    %mul3A_0 = arith.muli %arg1, %mul3A : i32
    %add3A = arith.addi %mul3A_0, %arg0 : i32
    %mul3A_1 = arith.constant 512 : i32
    %mul3A_2 = arith.muli %add3A, %mul3A_1 : i32
    %iota3A = tpu.iota {dimensions = array<i32: 0>} : vector<16xi32>
    "tpu.region"() ({
      %run_scoped3A = tpu.sem_alloc : memref<!tpu.dma_semaphore, #tpu.memory_space<semaphore_mem>>
      %dma_start3A_84 = arith.constant 0 : i32
      %dma_start3A_85 = tpu.memref_slice %arg2[%mul3A_2, %dma_start3A_84] : memref<16384x50xi32, #tpu.memory_space<hbm>> -> memref<512x50xi32, #tpu.memory_space<hbm>>
      %dma_start3A_86 = arith.constant 0 : i32
      %dma_start3A_87 = tpu.memref_slice %arg2[%mul3A_2, %dma_start3A_86] : memref<16384x50xi32, #tpu.memory_space<hbm>> -> memref<512x50xi32, #tpu.memory_space<hbm>>
      tpu.enqueue_dma source(%dma_start3A_87 : memref<512x50xi32, #tpu.memory_space<hbm>>) target(%arg5 : memref<512x50xi32, #tpu.memory_space<vmem>>) target_semaphore(%run_scoped3A : memref<!tpu.dma_semaphore, #tpu.memory_space<semaphore_mem>>)
      %dma_wait3A_88 = arith.constant 0 : i32
      %dma_wait3A_89 = tpu.memref_slice %arg2[%mul3A_2, %dma_wait3A_88] : memref<16384x50xi32, #tpu.memory_space<hbm>> -> memref<512x50xi32, #tpu.memory_space<hbm>>
      %dma_wait3A_90 = arith.constant 0 : i32
      %dma_wait3A_91 = tpu.memref_slice %arg2[%mul3A_2, %dma_wait3A_90] : memref<16384x50xi32, #tpu.memory_space<hbm>> -> memref<512x50xi32, #tpu.memory_space<hbm>>
      tpu.wait_dma2 semaphore(%run_scoped3A : memref<!tpu.dma_semaphore, #tpu.memory_space<semaphore_mem>>) src(%dma_wait3A_91 : memref<512x50xi32, #tpu.memory_space<hbm>>) dst(%arg5 : memref<512x50xi32, #tpu.memory_space<vmem>>)
      tpu.yield
    }) : () -> ()
    %lt3A = arith.constant 2 : i32
    %lt3A_3 = vector.broadcast %lt3A : i32 to vector<16xi32>
    %lt3A_4 = arith.cmpi slt, %iota3A, %lt3A_3 : vector<16xi32>
    %parallel_loop3A = arith.constant 0 : i32
    %parallel_loop3A_5 = arith.constant 512 : i32
    %parallel_loop3A_6 = arith.constant 1 : i32
    scf.for %parallel_loop3A_84 = %parallel_loop3A to %parallel_loop3A_5 step %parallel_loop3A_6  : i32 {
      %parallel_loop3A_85 = arith.constant 0 : i32
      %parallel_loop3A_86 = vector.broadcast %parallel_loop3A_85 : i32 to vector<16xi32>
      %parallel_loop3A_87 = arith.muli %iota3A, %parallel_loop3A_86 : vector<16xi32>
      %parallel_loop3A_88 = vector.broadcast %parallel_loop3A_84 : i32 to vector<16xi32>
      %parallel_loop3A_89 = arith.addi %parallel_loop3A_87, %parallel_loop3A_88 : vector<16xi32>
      %parallel_loop3A_90 = arith.index_cast %parallel_loop3A_84 : i32 to index
      %parallel_loop3A_91 = arith.constant 0 : index
      %parallel_loop3A_92 = tpu.vector_load %arg5[%parallel_loop3A_90, %parallel_loop3A_91] {strides = array<i32>} : memref<512x50xi32, #tpu.memory_space<vmem>>, vector<16xi32>,
      %parallel_loop3A_93 = arith.constant 0 : i32
      %parallel_loop3A_94 = vector.broadcast %parallel_loop3A_93 : i32 to vector<16xi32>
      %parallel_loop3A_95 = arith.addi %parallel_loop3A_94, %iota3A : vector<16xi32>
      %parallel_loop3A_96 = arith.constant 512 : i32
      %parallel_loop3A_97 = vector.broadcast %parallel_loop3A_96 : i32 to vector<16xi32>
      %parallel_loop3A_98 = arith.muli %parallel_loop3A_95, %parallel_loop3A_97 : vector<16xi32>
      %parallel_loop3A_99 = vector.broadcast %parallel_loop3A_84 : i32 to vector<16xi32>
      %parallel_loop3A_100 = arith.addi %parallel_loop3A_98, %parallel_loop3A_99 : vector<16xi32>
      tpu.vector_store_idx %arg6[%parallel_loop3A_100], %parallel_loop3A_92 : memref<25600xi32, #tpu.memory_space<vmem>>[vector<16xi32>], vector<16xi32>,
      %parallel_loop3A_101 = arith.index_cast %parallel_loop3A_84 : i32 to index
      %parallel_loop3A_102 = arith.constant 16 : index
      %parallel_loop3A_103 = tpu.vector_load %arg5[%parallel_loop3A_101, %parallel_loop3A_102] {strides = array<i32>} : memref<512x50xi32, #tpu.memory_space<vmem>>, vector<16xi32>,
      %parallel_loop3A_104 = arith.constant 16 : i32
      %parallel_loop3A_105 = vector.broadcast %parallel_loop3A_104 : i32 to vector<16xi32>
      %parallel_loop3A_106 = arith.addi %parallel_loop3A_105, %iota3A : vector<16xi32>
      %parallel_loop3A_107 = arith.constant 512 : i32
      %parallel_loop3A_108 = vector.broadcast %parallel_loop3A_107 : i32 to vector<16xi32>
      %parallel_loop3A_109 = arith.muli %parallel_loop3A_106, %parallel_loop3A_108 : vector<16xi32>
      %parallel_loop3A_110 = vector.broadcast %parallel_loop3A_84 : i32 to vector<16xi32>
      %parallel_loop3A_111 = arith.addi %parallel_loop3A_109, %parallel_loop3A_110 : vector<16xi32>
      tpu.vector_store_idx %arg6[%parallel_loop3A_111], %parallel_loop3A_103 : memref<25600xi32, #tpu.memory_space<vmem>>[vector<16xi32>], vector<16xi32>,
      %parallel_loop3A_112 = arith.index_cast %parallel_loop3A_84 : i32 to index
      %parallel_loop3A_113 = arith.constant 32 : index
      %parallel_loop3A_114 = tpu.vector_load %arg5[%parallel_loop3A_112, %parallel_loop3A_113] {strides = array<i32>} : memref<512x50xi32, #tpu.memory_space<vmem>>, vector<16xi32>,
      %parallel_loop3A_115 = arith.constant 32 : i32
      %parallel_loop3A_116 = vector.broadcast %parallel_loop3A_115 : i32 to vector<16xi32>
      %parallel_loop3A_117 = arith.addi %parallel_loop3A_116, %iota3A : vector<16xi32>
      %parallel_loop3A_118 = arith.constant 512 : i32
      %parallel_loop3A_119 = vector.broadcast %parallel_loop3A_118 : i32 to vector<16xi32>
      %parallel_loop3A_120 = arith.muli %parallel_loop3A_117, %parallel_loop3A_119 : vector<16xi32>
      %parallel_loop3A_121 = vector.broadcast %parallel_loop3A_84 : i32 to vector<16xi32>
      %parallel_loop3A_122 = arith.addi %parallel_loop3A_120, %parallel_loop3A_121 : vector<16xi32>
      tpu.vector_store_idx %arg6[%parallel_loop3A_122], %parallel_loop3A_114 : memref<25600xi32, #tpu.memory_space<vmem>>[vector<16xi32>], vector<16xi32>,
      %parallel_loop3A_123 = arith.constant 48 : i32
      %parallel_loop3A_124 = vector.broadcast %parallel_loop3A_123 : i32 to vector<16xi32>
      %parallel_loop3A_125 = arith.addi %parallel_loop3A_124, %iota3A : vector<16xi32>
      %parallel_loop3A_126 = tpu.vector_load_idx %arg5[%parallel_loop3A_89, %parallel_loop3A_125] masked %lt3A_4 : memref<512x50xi32, #tpu.memory_space<vmem>>[vector<16xi32>, vector<16xi32>], vector<16xi32>, vector<16xi1>
      %parallel_loop3A_127 = arith.constant 48 : i32
      %parallel_loop3A_128 = vector.broadcast %parallel_loop3A_127 : i32 to vector<16xi32>
      %parallel_loop3A_129 = arith.addi %parallel_loop3A_128, %iota3A : vector<16xi32>
      %parallel_loop3A_130 = arith.constant 512 : i32
      %parallel_loop3A_131 = vector.broadcast %parallel_loop3A_130 : i32 to vector<16xi32>
      %parallel_loop3A_132 = arith.muli %parallel_loop3A_129, %parallel_loop3A_131 : vector<16xi32>
      %parallel_loop3A_133 = vector.broadcast %parallel_loop3A_84 : i32 to vector<16xi32>
      %parallel_loop3A_134 = arith.addi %parallel_loop3A_132, %parallel_loop3A_133 : vector<16xi32>
      tpu.vector_store_idx %arg6[%parallel_loop3A_134], %parallel_loop3A_126 masked %lt3A_4 : memref<25600xi32, #tpu.memory_space<vmem>>[vector<16xi32>], vector<16xi32>, vector<16xi1>
    } {sc.loop_unroll_factor = 2 : i64, sc.parallel_access}
    %dma_start3A = arith.constant 0 : i32
    %dma_start3A_7 = tpu.memref_slice %arg6[%dma_start3A] : memref<25600xi32, #tpu.memory_space<vmem>> -> memref<128xi32, #tpu.memory_space<vmem>>
    %dma_start3A_8 = arith.constant 0 : i32
    %dma_start3A_9 = arith.constant 0 : i32
    %dma_start3A_10 = tpu.memref_slice %arg3[%dma_start3A_8, %dma_start3A_9] : memref<1000000x64xf32, #tpu.memory_space<hbm>> -> memref<1000000x64xf32, #tpu.memory_space<hbm>>
    tpu.enqueue_indirect_dma source(%dma_start3A_10 : memref<1000000x64xf32, #tpu.memory_space<hbm>>) target(%arg7 : memref<128x64xf32, #tpu.memory_space<vmem>>) offsets(%dma_start3A_7 : memref<128xi32, #tpu.memory_space<vmem>>) semaphore(%arg15 : memref<!tpu.dma_semaphore, #tpu.memory_space<semaphore_mem>>)
    %dma_start3A_11 = arith.constant 128 : i32
    %dma_start3A_12 = tpu.memref_slice %arg6[%dma_start3A_11] : memref<25600xi32, #tpu.memory_space<vmem>> -> memref<128xi32, #tpu.memory_space<vmem>>
    %dma_start3A_13 = arith.constant 0 : i32
    %dma_start3A_14 = arith.constant 0 : i32
    %dma_start3A_15 = tpu.memref_slice %arg3[%dma_start3A_13, %dma_start3A_14] : memref<1000000x64xf32, #tpu.memory_space<hbm>> -> memref<1000000x64xf32, #tpu.memory_space<hbm>>
    tpu.enqueue_indirect_dma source(%dma_start3A_15 : memref<1000000x64xf32, #tpu.memory_space<hbm>>) target(%arg8 : memref<128x64xf32, #tpu.memory_space<vmem>>) offsets(%dma_start3A_12 : memref<128xi32, #tpu.memory_space<vmem>>) semaphore(%arg16 : memref<!tpu.dma_semaphore, #tpu.memory_space<semaphore_mem>>)
    %dma_start3A_16 = arith.constant 256 : i32
    %dma_start3A_17 = tpu.memref_slice %arg6[%dma_start3A_16] : memref<25600xi32, #tpu.memory_space<vmem>> -> memref<128xi32, #tpu.memory_space<vmem>>
    %dma_start3A_18 = arith.constant 0 : i32
    %dma_start3A_19 = arith.constant 0 : i32
    %dma_start3A_20 = tpu.memref_slice %arg3[%dma_start3A_18, %dma_start3A_19] : memref<1000000x64xf32, #tpu.memory_space<hbm>> -> memref<1000000x64xf32, #tpu.memory_space<hbm>>
    tpu.enqueue_indirect_dma source(%dma_start3A_20 : memref<1000000x64xf32, #tpu.memory_space<hbm>>) target(%arg9 : memref<128x64xf32, #tpu.memory_space<vmem>>) offsets(%dma_start3A_17 : memref<128xi32, #tpu.memory_space<vmem>>) semaphore(%arg17 : memref<!tpu.dma_semaphore, #tpu.memory_space<semaphore_mem>>)
    %scan3A = arith.constant 0 : i32
    %scan3A_21 = arith.constant 50 : i32
    %scan3A_22 = arith.addi %scan3A, %scan3A_21 : i32
    %scan3A_23 = arith.constant 1 : i32
    scf.for %scan3A_84 = %scan3A to %scan3A_22 step %scan3A_23  : i32 {
      %mul3A_85 = arith.constant 1 : i32
      %mul3A_86 = arith.muli %scan3A_84, %mul3A_85 : i32
      %add3A_87 = arith.constant 0 : i32
      %add3A_88 = arith.addi %add3A_87, %mul3A_86 : i32
      %mul3A_89 = arith.constant 4 : i32
      %mul3A_90 = arith.muli %add3A_88, %mul3A_89 : i32
      %add3A_91 = arith.constant 0 : i32
      %add3A_92 = arith.addi %mul3A_90, %add3A_91 : i32
      %jit3A = arith.constant 4 : i32
      %div3A = arith.divsi %add3A_92, %jit3A : i32
      %sign3A = arith.constant 0 : i32
      %sign3A_93 = arith.cmpi sgt, %add3A_92, %sign3A : i32
      %sign3A_94 = arith.extui %sign3A_93 : i1 to i32
      %sign3A_95 = arith.constant 0 : i32
      %sign3A_96 = arith.cmpi slt, %add3A_92, %sign3A_95 : i32
      %sign3A_97 = arith.extui %sign3A_96 : i1 to i32
      %sign3A_98 = arith.subi %sign3A_94, %sign3A_97 : i32
      %sign3A_99 = arith.constant 0 : i32
      %sign3A_100 = arith.cmpi sgt, %jit3A, %sign3A_99 : i32
      %sign3A_101 = arith.extui %sign3A_100 : i1 to i32
      %sign3A_102 = arith.constant 0 : i32
      %sign3A_103 = arith.cmpi slt, %jit3A, %sign3A_102 : i32
      %sign3A_104 = arith.extui %sign3A_103 : i1 to i32
      %sign3A_105 = arith.subi %sign3A_101, %sign3A_104 : i32
      %ne3A = arith.cmpi ne, %sign3A_98, %sign3A_105 : i32
      %rem3A = arith.remsi %add3A_92, %jit3A : i32
      %ne3A_106 = arith.constant 0 : i32
      %ne3A_107 = arith.cmpi ne, %rem3A, %ne3A_106 : i32
      %and3A = arith.andi %ne3A, %ne3A_107 : i1
      %sub3A = arith.constant 1 : i32
      %sub3A_108 = arith.subi %div3A, %sub3A : i32
      %select_n3A = arith.select %and3A, %sub3A_108, %div3A : i32
      %mul3A_109 = arith.constant 512 : i32
      %mul3A_110 = arith.muli %select_n3A, %mul3A_109 : i32
      %jit3A_111 = arith.constant 4 : i32
      %eq3A = arith.constant 0 : i32
      %eq3A_112 = arith.cmpi eq, %jit3A_111, %eq3A : i32
      %jit3A_113 = arith.constant 1 : i32
      %select_n3A_114 = arith.select %eq3A_112, %jit3A_113, %jit3A_111 : i32
      %rem3A_115 = arith.remsi %add3A_92, %select_n3A_114 : i32
      %ne3A_116 = arith.constant 0 : i32
      %ne3A_117 = arith.cmpi ne, %rem3A_115, %ne3A_116 : i32
      %lt3A_118 = arith.constant 0 : i32
      %lt3A_119 = arith.cmpi slt, %rem3A_115, %lt3A_118 : i32
      %lt3A_120 = arith.constant 0 : i32
      %lt3A_121 = arith.cmpi slt, %select_n3A_114, %lt3A_120 : i32
      %ne3A_122 = arith.xori %lt3A_119, %lt3A_121 : i1
      %and3A_123 = arith.andi %ne3A_122, %ne3A_117 : i1
      %add3A_124 = arith.addi %rem3A_115, %select_n3A_114 : i32
      %select_n3A_125 = arith.select %and3A_123, %add3A_124, %rem3A_115 : i32
      %mul3A_126 = arith.constant 128 : i32
      %mul3A_127 = arith.muli %select_n3A_125, %mul3A_126 : i32
      %add3A_128 = arith.addi %mul3A_110, %mul3A_127 : i32
      %dma_wait3A_129 = tpu.memref_slice %arg6[%add3A_128] : memref<25600xi32, #tpu.memory_space<vmem>> -> memref<128xi32, #tpu.memory_space<vmem>>
      %dma_wait3A_130 = arith.constant 0 : i32
      %dma_wait3A_131 = arith.constant 0 : i32
      %dma_wait3A_132 = tpu.memref_slice %arg3[%dma_wait3A_130, %dma_wait3A_131] : memref<1000000x64xf32, #tpu.memory_space<hbm>> -> memref<1000000x64xf32, #tpu.memory_space<hbm>>
      tpu.wait_indirect_dma semaphore(%arg15 : memref<!tpu.dma_semaphore, #tpu.memory_space<semaphore_mem>>) src(%dma_wait3A_132 : memref<1000000x64xf32, #tpu.memory_space<hbm>>) dst(%arg7 : memref<128x64xf32, #tpu.memory_space<vmem>>)
      %add3A_133 = arith.constant 3 : i32
      %add3A_134 = arith.addi %add3A_92, %add3A_133 : i32
      %jit3A_135 = arith.constant 4 : i32
      %div3A_136 = arith.divsi %add3A_134, %jit3A_135 : i32
      %sign3A_137 = arith.constant 0 : i32
      %sign3A_138 = arith.cmpi sgt, %add3A_134, %sign3A_137 : i32
      %sign3A_139 = arith.extui %sign3A_138 : i1 to i32
      %sign3A_140 = arith.constant 0 : i32
      %sign3A_141 = arith.cmpi slt, %add3A_134, %sign3A_140 : i32
      %sign3A_142 = arith.extui %sign3A_141 : i1 to i32
      %sign3A_143 = arith.subi %sign3A_139, %sign3A_142 : i32
      %sign3A_144 = arith.constant 0 : i32
      %sign3A_145 = arith.cmpi sgt, %jit3A_135, %sign3A_144 : i32
      %sign3A_146 = arith.extui %sign3A_145 : i1 to i32
      %sign3A_147 = arith.constant 0 : i32
      %sign3A_148 = arith.cmpi slt, %jit3A_135, %sign3A_147 : i32
      %sign3A_149 = arith.extui %sign3A_148 : i1 to i32
      %sign3A_150 = arith.subi %sign3A_146, %sign3A_149 : i32
      %ne3A_151 = arith.cmpi ne, %sign3A_143, %sign3A_150 : i32
      %rem3A_152 = arith.remsi %add3A_134, %jit3A_135 : i32
      %ne3A_153 = arith.constant 0 : i32
      %ne3A_154 = arith.cmpi ne, %rem3A_152, %ne3A_153 : i32
      %and3A_155 = arith.andi %ne3A_151, %ne3A_154 : i1
      %sub3A_156 = arith.constant 1 : i32
      %sub3A_157 = arith.subi %div3A_136, %sub3A_156 : i32
      %select_n3A_158 = arith.select %and3A_155, %sub3A_157, %div3A_136 : i32
      %mul3A_159 = arith.constant 512 : i32
      %mul3A_160 = arith.muli %select_n3A_158, %mul3A_159 : i32
      %jit3A_161 = arith.constant 4 : i32
      %eq3A_162 = arith.constant 0 : i32
      %eq3A_163 = arith.cmpi eq, %jit3A_161, %eq3A_162 : i32
      %jit3A_164 = arith.constant 1 : i32
      %select_n3A_165 = arith.select %eq3A_163, %jit3A_164, %jit3A_161 : i32
      %rem3A_166 = arith.remsi %add3A_134, %select_n3A_165 : i32
      %ne3A_167 = arith.constant 0 : i32
      %ne3A_168 = arith.cmpi ne, %rem3A_166, %ne3A_167 : i32
      %lt3A_169 = arith.constant 0 : i32
      %lt3A_170 = arith.cmpi slt, %rem3A_166, %lt3A_169 : i32
      %lt3A_171 = arith.constant 0 : i32
      %lt3A_172 = arith.cmpi slt, %select_n3A_165, %lt3A_171 : i32
      %ne3A_173 = arith.xori %lt3A_170, %lt3A_172 : i1
      %and3A_174 = arith.andi %ne3A_173, %ne3A_168 : i1
      %add3A_175 = arith.addi %rem3A_166, %select_n3A_165 : i32
      %select_n3A_176 = arith.select %and3A_174, %add3A_175, %rem3A_166 : i32
      %mul3A_177 = arith.constant 128 : i32
      %mul3A_178 = arith.muli %select_n3A_176, %mul3A_177 : i32
      %add3A_179 = arith.addi %mul3A_160, %mul3A_178 : i32
      %dma_start3A_180 = tpu.memref_slice %arg6[%add3A_179] : memref<25600xi32, #tpu.memory_space<vmem>> -> memref<128xi32, #tpu.memory_space<vmem>>
      %dma_start3A_181 = arith.constant 0 : i32
      %dma_start3A_182 = arith.constant 0 : i32
      %dma_start3A_183 = tpu.memref_slice %arg3[%dma_start3A_181, %dma_start3A_182] : memref<1000000x64xf32, #tpu.memory_space<hbm>> -> memref<1000000x64xf32, #tpu.memory_space<hbm>>
      tpu.enqueue_indirect_dma source(%dma_start3A_183 : memref<1000000x64xf32, #tpu.memory_space<hbm>>) target(%arg10 : memref<128x64xf32, #tpu.memory_space<vmem>>) offsets(%dma_start3A_180 : memref<128xi32, #tpu.memory_space<vmem>>) semaphore(%arg18 : memref<!tpu.dma_semaphore, #tpu.memory_space<semaphore_mem>>)
      %ge3A = arith.constant 1 : i32
      %ge3A_184 = arith.cmpi sge, %add3A_88, %ge3A : i32
      %convert_element_type3A = arith.extui %ge3A_184 : i1 to i32
      %cond3A = arith.constant 0 : i32
      %cond3A_185 = arith.cmpi ne, %convert_element_type3A, %cond3A : i32
      scf.if %cond3A_185 {
        %sub3A_443 = arith.constant 1 : i32
        %sub3A_444 = arith.subi %add3A_88, %sub3A_443 : i32
        %mul3A_445 = arith.constant 4 : i32
        %mul3A_446 = arith.muli %add3A, %mul3A_445 : i32
        %add3A_447 = arith.constant 0 : i32
        %add3A_448 = arith.addi %mul3A_446, %add3A_447 : i32
        %dma_wait3A_449 = arith.constant 0 : i32
        %dma_wait3A_450 = arith.constant 0 : i32
        %dma_wait3A_451 = arith.constant 0 : i32
        %dma_wait3A_452 = tpu.memref_slice %arg4[%sub3A_444, %dma_wait3A_449, %add3A_448, %dma_wait3A_450, %dma_wait3A_451] : memref<50x8x128x8x128xf32, #tpu.memory_space<hbm>> -> memref<1x8x1x8x128xf32, #tpu.memory_space<hbm>>
        %dma_wait3A_453 = tpu.memref_squeeze %dma_wait3A_452 : memref<1x8x1x8x128xf32, #tpu.memory_space<hbm>> -> memref<8x8x128xf32, #tpu.memory_space<hbm>>
        %dma_wait3A_454 = arith.constant 0 : i32
        %dma_wait3A_455 = arith.constant 0 : i32
        %dma_wait3A_456 = arith.constant 0 : i32
        %dma_wait3A_457 = tpu.memref_slice %arg4[%sub3A_444, %dma_wait3A_454, %add3A_448, %dma_wait3A_455, %dma_wait3A_456] : memref<50x8x128x8x128xf32, #tpu.memory_space<hbm>> -> memref<1x8x1x8x128xf32, #tpu.memory_space<hbm>>
        %dma_wait3A_458 = tpu.memref_squeeze %dma_wait3A_457 : memref<1x8x1x8x128xf32, #tpu.memory_space<hbm>> -> memref<8x8x128xf32, #tpu.memory_space<hbm>>
        tpu.wait_dma2 semaphore(%arg19 : memref<!tpu.dma_semaphore, #tpu.memory_space<semaphore_mem>>) src(%arg11 : memref<8x8x128xf32, #tpu.memory_space<vmem>>) dst(%dma_wait3A_458 : memref<8x8x128xf32, #tpu.memory_space<hbm>>)
      } else {
      }
      %parallel_loop3A_186 = arith.constant 0 : i32
      %parallel_loop3A_187 = arith.constant 128 : i32
      %parallel_loop3A_188 = arith.constant 1 : i32
      scf.for %parallel_loop3A_443 = %parallel_loop3A_186 to %parallel_loop3A_187 step %parallel_loop3A_188  : i32 {
        %parallel_loop3A_444 = arith.constant 0 : i32
        %parallel_loop3A_445 = vector.broadcast %parallel_loop3A_444 : i32 to vector<16xi32>
        %parallel_loop3A_446 = arith.muli %iota3A, %parallel_loop3A_445 : vector<16xi32>
        %parallel_loop3A_447 = vector.broadcast %parallel_loop3A_443 : i32 to vector<16xi32>
        %parallel_loop3A_448 = arith.addi %parallel_loop3A_446, %parallel_loop3A_447 : vector<16xi32>
        %parallel_loop3A_449 = arith.index_cast %parallel_loop3A_443 : i32 to index
        %parallel_loop3A_450 = arith.constant 0 : index
        %parallel_loop3A_451 = tpu.vector_load %arg7[%parallel_loop3A_449, %parallel_loop3A_450] {strides = array<i32>} : memref<128x64xf32, #tpu.memory_space<vmem>>, vector<16xf32>,
        %parallel_loop3A_452 = arith.constant 0 : i32
        %parallel_loop3A_453 = vector.broadcast %parallel_loop3A_452 : i32 to vector<16xi32>
        %parallel_loop3A_454 = arith.addi %parallel_loop3A_453, %iota3A : vector<16xi32>
        %parallel_loop3A_455 = arith.constant 8 : i32
        %parallel_loop3A_456 = vector.broadcast %parallel_loop3A_455 : i32 to vector<16xi32>
        %parallel_loop3A_457 = arith.divsi %parallel_loop3A_454, %parallel_loop3A_456 : vector<16xi32>
        %parallel_loop3A_458 = arith.constant 0 : i32
        %parallel_loop3A_459 = vector.broadcast %parallel_loop3A_458 : i32 to vector<16xi32>
        %parallel_loop3A_460 = arith.cmpi sgt, %parallel_loop3A_454, %parallel_loop3A_459 : vector<16xi32>
        %parallel_loop3A_461 = arith.extui %parallel_loop3A_460 : vector<16xi1> to vector<16xi32>
        %parallel_loop3A_462 = arith.constant 0 : i32
        %parallel_loop3A_463 = vector.broadcast %parallel_loop3A_462 : i32 to vector<16xi32>
        %parallel_loop3A_464 = arith.cmpi slt, %parallel_loop3A_454, %parallel_loop3A_463 : vector<16xi32>
        %parallel_loop3A_465 = arith.extui %parallel_loop3A_464 : vector<16xi1> to vector<16xi32>
        %parallel_loop3A_466 = arith.subi %parallel_loop3A_461, %parallel_loop3A_465 : vector<16xi32>
        %parallel_loop3A_467 = arith.constant 0 : i32
        %parallel_loop3A_468 = arith.cmpi sgt, %parallel_loop3A_455, %parallel_loop3A_467 : i32
        %parallel_loop3A_469 = arith.extui %parallel_loop3A_468 : i1 to i32
        %parallel_loop3A_470 = arith.constant 0 : i32
        %parallel_loop3A_471 = arith.cmpi slt, %parallel_loop3A_455, %parallel_loop3A_470 : i32
        %parallel_loop3A_472 = arith.extui %parallel_loop3A_471 : i1 to i32
        %parallel_loop3A_473 = arith.subi %parallel_loop3A_469, %parallel_loop3A_472 : i32
        %parallel_loop3A_474 = vector.broadcast %parallel_loop3A_473 : i32 to vector<16xi32>
        %parallel_loop3A_475 = arith.cmpi ne, %parallel_loop3A_466, %parallel_loop3A_474 : vector<16xi32>
        %parallel_loop3A_476 = vector.broadcast %parallel_loop3A_455 : i32 to vector<16xi32>
        %parallel_loop3A_477 = arith.remsi %parallel_loop3A_454, %parallel_loop3A_476 : vector<16xi32>
        %parallel_loop3A_478 = arith.constant 0 : i32
        %parallel_loop3A_479 = vector.broadcast %parallel_loop3A_478 : i32 to vector<16xi32>
        %parallel_loop3A_480 = arith.cmpi ne, %parallel_loop3A_477, %parallel_loop3A_479 : vector<16xi32>
        %parallel_loop3A_481 = arith.andi %parallel_loop3A_475, %parallel_loop3A_480 : vector<16xi1>
        %parallel_loop3A_482 = arith.constant 1 : i32
        %parallel_loop3A_483 = vector.broadcast %parallel_loop3A_482 : i32 to vector<16xi32>
        %parallel_loop3A_484 = arith.subi %parallel_loop3A_457, %parallel_loop3A_483 : vector<16xi32>
        %parallel_loop3A_485 = arith.select %parallel_loop3A_481, %parallel_loop3A_484, %parallel_loop3A_457 : vector<16xi1>, vector<16xi32>
        %parallel_loop3A_486 = arith.constant 8 : i32
        %parallel_loop3A_487 = arith.constant 0 : i32
        %parallel_loop3A_488 = arith.cmpi eq, %parallel_loop3A_486, %parallel_loop3A_487 : i32
        %parallel_loop3A_489 = arith.constant 1 : i32
        %parallel_loop3A_490 = arith.select %parallel_loop3A_488, %parallel_loop3A_489, %parallel_loop3A_486 : i32
        %parallel_loop3A_491 = vector.broadcast %parallel_loop3A_490 : i32 to vector<16xi32>
        %parallel_loop3A_492 = arith.remsi %parallel_loop3A_454, %parallel_loop3A_491 : vector<16xi32>
        %parallel_loop3A_493 = arith.constant 0 : i32
        %parallel_loop3A_494 = vector.broadcast %parallel_loop3A_493 : i32 to vector<16xi32>
        %parallel_loop3A_495 = arith.cmpi ne, %parallel_loop3A_492, %parallel_loop3A_494 : vector<16xi32>
        %parallel_loop3A_496 = arith.constant 0 : i32
        %parallel_loop3A_497 = vector.broadcast %parallel_loop3A_496 : i32 to vector<16xi32>
        %parallel_loop3A_498 = arith.cmpi slt, %parallel_loop3A_492, %parallel_loop3A_497 : vector<16xi32>
        %parallel_loop3A_499 = arith.constant 0 : i32
        %parallel_loop3A_500 = arith.cmpi slt, %parallel_loop3A_490, %parallel_loop3A_499 : i32
        %parallel_loop3A_501 = vector.broadcast %parallel_loop3A_500 : i1 to vector<16xi1>
        %parallel_loop3A_502 = vector.broadcast %parallel_loop3A_501 : vector<16xi1> to vector<16xi1>
        %parallel_loop3A_503 = arith.xori %parallel_loop3A_498, %parallel_loop3A_502 : vector<16xi1>
        %parallel_loop3A_504 = arith.andi %parallel_loop3A_503, %parallel_loop3A_495 : vector<16xi1>
        %parallel_loop3A_505 = vector.broadcast %parallel_loop3A_490 : i32 to vector<16xi32>
        %parallel_loop3A_506 = arith.addi %parallel_loop3A_492, %parallel_loop3A_505 : vector<16xi32>
        %parallel_loop3A_507 = arith.select %parallel_loop3A_504, %parallel_loop3A_506, %parallel_loop3A_492 : vector<16xi1>, vector<16xi32>
        %parallel_loop3A_508 = arith.constant 8.000000e+00 : f32
        %parallel_loop3A_509 = vector.broadcast %parallel_loop3A_508 : f32 to vector<16xf32>
        %parallel_loop3A_510 = arith.mulf %parallel_loop3A_451, %parallel_loop3A_509 : vector<16xf32>
        tpu.vector_store_idx %arg11[%parallel_loop3A_485, %parallel_loop3A_507, %parallel_loop3A_448], %parallel_loop3A_510 : memref<8x8x128xf32, #tpu.memory_space<vmem>>[vector<16xi32>, vector<16xi32>, vector<16xi32>], vector<16xf32>,
        %parallel_loop3A_511 = arith.index_cast %parallel_loop3A_443 : i32 to index
        %parallel_loop3A_512 = arith.constant 16 : index
        %parallel_loop3A_513 = tpu.vector_load %arg7[%parallel_loop3A_511, %parallel_loop3A_512] {strides = array<i32>} : memref<128x64xf32, #tpu.memory_space<vmem>>, vector<16xf32>,
        %parallel_loop3A_514 = arith.constant 16 : i32
        %parallel_loop3A_515 = vector.broadcast %parallel_loop3A_514 : i32 to vector<16xi32>
        %parallel_loop3A_516 = arith.addi %parallel_loop3A_515, %iota3A : vector<16xi32>
        %parallel_loop3A_517 = arith.constant 8 : i32
        %parallel_loop3A_518 = vector.broadcast %parallel_loop3A_517 : i32 to vector<16xi32>
        %parallel_loop3A_519 = arith.divsi %parallel_loop3A_516, %parallel_loop3A_518 : vector<16xi32>
        %parallel_loop3A_520 = arith.constant 0 : i32
        %parallel_loop3A_521 = vector.broadcast %parallel_loop3A_520 : i32 to vector<16xi32>
        %parallel_loop3A_522 = arith.cmpi sgt, %parallel_loop3A_516, %parallel_loop3A_521 : vector<16xi32>
        %parallel_loop3A_523 = arith.extui %parallel_loop3A_522 : vector<16xi1> to vector<16xi32>
        %parallel_loop3A_524 = arith.constant 0 : i32
        %parallel_loop3A_525 = vector.broadcast %parallel_loop3A_524 : i32 to vector<16xi32>
        %parallel_loop3A_526 = arith.cmpi slt, %parallel_loop3A_516, %parallel_loop3A_525 : vector<16xi32>
        %parallel_loop3A_527 = arith.extui %parallel_loop3A_526 : vector<16xi1> to vector<16xi32>
        %parallel_loop3A_528 = arith.subi %parallel_loop3A_523, %parallel_loop3A_527 : vector<16xi32>
        %parallel_loop3A_529 = arith.constant 0 : i32
        %parallel_loop3A_530 = arith.cmpi sgt, %parallel_loop3A_517, %parallel_loop3A_529 : i32
        %parallel_loop3A_531 = arith.extui %parallel_loop3A_530 : i1 to i32
        %parallel_loop3A_532 = arith.constant 0 : i32
        %parallel_loop3A_533 = arith.cmpi slt, %parallel_loop3A_517, %parallel_loop3A_532 : i32
        %parallel_loop3A_534 = arith.extui %parallel_loop3A_533 : i1 to i32
        %parallel_loop3A_535 = arith.subi %parallel_loop3A_531, %parallel_loop3A_534 : i32
        %parallel_loop3A_536 = vector.broadcast %parallel_loop3A_535 : i32 to vector<16xi32>
        %parallel_loop3A_537 = arith.cmpi ne, %parallel_loop3A_528, %parallel_loop3A_536 : vector<16xi32>
        %parallel_loop3A_538 = vector.broadcast %parallel_loop3A_517 : i32 to vector<16xi32>
        %parallel_loop3A_539 = arith.remsi %parallel_loop3A_516, %parallel_loop3A_538 : vector<16xi32>
        %parallel_loop3A_540 = arith.constant 0 : i32
        %parallel_loop3A_541 = vector.broadcast %parallel_loop3A_540 : i32 to vector<16xi32>
        %parallel_loop3A_542 = arith.cmpi ne, %parallel_loop3A_539, %parallel_loop3A_541 : vector<16xi32>
        %parallel_loop3A_543 = arith.andi %parallel_loop3A_537, %parallel_loop3A_542 : vector<16xi1>
        %parallel_loop3A_544 = arith.constant 1 : i32
        %parallel_loop3A_545 = vector.broadcast %parallel_loop3A_544 : i32 to vector<16xi32>
        %parallel_loop3A_546 = arith.subi %parallel_loop3A_519, %parallel_loop3A_545 : vector<16xi32>
        %parallel_loop3A_547 = arith.select %parallel_loop3A_543, %parallel_loop3A_546, %parallel_loop3A_519 : vector<16xi1>, vector<16xi32>
        %parallel_loop3A_548 = arith.constant 8 : i32
        %parallel_loop3A_549 = arith.constant 0 : i32
        %parallel_loop3A_550 = arith.cmpi eq, %parallel_loop3A_548, %parallel_loop3A_549 : i32
        %parallel_loop3A_551 = arith.constant 1 : i32
        %parallel_loop3A_552 = arith.select %parallel_loop3A_550, %parallel_loop3A_551, %parallel_loop3A_548 : i32
        %parallel_loop3A_553 = vector.broadcast %parallel_loop3A_552 : i32 to vector<16xi32>
        %parallel_loop3A_554 = arith.remsi %parallel_loop3A_516, %parallel_loop3A_553 : vector<16xi32>
        %parallel_loop3A_555 = arith.constant 0 : i32
        %parallel_loop3A_556 = vector.broadcast %parallel_loop3A_555 : i32 to vector<16xi32>
        %parallel_loop3A_557 = arith.cmpi ne, %parallel_loop3A_554, %parallel_loop3A_556 : vector<16xi32>
        %parallel_loop3A_558 = arith.constant 0 : i32
        %parallel_loop3A_559 = vector.broadcast %parallel_loop3A_558 : i32 to vector<16xi32>
        %parallel_loop3A_560 = arith.cmpi slt, %parallel_loop3A_554, %parallel_loop3A_559 : vector<16xi32>
        %parallel_loop3A_561 = arith.constant 0 : i32
        %parallel_loop3A_562 = arith.cmpi slt, %parallel_loop3A_552, %parallel_loop3A_561 : i32
        %parallel_loop3A_563 = vector.broadcast %parallel_loop3A_562 : i1 to vector<16xi1>
        %parallel_loop3A_564 = vector.broadcast %parallel_loop3A_563 : vector<16xi1> to vector<16xi1>
        %parallel_loop3A_565 = arith.xori %parallel_loop3A_560, %parallel_loop3A_564 : vector<16xi1>
        %parallel_loop3A_566 = arith.andi %parallel_loop3A_565, %parallel_loop3A_557 : vector<16xi1>
        %parallel_loop3A_567 = vector.broadcast %parallel_loop3A_552 : i32 to vector<16xi32>
        %parallel_loop3A_568 = arith.addi %parallel_loop3A_554, %parallel_loop3A_567 : vector<16xi32>
        %parallel_loop3A_569 = arith.select %parallel_loop3A_566, %parallel_loop3A_568, %parallel_loop3A_554 : vector<16xi1>, vector<16xi32>
        %parallel_loop3A_570 = arith.constant 8.000000e+00 : f32
        %parallel_loop3A_571 = vector.broadcast %parallel_loop3A_570 : f32 to vector<16xf32>
        %parallel_loop3A_572 = arith.mulf %parallel_loop3A_513, %parallel_loop3A_571 : vector<16xf32>
        tpu.vector_store_idx %arg11[%parallel_loop3A_547, %parallel_loop3A_569, %parallel_loop3A_448], %parallel_loop3A_572 : memref<8x8x128xf32, #tpu.memory_space<vmem>>[vector<16xi32>, vector<16xi32>, vector<16xi32>], vector<16xf32>,
        %parallel_loop3A_573 = arith.index_cast %parallel_loop3A_443 : i32 to index
        %parallel_loop3A_574 = arith.constant 32 : index
        %parallel_loop3A_575 = tpu.vector_load %arg7[%parallel_loop3A_573, %parallel_loop3A_574] {strides = array<i32>} : memref<128x64xf32, #tpu.memory_space<vmem>>, vector<16xf32>,
        %parallel_loop3A_576 = arith.constant 32 : i32
        %parallel_loop3A_577 = vector.broadcast %parallel_loop3A_576 : i32 to vector<16xi32>
        %parallel_loop3A_578 = arith.addi %parallel_loop3A_577, %iota3A : vector<16xi32>
        %parallel_loop3A_579 = arith.constant 8 : i32
        %parallel_loop3A_580 = vector.broadcast %parallel_loop3A_579 : i32 to vector<16xi32>
        %parallel_loop3A_581 = arith.divsi %parallel_loop3A_578, %parallel_loop3A_580 : vector<16xi32>
        %parallel_loop3A_582 = arith.constant 0 : i32
        %parallel_loop3A_583 = vector.broadcast %parallel_loop3A_582 : i32 to vector<16xi32>
        %parallel_loop3A_584 = arith.cmpi sgt, %parallel_loop3A_578, %parallel_loop3A_583 : vector<16xi32>
        %parallel_loop3A_585 = arith.extui %parallel_loop3A_584 : vector<16xi1> to vector<16xi32>
        %parallel_loop3A_586 = arith.constant 0 : i32
        %parallel_loop3A_587 = vector.broadcast %parallel_loop3A_586 : i32 to vector<16xi32>
        %parallel_loop3A_588 = arith.cmpi slt, %parallel_loop3A_578, %parallel_loop3A_587 : vector<16xi32>
        %parallel_loop3A_589 = arith.extui %parallel_loop3A_588 : vector<16xi1> to vector<16xi32>
        %parallel_loop3A_590 = arith.subi %parallel_loop3A_585, %parallel_loop3A_589 : vector<16xi32>
        %parallel_loop3A_591 = arith.constant 0 : i32
        %parallel_loop3A_592 = arith.cmpi sgt, %parallel_loop3A_579, %parallel_loop3A_591 : i32
        %parallel_loop3A_593 = arith.extui %parallel_loop3A_592 : i1 to i32
        %parallel_loop3A_594 = arith.constant 0 : i32
        %parallel_loop3A_595 = arith.cmpi slt, %parallel_loop3A_579, %parallel_loop3A_594 : i32
        %parallel_loop3A_596 = arith.extui %parallel_loop3A_595 : i1 to i32
        %parallel_loop3A_597 = arith.subi %parallel_loop3A_593, %parallel_loop3A_596 : i32
        %parallel_loop3A_598 = vector.broadcast %parallel_loop3A_597 : i32 to vector<16xi32>
        %parallel_loop3A_599 = arith.cmpi ne, %parallel_loop3A_590, %parallel_loop3A_598 : vector<16xi32>
        %parallel_loop3A_600 = vector.broadcast %parallel_loop3A_579 : i32 to vector<16xi32>
        %parallel_loop3A_601 = arith.remsi %parallel_loop3A_578, %parallel_loop3A_600 : vector<16xi32>
        %parallel_loop3A_602 = arith.constant 0 : i32
        %parallel_loop3A_603 = vector.broadcast %parallel_loop3A_602 : i32 to vector<16xi32>
        %parallel_loop3A_604 = arith.cmpi ne, %parallel_loop3A_601, %parallel_loop3A_603 : vector<16xi32>
        %parallel_loop3A_605 = arith.andi %parallel_loop3A_599, %parallel_loop3A_604 : vector<16xi1>
        %parallel_loop3A_606 = arith.constant 1 : i32
        %parallel_loop3A_607 = vector.broadcast %parallel_loop3A_606 : i32 to vector<16xi32>
        %parallel_loop3A_608 = arith.subi %parallel_loop3A_581, %parallel_loop3A_607 : vector<16xi32>
        %parallel_loop3A_609 = arith.select %parallel_loop3A_605, %parallel_loop3A_608, %parallel_loop3A_581 : vector<16xi1>, vector<16xi32>
        %parallel_loop3A_610 = arith.constant 8 : i32
        %parallel_loop3A_611 = arith.constant 0 : i32
        %parallel_loop3A_612 = arith.cmpi eq, %parallel_loop3A_610, %parallel_loop3A_611 : i32
        %parallel_loop3A_613 = arith.constant 1 : i32
        %parallel_loop3A_614 = arith.select %parallel_loop3A_612, %parallel_loop3A_613, %parallel_loop3A_610 : i32
        %parallel_loop3A_615 = vector.broadcast %parallel_loop3A_614 : i32 to vector<16xi32>
        %parallel_loop3A_616 = arith.remsi %parallel_loop3A_578, %parallel_loop3A_615 : vector<16xi32>
        %parallel_loop3A_617 = arith.constant 0 : i32
        %parallel_loop3A_618 = vector.broadcast %parallel_loop3A_617 : i32 to vector<16xi32>
        %parallel_loop3A_619 = arith.cmpi ne, %parallel_loop3A_616, %parallel_loop3A_618 : vector<16xi32>
        %parallel_loop3A_620 = arith.constant 0 : i32
        %parallel_loop3A_621 = vector.broadcast %parallel_loop3A_620 : i32 to vector<16xi32>
        %parallel_loop3A_622 = arith.cmpi slt, %parallel_loop3A_616, %parallel_loop3A_621 : vector<16xi32>
        %parallel_loop3A_623 = arith.constant 0 : i32
        %parallel_loop3A_624 = arith.cmpi slt, %parallel_loop3A_614, %parallel_loop3A_623 : i32
        %parallel_loop3A_625 = vector.broadcast %parallel_loop3A_624 : i1 to vector<16xi1>
        %parallel_loop3A_626 = vector.broadcast %parallel_loop3A_625 : vector<16xi1> to vector<16xi1>
        %parallel_loop3A_627 = arith.xori %parallel_loop3A_622, %parallel_loop3A_626 : vector<16xi1>
        %parallel_loop3A_628 = arith.andi %parallel_loop3A_627, %parallel_loop3A_619 : vector<16xi1>
        %parallel_loop3A_629 = vector.broadcast %parallel_loop3A_614 : i32 to vector<16xi32>
        %parallel_loop3A_630 = arith.addi %parallel_loop3A_616, %parallel_loop3A_629 : vector<16xi32>
        %parallel_loop3A_631 = arith.select %parallel_loop3A_628, %parallel_loop3A_630, %parallel_loop3A_616 : vector<16xi1>, vector<16xi32>
        %parallel_loop3A_632 = arith.constant 8.000000e+00 : f32
        %parallel_loop3A_633 = vector.broadcast %parallel_loop3A_632 : f32 to vector<16xf32>
        %parallel_loop3A_634 = arith.mulf %parallel_loop3A_575, %parallel_loop3A_633 : vector<16xf32>
        tpu.vector_store_idx %arg11[%parallel_loop3A_609, %parallel_loop3A_631, %parallel_loop3A_448], %parallel_loop3A_634 : memref<8x8x128xf32, #tpu.memory_space<vmem>>[vector<16xi32>, vector<16xi32>, vector<16xi32>], vector<16xf32>,
        %parallel_loop3A_635 = arith.index_cast %parallel_loop3A_443 : i32 to index
        %parallel_loop3A_636 = arith.constant 48 : index
        %parallel_loop3A_637 = tpu.vector_load %arg7[%parallel_loop3A_635, %parallel_loop3A_636] {strides = array<i32>} : memref<128x64xf32, #tpu.memory_space<vmem>>, vector<16xf32>,
        %parallel_loop3A_638 = arith.constant 48 : i32
        %parallel_loop3A_639 = vector.broadcast %parallel_loop3A_638 : i32 to vector<16xi32>
        %parallel_loop3A_640 = arith.addi %parallel_loop3A_639, %iota3A : vector<16xi32>
        %parallel_loop3A_641 = arith.constant 8 : i32
        %parallel_loop3A_642 = vector.broadcast %parallel_loop3A_641 : i32 to vector<16xi32>
        %parallel_loop3A_643 = arith.divsi %parallel_loop3A_640, %parallel_loop3A_642 : vector<16xi32>
        %parallel_loop3A_644 = arith.constant 0 : i32
        %parallel_loop3A_645 = vector.broadcast %parallel_loop3A_644 : i32 to vector<16xi32>
        %parallel_loop3A_646 = arith.cmpi sgt, %parallel_loop3A_640, %parallel_loop3A_645 : vector<16xi32>
        %parallel_loop3A_647 = arith.extui %parallel_loop3A_646 : vector<16xi1> to vector<16xi32>
        %parallel_loop3A_648 = arith.constant 0 : i32
        %parallel_loop3A_649 = vector.broadcast %parallel_loop3A_648 : i32 to vector<16xi32>
        %parallel_loop3A_650 = arith.cmpi slt, %parallel_loop3A_640, %parallel_loop3A_649 : vector<16xi32>
        %parallel_loop3A_651 = arith.extui %parallel_loop3A_650 : vector<16xi1> to vector<16xi32>
        %parallel_loop3A_652 = arith.subi %parallel_loop3A_647, %parallel_loop3A_651 : vector<16xi32>
        %parallel_loop3A_653 = arith.constant 0 : i32
        %parallel_loop3A_654 = arith.cmpi sgt, %parallel_loop3A_641, %parallel_loop3A_653 : i32
        %parallel_loop3A_655 = arith.extui %parallel_loop3A_654 : i1 to i32
        %parallel_loop3A_656 = arith.constant 0 : i32
        %parallel_loop3A_657 = arith.cmpi slt, %parallel_loop3A_641, %parallel_loop3A_656 : i32
        %parallel_loop3A_658 = arith.extui %parallel_loop3A_657 : i1 to i32
        %parallel_loop3A_659 = arith.subi %parallel_loop3A_655, %parallel_loop3A_658 : i32
        %parallel_loop3A_660 = vector.broadcast %parallel_loop3A_659 : i32 to vector<16xi32>
        %parallel_loop3A_661 = arith.cmpi ne, %parallel_loop3A_652, %parallel_loop3A_660 : vector<16xi32>
        %parallel_loop3A_662 = vector.broadcast %parallel_loop3A_641 : i32 to vector<16xi32>
        %parallel_loop3A_663 = arith.remsi %parallel_loop3A_640, %parallel_loop3A_662 : vector<16xi32>
        %parallel_loop3A_664 = arith.constant 0 : i32
        %parallel_loop3A_665 = vector.broadcast %parallel_loop3A_664 : i32 to vector<16xi32>
        %parallel_loop3A_666 = arith.cmpi ne, %parallel_loop3A_663, %parallel_loop3A_665 : vector<16xi32>
        %parallel_loop3A_667 = arith.andi %parallel_loop3A_661, %parallel_loop3A_666 : vector<16xi1>
        %parallel_loop3A_668 = arith.constant 1 : i32
        %parallel_loop3A_669 = vector.broadcast %parallel_loop3A_668 : i32 to vector<16xi32>
        %parallel_loop3A_670 = arith.subi %parallel_loop3A_643, %parallel_loop3A_669 : vector<16xi32>
        %parallel_loop3A_671 = arith.select %parallel_loop3A_667, %parallel_loop3A_670, %parallel_loop3A_643 : vector<16xi1>, vector<16xi32>
        %parallel_loop3A_672 = arith.constant 8 : i32
        %parallel_loop3A_673 = arith.constant 0 : i32
        %parallel_loop3A_674 = arith.cmpi eq, %parallel_loop3A_672, %parallel_loop3A_673 : i32
        %parallel_loop3A_675 = arith.constant 1 : i32
        %parallel_loop3A_676 = arith.select %parallel_loop3A_674, %parallel_loop3A_675, %parallel_loop3A_672 : i32
        %parallel_loop3A_677 = vector.broadcast %parallel_loop3A_676 : i32 to vector<16xi32>
        %parallel_loop3A_678 = arith.remsi %parallel_loop3A_640, %parallel_loop3A_677 : vector<16xi32>
        %parallel_loop3A_679 = arith.constant 0 : i32
        %parallel_loop3A_680 = vector.broadcast %parallel_loop3A_679 : i32 to vector<16xi32>
        %parallel_loop3A_681 = arith.cmpi ne, %parallel_loop3A_678, %parallel_loop3A_680 : vector<16xi32>
        %parallel_loop3A_682 = arith.constant 0 : i32
        %parallel_loop3A_683 = vector.broadcast %parallel_loop3A_682 : i32 to vector<16xi32>
        %parallel_loop3A_684 = arith.cmpi slt, %parallel_loop3A_678, %parallel_loop3A_683 : vector<16xi32>
        %parallel_loop3A_685 = arith.constant 0 : i32
        %parallel_loop3A_686 = arith.cmpi slt, %parallel_loop3A_676, %parallel_loop3A_685 : i32
        %parallel_loop3A_687 = vector.broadcast %parallel_loop3A_686 : i1 to vector<16xi1>
        %parallel_loop3A_688 = vector.broadcast %parallel_loop3A_687 : vector<16xi1> to vector<16xi1>
        %parallel_loop3A_689 = arith.xori %parallel_loop3A_684, %parallel_loop3A_688 : vector<16xi1>
        %parallel_loop3A_690 = arith.andi %parallel_loop3A_689, %parallel_loop3A_681 : vector<16xi1>
        %parallel_loop3A_691 = vector.broadcast %parallel_loop3A_676 : i32 to vector<16xi32>
        %parallel_loop3A_692 = arith.addi %parallel_loop3A_678, %parallel_loop3A_691 : vector<16xi32>
        %parallel_loop3A_693 = arith.select %parallel_loop3A_690, %parallel_loop3A_692, %parallel_loop3A_678 : vector<16xi1>, vector<16xi32>
        %parallel_loop3A_694 = arith.constant 8.000000e+00 : f32
        %parallel_loop3A_695 = vector.broadcast %parallel_loop3A_694 : f32 to vector<16xf32>
        %parallel_loop3A_696 = arith.mulf %parallel_loop3A_637, %parallel_loop3A_695 : vector<16xf32>
        tpu.vector_store_idx %arg11[%parallel_loop3A_671, %parallel_loop3A_693, %parallel_loop3A_448], %parallel_loop3A_696 : memref<8x8x128xf32, #tpu.memory_space<vmem>>[vector<16xi32>, vector<16xi32>, vector<16xi32>], vector<16xf32>,
      } {sc.loop_unroll_factor = 4 : i64, sc.parallel_access}
      %mul3A_189 = arith.constant 4 : i32
      %mul3A_190 = arith.muli %add3A, %mul3A_189 : i32
      %add3A_191 = arith.constant 0 : i32
      %add3A_192 = arith.addi %mul3A_190, %add3A_191 : i32
      %dma_start3A_193 = arith.constant 0 : i32
      %dma_start3A_194 = arith.constant 0 : i32
      %dma_start3A_195 = arith.constant 0 : i32
      %dma_start3A_196 = tpu.memref_slice %arg4[%add3A_88, %dma_start3A_193, %add3A_192, %dma_start3A_194, %dma_start3A_195] : memref<50x8x128x8x128xf32, #tpu.memory_space<hbm>> -> memref<1x8x1x8x128xf32, #tpu.memory_space<hbm>>
      %dma_start3A_197 = tpu.memref_squeeze %dma_start3A_196 : memref<1x8x1x8x128xf32, #tpu.memory_space<hbm>> -> memref<8x8x128xf32, #tpu.memory_space<hbm>>
      %dma_start3A_198 = arith.constant 0 : i32
      %dma_start3A_199 = arith.constant 0 : i32
      %dma_start3A_200 = arith.constant 0 : i32
      %dma_start3A_201 = tpu.memref_slice %arg4[%add3A_88, %dma_start3A_198, %add3A_192, %dma_start3A_199, %dma_start3A_200] : memref<50x8x128x8x128xf32, #tpu.memory_space<hbm>> -> memref<1x8x1x8x128xf32, #tpu.memory_space<hbm>>
      %dma_start3A_202 = tpu.memref_squeeze %dma_start3A_201 : memref<1x8x1x8x128xf32, #tpu.memory_space<hbm>> -> memref<8x8x128xf32, #tpu.memory_space<hbm>>
      tpu.enqueue_dma source(%arg11 : memref<8x8x128xf32, #tpu.memory_space<vmem>>) target(%dma_start3A_202 : memref<8x8x128xf32, #tpu.memory_space<hbm>>) target_semaphore(%arg19 : memref<!tpu.dma_semaphore, #tpu.memory_space<semaphore_mem>>)
      %mul3A_203 = arith.constant 4 : i32
      %mul3A_204 = arith.muli %add3A_88, %mul3A_203 : i32
      %add3A_205 = arith.constant 1 : i32
      %add3A_206 = arith.addi %mul3A_204, %add3A_205 : i32
      %jit3A_207 = arith.constant 4 : i32
      %div3A_208 = arith.divsi %add3A_206, %jit3A_207 : i32
      %sign3A_209 = arith.constant 0 : i32
      %sign3A_210 = arith.cmpi sgt, %add3A_206, %sign3A_209 : i32
      %sign3A_211 = arith.extui %sign3A_210 : i1 to i32
      %sign3A_212 = arith.constant 0 : i32
      %sign3A_213 = arith.cmpi slt, %add3A_206, %sign3A_212 : i32
      %sign3A_214 = arith.extui %sign3A_213 : i1 to i32
      %sign3A_215 = arith.subi %sign3A_211, %sign3A_214 : i32
      %sign3A_216 = arith.constant 0 : i32
      %sign3A_217 = arith.cmpi sgt, %jit3A_207, %sign3A_216 : i32
      %sign3A_218 = arith.extui %sign3A_217 : i1 to i32
      %sign3A_219 = arith.constant 0 : i32
      %sign3A_220 = arith.cmpi slt, %jit3A_207, %sign3A_219 : i32
      %sign3A_221 = arith.extui %sign3A_220 : i1 to i32
      %sign3A_222 = arith.subi %sign3A_218, %sign3A_221 : i32
      %ne3A_223 = arith.cmpi ne, %sign3A_215, %sign3A_222 : i32
      %rem3A_224 = arith.remsi %add3A_206, %jit3A_207 : i32
      %ne3A_225 = arith.constant 0 : i32
      %ne3A_226 = arith.cmpi ne, %rem3A_224, %ne3A_225 : i32
      %and3A_227 = arith.andi %ne3A_223, %ne3A_226 : i1
      %sub3A_228 = arith.constant 1 : i32
      %sub3A_229 = arith.subi %div3A_208, %sub3A_228 : i32
      %select_n3A_230 = arith.select %and3A_227, %sub3A_229, %div3A_208 : i32
      %mul3A_231 = arith.constant 512 : i32
      %mul3A_232 = arith.muli %select_n3A_230, %mul3A_231 : i32
      %jit3A_233 = arith.constant 4 : i32
      %eq3A_234 = arith.constant 0 : i32
      %eq3A_235 = arith.cmpi eq, %jit3A_233, %eq3A_234 : i32
      %jit3A_236 = arith.constant 1 : i32
      %select_n3A_237 = arith.select %eq3A_235, %jit3A_236, %jit3A_233 : i32
      %rem3A_238 = arith.remsi %add3A_206, %select_n3A_237 : i32
      %ne3A_239 = arith.constant 0 : i32
      %ne3A_240 = arith.cmpi ne, %rem3A_238, %ne3A_239 : i32
      %lt3A_241 = arith.constant 0 : i32
      %lt3A_242 = arith.cmpi slt, %rem3A_238, %lt3A_241 : i32
      %lt3A_243 = arith.constant 0 : i32
      %lt3A_244 = arith.cmpi slt, %select_n3A_237, %lt3A_243 : i32
      %ne3A_245 = arith.xori %lt3A_242, %lt3A_244 : i1
      %and3A_246 = arith.andi %ne3A_245, %ne3A_240 : i1
      %add3A_247 = arith.addi %rem3A_238, %select_n3A_237 : i32
      %select_n3A_248 = arith.select %and3A_246, %add3A_247, %rem3A_238 : i32
      %mul3A_249 = arith.constant 128 : i32
      %mul3A_250 = arith.muli %select_n3A_248, %mul3A_249 : i32
      %add3A_251 = arith.addi %mul3A_232, %mul3A_250 : i32
      %dma_wait3A_252 = tpu.memref_slice %arg6[%add3A_251] : memref<25600xi32, #tpu.memory_space<vmem>> -> memref<128xi32, #tpu.memory_space<vmem>>
      %dma_wait3A_253 = arith.constant 0 : i32
      %dma_wait3A_254 = arith.constant 0 : i32
      %dma_wait3A_255 = tpu.memref_slice %arg3[%dma_wait3A_253, %dma_wait3A_254] : memref<1000000x64xf32, #tpu.memory_space<hbm>> -> memref<1000000x64xf32, #tpu.memory_space<hbm>>
      tpu.wait_indirect_dma semaphore(%arg16 : memref<!tpu.dma_semaphore, #tpu.memory_space<semaphore_mem>>) src(%dma_wait3A_255 : memref<1000000x64xf32, #tpu.memory_space<hbm>>) dst(%arg8 : memref<128x64xf32, #tpu.memory_space<vmem>>)
      %lt3A_256 = arith.constant 49 : i32
      %lt3A_257 = arith.cmpi slt, %add3A_88, %lt3A_256 : i32
      %convert_element_type3A_258 = arith.extui %lt3A_257 : i1 to i32
      %cond3A_259 = arith.constant 0 : i32
      %cond3A_260 = arith.cmpi ne, %convert_element_type3A_258, %cond3A_259 : i32
      scf.if %cond3A_260 {
        %add3A_443 = arith.constant 3 : i32
        %add3A_444 = arith.addi %add3A_206, %add3A_443 : i32
        %jit3A_445 = arith.constant 4 : i32
        %div3A_446 = arith.divsi %add3A_444, %jit3A_445 : i32
        %sign3A_447 = arith.constant 0 : i32
        %sign3A_448 = arith.cmpi sgt, %add3A_444, %sign3A_447 : i32
        %sign3A_449 = arith.extui %sign3A_448 : i1 to i32
        %sign3A_450 = arith.constant 0 : i32
        %sign3A_451 = arith.cmpi slt, %add3A_444, %sign3A_450 : i32
        %sign3A_452 = arith.extui %sign3A_451 : i1 to i32
        %sign3A_453 = arith.subi %sign3A_449, %sign3A_452 : i32
        %sign3A_454 = arith.constant 0 : i32
        %sign3A_455 = arith.cmpi sgt, %jit3A_445, %sign3A_454 : i32
        %sign3A_456 = arith.extui %sign3A_455 : i1 to i32
        %sign3A_457 = arith.constant 0 : i32
        %sign3A_458 = arith.cmpi slt, %jit3A_445, %sign3A_457 : i32
        %sign3A_459 = arith.extui %sign3A_458 : i1 to i32
        %sign3A_460 = arith.subi %sign3A_456, %sign3A_459 : i32
        %ne3A_461 = arith.cmpi ne, %sign3A_453, %sign3A_460 : i32
        %rem3A_462 = arith.remsi %add3A_444, %jit3A_445 : i32
        %ne3A_463 = arith.constant 0 : i32
        %ne3A_464 = arith.cmpi ne, %rem3A_462, %ne3A_463 : i32
        %and3A_465 = arith.andi %ne3A_461, %ne3A_464 : i1
        %sub3A_466 = arith.constant 1 : i32
        %sub3A_467 = arith.subi %div3A_446, %sub3A_466 : i32
        %select_n3A_468 = arith.select %and3A_465, %sub3A_467, %div3A_446 : i32
        %mul3A_469 = arith.constant 512 : i32
        %mul3A_470 = arith.muli %select_n3A_468, %mul3A_469 : i32
        %jit3A_471 = arith.constant 4 : i32
        %eq3A_472 = arith.constant 0 : i32
        %eq3A_473 = arith.cmpi eq, %jit3A_471, %eq3A_472 : i32
        %jit3A_474 = arith.constant 1 : i32
        %select_n3A_475 = arith.select %eq3A_473, %jit3A_474, %jit3A_471 : i32
        %rem3A_476 = arith.remsi %add3A_444, %select_n3A_475 : i32
        %ne3A_477 = arith.constant 0 : i32
        %ne3A_478 = arith.cmpi ne, %rem3A_476, %ne3A_477 : i32
        %lt3A_479 = arith.constant 0 : i32
        %lt3A_480 = arith.cmpi slt, %rem3A_476, %lt3A_479 : i32
        %lt3A_481 = arith.constant 0 : i32
        %lt3A_482 = arith.cmpi slt, %select_n3A_475, %lt3A_481 : i32
        %ne3A_483 = arith.xori %lt3A_480, %lt3A_482 : i1
        %and3A_484 = arith.andi %ne3A_483, %ne3A_478 : i1
        %add3A_485 = arith.addi %rem3A_476, %select_n3A_475 : i32
        %select_n3A_486 = arith.select %and3A_484, %add3A_485, %rem3A_476 : i32
        %mul3A_487 = arith.constant 128 : i32
        %mul3A_488 = arith.muli %select_n3A_486, %mul3A_487 : i32
        %add3A_489 = arith.addi %mul3A_470, %mul3A_488 : i32
        %dma_start3A_490 = tpu.memref_slice %arg6[%add3A_489] : memref<25600xi32, #tpu.memory_space<vmem>> -> memref<128xi32, #tpu.memory_space<vmem>>
        %dma_start3A_491 = arith.constant 0 : i32
        %dma_start3A_492 = arith.constant 0 : i32
        %dma_start3A_493 = tpu.memref_slice %arg3[%dma_start3A_491, %dma_start3A_492] : memref<1000000x64xf32, #tpu.memory_space<hbm>> -> memref<1000000x64xf32, #tpu.memory_space<hbm>>
        tpu.enqueue_indirect_dma source(%dma_start3A_493 : memref<1000000x64xf32, #tpu.memory_space<hbm>>) target(%arg7 : memref<128x64xf32, #tpu.memory_space<vmem>>) offsets(%dma_start3A_490 : memref<128xi32, #tpu.memory_space<vmem>>) semaphore(%arg15 : memref<!tpu.dma_semaphore, #tpu.memory_space<semaphore_mem>>)
      } else {
      }
      %ge3A_261 = arith.constant 1 : i32
      %ge3A_262 = arith.cmpi sge, %add3A_88, %ge3A_261 : i32
      %convert_element_type3A_263 = arith.extui %ge3A_262 : i1 to i32
      %cond3A_264 = arith.constant 0 : i32
      %cond3A_265 = arith.cmpi ne, %convert_element_type3A_263, %cond3A_264 : i32
      scf.if %cond3A_265 {
        %sub3A_443 = arith.constant 1 : i32
        %sub3A_444 = arith.subi %add3A_88, %sub3A_443 : i32
        %mul3A_445 = arith.constant 4 : i32
        %mul3A_446 = arith.muli %add3A, %mul3A_445 : i32
        %add3A_447 = arith.constant 1 : i32
        %add3A_448 = arith.addi %mul3A_446, %add3A_447 : i32
        %dma_wait3A_449 = arith.constant 0 : i32
        %dma_wait3A_450 = arith.constant 0 : i32
        %dma_wait3A_451 = arith.constant 0 : i32
        %dma_wait3A_452 = tpu.memref_slice %arg4[%sub3A_444, %dma_wait3A_449, %add3A_448, %dma_wait3A_450, %dma_wait3A_451] : memref<50x8x128x8x128xf32, #tpu.memory_space<hbm>> -> memref<1x8x1x8x128xf32, #tpu.memory_space<hbm>>
        %dma_wait3A_453 = tpu.memref_squeeze %dma_wait3A_452 : memref<1x8x1x8x128xf32, #tpu.memory_space<hbm>> -> memref<8x8x128xf32, #tpu.memory_space<hbm>>
        %dma_wait3A_454 = arith.constant 0 : i32
        %dma_wait3A_455 = arith.constant 0 : i32
        %dma_wait3A_456 = arith.constant 0 : i32
        %dma_wait3A_457 = tpu.memref_slice %arg4[%sub3A_444, %dma_wait3A_454, %add3A_448, %dma_wait3A_455, %dma_wait3A_456] : memref<50x8x128x8x128xf32, #tpu.memory_space<hbm>> -> memref<1x8x1x8x128xf32, #tpu.memory_space<hbm>>
        %dma_wait3A_458 = tpu.memref_squeeze %dma_wait3A_457 : memref<1x8x1x8x128xf32, #tpu.memory_space<hbm>> -> memref<8x8x128xf32, #tpu.memory_space<hbm>>
        tpu.wait_dma2 semaphore(%arg20 : memref<!tpu.dma_semaphore, #tpu.memory_space<semaphore_mem>>) src(%arg12 : memref<8x8x128xf32, #tpu.memory_space<vmem>>) dst(%dma_wait3A_458 : memref<8x8x128xf32, #tpu.memory_space<hbm>>)
      } else {
      }
      %parallel_loop3A_266 = arith.constant 0 : i32
      %parallel_loop3A_267 = arith.constant 128 : i32
      %parallel_loop3A_268 = arith.constant 1 : i32
      scf.for %parallel_loop3A_443 = %parallel_loop3A_266 to %parallel_loop3A_267 step %parallel_loop3A_268  : i32 {
        %parallel_loop3A_444 = arith.constant 0 : i32
        %parallel_loop3A_445 = vector.broadcast %parallel_loop3A_444 : i32 to vector<16xi32>
        %parallel_loop3A_446 = arith.muli %iota3A, %parallel_loop3A_445 : vector<16xi32>
        %parallel_loop3A_447 = vector.broadcast %parallel_loop3A_443 : i32 to vector<16xi32>
        %parallel_loop3A_448 = arith.addi %parallel_loop3A_446, %parallel_loop3A_447 : vector<16xi32>
        %parallel_loop3A_449 = arith.index_cast %parallel_loop3A_443 : i32 to index
        %parallel_loop3A_450 = arith.constant 0 : index
        %parallel_loop3A_451 = tpu.vector_load %arg8[%parallel_loop3A_449, %parallel_loop3A_450] {strides = array<i32>} : memref<128x64xf32, #tpu.memory_space<vmem>>, vector<16xf32>,
        %parallel_loop3A_452 = arith.constant 0 : i32
        %parallel_loop3A_453 = vector.broadcast %parallel_loop3A_452 : i32 to vector<16xi32>
        %parallel_loop3A_454 = arith.addi %parallel_loop3A_453, %iota3A : vector<16xi32>
        %parallel_loop3A_455 = arith.constant 8 : i32
        %parallel_loop3A_456 = vector.broadcast %parallel_loop3A_455 : i32 to vector<16xi32>
        %parallel_loop3A_457 = arith.divsi %parallel_loop3A_454, %parallel_loop3A_456 : vector<16xi32>
        %parallel_loop3A_458 = arith.constant 0 : i32
        %parallel_loop3A_459 = vector.broadcast %parallel_loop3A_458 : i32 to vector<16xi32>
        %parallel_loop3A_460 = arith.cmpi sgt, %parallel_loop3A_454, %parallel_loop3A_459 : vector<16xi32>
        %parallel_loop3A_461 = arith.extui %parallel_loop3A_460 : vector<16xi1> to vector<16xi32>
        %parallel_loop3A_462 = arith.constant 0 : i32
        %parallel_loop3A_463 = vector.broadcast %parallel_loop3A_462 : i32 to vector<16xi32>
        %parallel_loop3A_464 = arith.cmpi slt, %parallel_loop3A_454, %parallel_loop3A_463 : vector<16xi32>
        %parallel_loop3A_465 = arith.extui %parallel_loop3A_464 : vector<16xi1> to vector<16xi32>
        %parallel_loop3A_466 = arith.subi %parallel_loop3A_461, %parallel_loop3A_465 : vector<16xi32>
        %parallel_loop3A_467 = arith.constant 0 : i32
        %parallel_loop3A_468 = arith.cmpi sgt, %parallel_loop3A_455, %parallel_loop3A_467 : i32
        %parallel_loop3A_469 = arith.extui %parallel_loop3A_468 : i1 to i32
        %parallel_loop3A_470 = arith.constant 0 : i32
        %parallel_loop3A_471 = arith.cmpi slt, %parallel_loop3A_455, %parallel_loop3A_470 : i32
        %parallel_loop3A_472 = arith.extui %parallel_loop3A_471 : i1 to i32
        %parallel_loop3A_473 = arith.subi %parallel_loop3A_469, %parallel_loop3A_472 : i32
        %parallel_loop3A_474 = vector.broadcast %parallel_loop3A_473 : i32 to vector<16xi32>
        %parallel_loop3A_475 = arith.cmpi ne, %parallel_loop3A_466, %parallel_loop3A_474 : vector<16xi32>
        %parallel_loop3A_476 = vector.broadcast %parallel_loop3A_455 : i32 to vector<16xi32>
        %parallel_loop3A_477 = arith.remsi %parallel_loop3A_454, %parallel_loop3A_476 : vector<16xi32>
        %parallel_loop3A_478 = arith.constant 0 : i32
        %parallel_loop3A_479 = vector.broadcast %parallel_loop3A_478 : i32 to vector<16xi32>
        %parallel_loop3A_480 = arith.cmpi ne, %parallel_loop3A_477, %parallel_loop3A_479 : vector<16xi32>
        %parallel_loop3A_481 = arith.andi %parallel_loop3A_475, %parallel_loop3A_480 : vector<16xi1>
        %parallel_loop3A_482 = arith.constant 1 : i32
        %parallel_loop3A_483 = vector.broadcast %parallel_loop3A_482 : i32 to vector<16xi32>
        %parallel_loop3A_484 = arith.subi %parallel_loop3A_457, %parallel_loop3A_483 : vector<16xi32>
        %parallel_loop3A_485 = arith.select %parallel_loop3A_481, %parallel_loop3A_484, %parallel_loop3A_457 : vector<16xi1>, vector<16xi32>
        %parallel_loop3A_486 = arith.constant 8 : i32
        %parallel_loop3A_487 = arith.constant 0 : i32
        %parallel_loop3A_488 = arith.cmpi eq, %parallel_loop3A_486, %parallel_loop3A_487 : i32
        %parallel_loop3A_489 = arith.constant 1 : i32
        %parallel_loop3A_490 = arith.select %parallel_loop3A_488, %parallel_loop3A_489, %parallel_loop3A_486 : i32
        %parallel_loop3A_491 = vector.broadcast %parallel_loop3A_490 : i32 to vector<16xi32>
        %parallel_loop3A_492 = arith.remsi %parallel_loop3A_454, %parallel_loop3A_491 : vector<16xi32>
        %parallel_loop3A_493 = arith.constant 0 : i32
        %parallel_loop3A_494 = vector.broadcast %parallel_loop3A_493 : i32 to vector<16xi32>
        %parallel_loop3A_495 = arith.cmpi ne, %parallel_loop3A_492, %parallel_loop3A_494 : vector<16xi32>
        %parallel_loop3A_496 = arith.constant 0 : i32
        %parallel_loop3A_497 = vector.broadcast %parallel_loop3A_496 : i32 to vector<16xi32>
        %parallel_loop3A_498 = arith.cmpi slt, %parallel_loop3A_492, %parallel_loop3A_497 : vector<16xi32>
        %parallel_loop3A_499 = arith.constant 0 : i32
        %parallel_loop3A_500 = arith.cmpi slt, %parallel_loop3A_490, %parallel_loop3A_499 : i32
        %parallel_loop3A_501 = vector.broadcast %parallel_loop3A_500 : i1 to vector<16xi1>
        %parallel_loop3A_502 = vector.broadcast %parallel_loop3A_501 : vector<16xi1> to vector<16xi1>
        %parallel_loop3A_503 = arith.xori %parallel_loop3A_498, %parallel_loop3A_502 : vector<16xi1>
        %parallel_loop3A_504 = arith.andi %parallel_loop3A_503, %parallel_loop3A_495 : vector<16xi1>
        %parallel_loop3A_505 = vector.broadcast %parallel_loop3A_490 : i32 to vector<16xi32>
        %parallel_loop3A_506 = arith.addi %parallel_loop3A_492, %parallel_loop3A_505 : vector<16xi32>
        %parallel_loop3A_507 = arith.select %parallel_loop3A_504, %parallel_loop3A_506, %parallel_loop3A_492 : vector<16xi1>, vector<16xi32>
        %parallel_loop3A_508 = arith.constant 8.000000e+00 : f32
        %parallel_loop3A_509 = vector.broadcast %parallel_loop3A_508 : f32 to vector<16xf32>
        %parallel_loop3A_510 = arith.mulf %parallel_loop3A_451, %parallel_loop3A_509 : vector<16xf32>
        tpu.vector_store_idx %arg12[%parallel_loop3A_485, %parallel_loop3A_507, %parallel_loop3A_448], %parallel_loop3A_510 : memref<8x8x128xf32, #tpu.memory_space<vmem>>[vector<16xi32>, vector<16xi32>, vector<16xi32>], vector<16xf32>,
        %parallel_loop3A_511 = arith.index_cast %parallel_loop3A_443 : i32 to index
        %parallel_loop3A_512 = arith.constant 16 : index
        %parallel_loop3A_513 = tpu.vector_load %arg8[%parallel_loop3A_511, %parallel_loop3A_512] {strides = array<i32>} : memref<128x64xf32, #tpu.memory_space<vmem>>, vector<16xf32>,
        %parallel_loop3A_514 = arith.constant 16 : i32
        %parallel_loop3A_515 = vector.broadcast %parallel_loop3A_514 : i32 to vector<16xi32>
        %parallel_loop3A_516 = arith.addi %parallel_loop3A_515, %iota3A : vector<16xi32>
        %parallel_loop3A_517 = arith.constant 8 : i32
        %parallel_loop3A_518 = vector.broadcast %parallel_loop3A_517 : i32 to vector<16xi32>
        %parallel_loop3A_519 = arith.divsi %parallel_loop3A_516, %parallel_loop3A_518 : vector<16xi32>
        %parallel_loop3A_520 = arith.constant 0 : i32
        %parallel_loop3A_521 = vector.broadcast %parallel_loop3A_520 : i32 to vector<16xi32>
        %parallel_loop3A_522 = arith.cmpi sgt, %parallel_loop3A_516, %parallel_loop3A_521 : vector<16xi32>
        %parallel_loop3A_523 = arith.extui %parallel_loop3A_522 : vector<16xi1> to vector<16xi32>
        %parallel_loop3A_524 = arith.constant 0 : i32
        %parallel_loop3A_525 = vector.broadcast %parallel_loop3A_524 : i32 to vector<16xi32>
        %parallel_loop3A_526 = arith.cmpi slt, %parallel_loop3A_516, %parallel_loop3A_525 : vector<16xi32>
        %parallel_loop3A_527 = arith.extui %parallel_loop3A_526 : vector<16xi1> to vector<16xi32>
        %parallel_loop3A_528 = arith.subi %parallel_loop3A_523, %parallel_loop3A_527 : vector<16xi32>
        %parallel_loop3A_529 = arith.constant 0 : i32
        %parallel_loop3A_530 = arith.cmpi sgt, %parallel_loop3A_517, %parallel_loop3A_529 : i32
        %parallel_loop3A_531 = arith.extui %parallel_loop3A_530 : i1 to i32
        %parallel_loop3A_532 = arith.constant 0 : i32
        %parallel_loop3A_533 = arith.cmpi slt, %parallel_loop3A_517, %parallel_loop3A_532 : i32
        %parallel_loop3A_534 = arith.extui %parallel_loop3A_533 : i1 to i32
        %parallel_loop3A_535 = arith.subi %parallel_loop3A_531, %parallel_loop3A_534 : i32
        %parallel_loop3A_536 = vector.broadcast %parallel_loop3A_535 : i32 to vector<16xi32>
        %parallel_loop3A_537 = arith.cmpi ne, %parallel_loop3A_528, %parallel_loop3A_536 : vector<16xi32>
        %parallel_loop3A_538 = vector.broadcast %parallel_loop3A_517 : i32 to vector<16xi32>
        %parallel_loop3A_539 = arith.remsi %parallel_loop3A_516, %parallel_loop3A_538 : vector<16xi32>
        %parallel_loop3A_540 = arith.constant 0 : i32
        %parallel_loop3A_541 = vector.broadcast %parallel_loop3A_540 : i32 to vector<16xi32>
        %parallel_loop3A_542 = arith.cmpi ne, %parallel_loop3A_539, %parallel_loop3A_541 : vector<16xi32>
        %parallel_loop3A_543 = arith.andi %parallel_loop3A_537, %parallel_loop3A_542 : vector<16xi1>
        %parallel_loop3A_544 = arith.constant 1 : i32
        %parallel_loop3A_545 = vector.broadcast %parallel_loop3A_544 : i32 to vector<16xi32>
        %parallel_loop3A_546 = arith.subi %parallel_loop3A_519, %parallel_loop3A_545 : vector<16xi32>
        %parallel_loop3A_547 = arith.select %parallel_loop3A_543, %parallel_loop3A_546, %parallel_loop3A_519 : vector<16xi1>, vector<16xi32>
        %parallel_loop3A_548 = arith.constant 8 : i32
        %parallel_loop3A_549 = arith.constant 0 : i32
        %parallel_loop3A_550 = arith.cmpi eq, %parallel_loop3A_548, %parallel_loop3A_549 : i32
        %parallel_loop3A_551 = arith.constant 1 : i32
        %parallel_loop3A_552 = arith.select %parallel_loop3A_550, %parallel_loop3A_551, %parallel_loop3A_548 : i32
        %parallel_loop3A_553 = vector.broadcast %parallel_loop3A_552 : i32 to vector<16xi32>
        %parallel_loop3A_554 = arith.remsi %parallel_loop3A_516, %parallel_loop3A_553 : vector<16xi32>
        %parallel_loop3A_555 = arith.constant 0 : i32
        %parallel_loop3A_556 = vector.broadcast %parallel_loop3A_555 : i32 to vector<16xi32>
        %parallel_loop3A_557 = arith.cmpi ne, %parallel_loop3A_554, %parallel_loop3A_556 : vector<16xi32>
        %parallel_loop3A_558 = arith.constant 0 : i32
        %parallel_loop3A_559 = vector.broadcast %parallel_loop3A_558 : i32 to vector<16xi32>
        %parallel_loop3A_560 = arith.cmpi slt, %parallel_loop3A_554, %parallel_loop3A_559 : vector<16xi32>
        %parallel_loop3A_561 = arith.constant 0 : i32
        %parallel_loop3A_562 = arith.cmpi slt, %parallel_loop3A_552, %parallel_loop3A_561 : i32
        %parallel_loop3A_563 = vector.broadcast %parallel_loop3A_562 : i1 to vector<16xi1>
        %parallel_loop3A_564 = vector.broadcast %parallel_loop3A_563 : vector<16xi1> to vector<16xi1>
        %parallel_loop3A_565 = arith.xori %parallel_loop3A_560, %parallel_loop3A_564 : vector<16xi1>
        %parallel_loop3A_566 = arith.andi %parallel_loop3A_565, %parallel_loop3A_557 : vector<16xi1>
        %parallel_loop3A_567 = vector.broadcast %parallel_loop3A_552 : i32 to vector<16xi32>
        %parallel_loop3A_568 = arith.addi %parallel_loop3A_554, %parallel_loop3A_567 : vector<16xi32>
        %parallel_loop3A_569 = arith.select %parallel_loop3A_566, %parallel_loop3A_568, %parallel_loop3A_554 : vector<16xi1>, vector<16xi32>
        %parallel_loop3A_570 = arith.constant 8.000000e+00 : f32
        %parallel_loop3A_571 = vector.broadcast %parallel_loop3A_570 : f32 to vector<16xf32>
        %parallel_loop3A_572 = arith.mulf %parallel_loop3A_513, %parallel_loop3A_571 : vector<16xf32>
        tpu.vector_store_idx %arg12[%parallel_loop3A_547, %parallel_loop3A_569, %parallel_loop3A_448], %parallel_loop3A_572 : memref<8x8x128xf32, #tpu.memory_space<vmem>>[vector<16xi32>, vector<16xi32>, vector<16xi32>], vector<16xf32>,
        %parallel_loop3A_573 = arith.index_cast %parallel_loop3A_443 : i32 to index
        %parallel_loop3A_574 = arith.constant 32 : index
        %parallel_loop3A_575 = tpu.vector_load %arg8[%parallel_loop3A_573, %parallel_loop3A_574] {strides = array<i32>} : memref<128x64xf32, #tpu.memory_space<vmem>>, vector<16xf32>,
        %parallel_loop3A_576 = arith.constant 32 : i32
        %parallel_loop3A_577 = vector.broadcast %parallel_loop3A_576 : i32 to vector<16xi32>
        %parallel_loop3A_578 = arith.addi %parallel_loop3A_577, %iota3A : vector<16xi32>
        %parallel_loop3A_579 = arith.constant 8 : i32
        %parallel_loop3A_580 = vector.broadcast %parallel_loop3A_579 : i32 to vector<16xi32>
        %parallel_loop3A_581 = arith.divsi %parallel_loop3A_578, %parallel_loop3A_580 : vector<16xi32>
        %parallel_loop3A_582 = arith.constant 0 : i32
        %parallel_loop3A_583 = vector.broadcast %parallel_loop3A_582 : i32 to vector<16xi32>
        %parallel_loop3A_584 = arith.cmpi sgt, %parallel_loop3A_578, %parallel_loop3A_583 : vector<16xi32>
        %parallel_loop3A_585 = arith.extui %parallel_loop3A_584 : vector<16xi1> to vector<16xi32>
        %parallel_loop3A_586 = arith.constant 0 : i32
        %parallel_loop3A_587 = vector.broadcast %parallel_loop3A_586 : i32 to vector<16xi32>
        %parallel_loop3A_588 = arith.cmpi slt, %parallel_loop3A_578, %parallel_loop3A_587 : vector<16xi32>
        %parallel_loop3A_589 = arith.extui %parallel_loop3A_588 : vector<16xi1> to vector<16xi32>
        %parallel_loop3A_590 = arith.subi %parallel_loop3A_585, %parallel_loop3A_589 : vector<16xi32>
        %parallel_loop3A_591 = arith.constant 0 : i32
        %parallel_loop3A_592 = arith.cmpi sgt, %parallel_loop3A_579, %parallel_loop3A_591 : i32
        %parallel_loop3A_593 = arith.extui %parallel_loop3A_592 : i1 to i32
        %parallel_loop3A_594 = arith.constant 0 : i32
        %parallel_loop3A_595 = arith.cmpi slt, %parallel_loop3A_579, %parallel_loop3A_594 : i32
        %parallel_loop3A_596 = arith.extui %parallel_loop3A_595 : i1 to i32
        %parallel_loop3A_597 = arith.subi %parallel_loop3A_593, %parallel_loop3A_596 : i32
        %parallel_loop3A_598 = vector.broadcast %parallel_loop3A_597 : i32 to vector<16xi32>
        %parallel_loop3A_599 = arith.cmpi ne, %parallel_loop3A_590, %parallel_loop3A_598 : vector<16xi32>
        %parallel_loop3A_600 = vector.broadcast %parallel_loop3A_579 : i32 to vector<16xi32>
        %parallel_loop3A_601 = arith.remsi %parallel_loop3A_578, %parallel_loop3A_600 : vector<16xi32>
        %parallel_loop3A_602 = arith.constant 0 : i32
        %parallel_loop3A_603 = vector.broadcast %parallel_loop3A_602 : i32 to vector<16xi32>
        %parallel_loop3A_604 = arith.cmpi ne, %parallel_loop3A_601, %parallel_loop3A_603 : vector<16xi32>
        %parallel_loop3A_605 = arith.andi %parallel_loop3A_599, %parallel_loop3A_604 : vector<16xi1>
        %parallel_loop3A_606 = arith.constant 1 : i32
        %parallel_loop3A_607 = vector.broadcast %parallel_loop3A_606 : i32 to vector<16xi32>
        %parallel_loop3A_608 = arith.subi %parallel_loop3A_581, %parallel_loop3A_607 : vector<16xi32>
        %parallel_loop3A_609 = arith.select %parallel_loop3A_605, %parallel_loop3A_608, %parallel_loop3A_581 : vector<16xi1>, vector<16xi32>
        %parallel_loop3A_610 = arith.constant 8 : i32
        %parallel_loop3A_611 = arith.constant 0 : i32
        %parallel_loop3A_612 = arith.cmpi eq, %parallel_loop3A_610, %parallel_loop3A_611 : i32
        %parallel_loop3A_613 = arith.constant 1 : i32
        %parallel_loop3A_614 = arith.select %parallel_loop3A_612, %parallel_loop3A_613, %parallel_loop3A_610 : i32
        %parallel_loop3A_615 = vector.broadcast %parallel_loop3A_614 : i32 to vector<16xi32>
        %parallel_loop3A_616 = arith.remsi %parallel_loop3A_578, %parallel_loop3A_615 : vector<16xi32>
        %parallel_loop3A_617 = arith.constant 0 : i32
        %parallel_loop3A_618 = vector.broadcast %parallel_loop3A_617 : i32 to vector<16xi32>
        %parallel_loop3A_619 = arith.cmpi ne, %parallel_loop3A_616, %parallel_loop3A_618 : vector<16xi32>
        %parallel_loop3A_620 = arith.constant 0 : i32
        %parallel_loop3A_621 = vector.broadcast %parallel_loop3A_620 : i32 to vector<16xi32>
        %parallel_loop3A_622 = arith.cmpi slt, %parallel_loop3A_616, %parallel_loop3A_621 : vector<16xi32>
        %parallel_loop3A_623 = arith.constant 0 : i32
        %parallel_loop3A_624 = arith.cmpi slt, %parallel_loop3A_614, %parallel_loop3A_623 : i32
        %parallel_loop3A_625 = vector.broadcast %parallel_loop3A_624 : i1 to vector<16xi1>
        %parallel_loop3A_626 = vector.broadcast %parallel_loop3A_625 : vector<16xi1> to vector<16xi1>
        %parallel_loop3A_627 = arith.xori %parallel_loop3A_622, %parallel_loop3A_626 : vector<16xi1>
        %parallel_loop3A_628 = arith.andi %parallel_loop3A_627, %parallel_loop3A_619 : vector<16xi1>
        %parallel_loop3A_629 = vector.broadcast %parallel_loop3A_614 : i32 to vector<16xi32>
        %parallel_loop3A_630 = arith.addi %parallel_loop3A_616, %parallel_loop3A_629 : vector<16xi32>
        %parallel_loop3A_631 = arith.select %parallel_loop3A_628, %parallel_loop3A_630, %parallel_loop3A_616 : vector<16xi1>, vector<16xi32>
        %parallel_loop3A_632 = arith.constant 8.000000e+00 : f32
        %parallel_loop3A_633 = vector.broadcast %parallel_loop3A_632 : f32 to vector<16xf32>
        %parallel_loop3A_634 = arith.mulf %parallel_loop3A_575, %parallel_loop3A_633 : vector<16xf32>
        tpu.vector_store_idx %arg12[%parallel_loop3A_609, %parallel_loop3A_631, %parallel_loop3A_448], %parallel_loop3A_634 : memref<8x8x128xf32, #tpu.memory_space<vmem>>[vector<16xi32>, vector<16xi32>, vector<16xi32>], vector<16xf32>,
        %parallel_loop3A_635 = arith.index_cast %parallel_loop3A_443 : i32 to index
        %parallel_loop3A_636 = arith.constant 48 : index
        %parallel_loop3A_637 = tpu.vector_load %arg8[%parallel_loop3A_635, %parallel_loop3A_636] {strides = array<i32>} : memref<128x64xf32, #tpu.memory_space<vmem>>, vector<16xf32>,
        %parallel_loop3A_638 = arith.constant 48 : i32
        %parallel_loop3A_639 = vector.broadcast %parallel_loop3A_638 : i32 to vector<16xi32>
        %parallel_loop3A_640 = arith.addi %parallel_loop3A_639, %iota3A : vector<16xi32>
        %parallel_loop3A_641 = arith.constant 8 : i32
        %parallel_loop3A_642 = vector.broadcast %parallel_loop3A_641 : i32 to vector<16xi32>
        %parallel_loop3A_643 = arith.divsi %parallel_loop3A_640, %parallel_loop3A_642 : vector<16xi32>
        %parallel_loop3A_644 = arith.constant 0 : i32
        %parallel_loop3A_645 = vector.broadcast %parallel_loop3A_644 : i32 to vector<16xi32>
        %parallel_loop3A_646 = arith.cmpi sgt, %parallel_loop3A_640, %parallel_loop3A_645 : vector<16xi32>
        %parallel_loop3A_647 = arith.extui %parallel_loop3A_646 : vector<16xi1> to vector<16xi32>
        %parallel_loop3A_648 = arith.constant 0 : i32
        %parallel_loop3A_649 = vector.broadcast %parallel_loop3A_648 : i32 to vector<16xi32>
        %parallel_loop3A_650 = arith.cmpi slt, %parallel_loop3A_640, %parallel_loop3A_649 : vector<16xi32>
        %parallel_loop3A_651 = arith.extui %parallel_loop3A_650 : vector<16xi1> to vector<16xi32>
        %parallel_loop3A_652 = arith.subi %parallel_loop3A_647, %parallel_loop3A_651 : vector<16xi32>
        %parallel_loop3A_653 = arith.constant 0 : i32
        %parallel_loop3A_654 = arith.cmpi sgt, %parallel_loop3A_641, %parallel_loop3A_653 : i32
        %parallel_loop3A_655 = arith.extui %parallel_loop3A_654 : i1 to i32
        %parallel_loop3A_656 = arith.constant 0 : i32
        %parallel_loop3A_657 = arith.cmpi slt, %parallel_loop3A_641, %parallel_loop3A_656 : i32
        %parallel_loop3A_658 = arith.extui %parallel_loop3A_657 : i1 to i32
        %parallel_loop3A_659 = arith.subi %parallel_loop3A_655, %parallel_loop3A_658 : i32
        %parallel_loop3A_660 = vector.broadcast %parallel_loop3A_659 : i32 to vector<16xi32>
        %parallel_loop3A_661 = arith.cmpi ne, %parallel_loop3A_652, %parallel_loop3A_660 : vector<16xi32>
        %parallel_loop3A_662 = vector.broadcast %parallel_loop3A_641 : i32 to vector<16xi32>
        %parallel_loop3A_663 = arith.remsi %parallel_loop3A_640, %parallel_loop3A_662 : vector<16xi32>
        %parallel_loop3A_664 = arith.constant 0 : i32
        %parallel_loop3A_665 = vector.broadcast %parallel_loop3A_664 : i32 to vector<16xi32>
        %parallel_loop3A_666 = arith.cmpi ne, %parallel_loop3A_663, %parallel_loop3A_665 : vector<16xi32>
        %parallel_loop3A_667 = arith.andi %parallel_loop3A_661, %parallel_loop3A_666 : vector<16xi1>
        %parallel_loop3A_668 = arith.constant 1 : i32
        %parallel_loop3A_669 = vector.broadcast %parallel_loop3A_668 : i32 to vector<16xi32>
        %parallel_loop3A_670 = arith.subi %parallel_loop3A_643, %parallel_loop3A_669 : vector<16xi32>
        %parallel_loop3A_671 = arith.select %parallel_loop3A_667, %parallel_loop3A_670, %parallel_loop3A_643 : vector<16xi1>, vector<16xi32>
        %parallel_loop3A_672 = arith.constant 8 : i32
        %parallel_loop3A_673 = arith.constant 0 : i32
        %parallel_loop3A_674 = arith.cmpi eq, %parallel_loop3A_672, %parallel_loop3A_673 : i32
        %parallel_loop3A_675 = arith.constant 1 : i32
        %parallel_loop3A_676 = arith.select %parallel_loop3A_674, %parallel_loop3A_675, %parallel_loop3A_672 : i32
        %parallel_loop3A_677 = vector.broadcast %parallel_loop3A_676 : i32 to vector<16xi32>
        %parallel_loop3A_678 = arith.remsi %parallel_loop3A_640, %parallel_loop3A_677 : vector<16xi32>
        %parallel_loop3A_679 = arith.constant 0 : i32
        %parallel_loop3A_680 = vector.broadcast %parallel_loop3A_679 : i32 to vector<16xi32>
        %parallel_loop3A_681 = arith.cmpi ne, %parallel_loop3A_678, %parallel_loop3A_680 : vector<16xi32>
        %parallel_loop3A_682 = arith.constant 0 : i32
        %parallel_loop3A_683 = vector.broadcast %parallel_loop3A_682 : i32 to vector<16xi32>
        %parallel_loop3A_684 = arith.cmpi slt, %parallel_loop3A_678, %parallel_loop3A_683 : vector<16xi32>
        %parallel_loop3A_685 = arith.constant 0 : i32
        %parallel_loop3A_686 = arith.cmpi slt, %parallel_loop3A_676, %parallel_loop3A_685 : i32
        %parallel_loop3A_687 = vector.broadcast %parallel_loop3A_686 : i1 to vector<16xi1>
        %parallel_loop3A_688 = vector.broadcast %parallel_loop3A_687 : vector<16xi1> to vector<16xi1>
        %parallel_loop3A_689 = arith.xori %parallel_loop3A_684, %parallel_loop3A_688 : vector<16xi1>
        %parallel_loop3A_690 = arith.andi %parallel_loop3A_689, %parallel_loop3A_681 : vector<16xi1>
        %parallel_loop3A_691 = vector.broadcast %parallel_loop3A_676 : i32 to vector<16xi32>
        %parallel_loop3A_692 = arith.addi %parallel_loop3A_678, %parallel_loop3A_691 : vector<16xi32>
        %parallel_loop3A_693 = arith.select %parallel_loop3A_690, %parallel_loop3A_692, %parallel_loop3A_678 : vector<16xi1>, vector<16xi32>
        %parallel_loop3A_694 = arith.constant 8.000000e+00 : f32
        %parallel_loop3A_695 = vector.broadcast %parallel_loop3A_694 : f32 to vector<16xf32>
        %parallel_loop3A_696 = arith.mulf %parallel_loop3A_637, %parallel_loop3A_695 : vector<16xf32>
        tpu.vector_store_idx %arg12[%parallel_loop3A_671, %parallel_loop3A_693, %parallel_loop3A_448], %parallel_loop3A_696 : memref<8x8x128xf32, #tpu.memory_space<vmem>>[vector<16xi32>, vector<16xi32>, vector<16xi32>], vector<16xf32>,
      } {sc.loop_unroll_factor = 4 : i64, sc.parallel_access}
      %mul3A_269 = arith.constant 4 : i32
      %mul3A_270 = arith.muli %add3A, %mul3A_269 : i32
      %add3A_271 = arith.constant 1 : i32
      %add3A_272 = arith.addi %mul3A_270, %add3A_271 : i32
      %dma_start3A_273 = arith.constant 0 : i32
      %dma_start3A_274 = arith.constant 0 : i32
      %dma_start3A_275 = arith.constant 0 : i32
      %dma_start3A_276 = tpu.memref_slice %arg4[%add3A_88, %dma_start3A_273, %add3A_272, %dma_start3A_274, %dma_start3A_275] : memref<50x8x128x8x128xf32, #tpu.memory_space<hbm>> -> memref<1x8x1x8x128xf32, #tpu.memory_space<hbm>>
      %dma_start3A_277 = tpu.memref_squeeze %dma_start3A_276 : memref<1x8x1x8x128xf32, #tpu.memory_space<hbm>> -> memref<8x8x128xf32, #tpu.memory_space<hbm>>
      %dma_start3A_278 = arith.constant 0 : i32
      %dma_start3A_279 = arith.constant 0 : i32
      %dma_start3A_280 = arith.constant 0 : i32
      %dma_start3A_281 = tpu.memref_slice %arg4[%add3A_88, %dma_start3A_278, %add3A_272, %dma_start3A_279, %dma_start3A_280] : memref<50x8x128x8x128xf32, #tpu.memory_space<hbm>> -> memref<1x8x1x8x128xf32, #tpu.memory_space<hbm>>
      %dma_start3A_282 = tpu.memref_squeeze %dma_start3A_281 : memref<1x8x1x8x128xf32, #tpu.memory_space<hbm>> -> memref<8x8x128xf32, #tpu.memory_space<hbm>>
      tpu.enqueue_dma source(%arg12 : memref<8x8x128xf32, #tpu.memory_space<vmem>>) target(%dma_start3A_282 : memref<8x8x128xf32, #tpu.memory_space<hbm>>) target_semaphore(%arg20 : memref<!tpu.dma_semaphore, #tpu.memory_space<semaphore_mem>>)
      %mul3A_283 = arith.constant 4 : i32
      %mul3A_284 = arith.muli %add3A_88, %mul3A_283 : i32
      %add3A_285 = arith.constant 2 : i32
      %add3A_286 = arith.addi %mul3A_284, %add3A_285 : i32
      %jit3A_287 = arith.constant 4 : i32
      %div3A_288 = arith.divsi %add3A_286, %jit3A_287 : i32
      %sign3A_289 = arith.constant 0 : i32
      %sign3A_290 = arith.cmpi sgt, %add3A_286, %sign3A_289 : i32
      %sign3A_291 = arith.extui %sign3A_290 : i1 to i32
      %sign3A_292 = arith.constant 0 : i32
      %sign3A_293 = arith.cmpi slt, %add3A_286, %sign3A_292 : i32
      %sign3A_294 = arith.extui %sign3A_293 : i1 to i32
      %sign3A_295 = arith.subi %sign3A_291, %sign3A_294 : i32
      %sign3A_296 = arith.constant 0 : i32
      %sign3A_297 = arith.cmpi sgt, %jit3A_287, %sign3A_296 : i32
      %sign3A_298 = arith.extui %sign3A_297 : i1 to i32
      %sign3A_299 = arith.constant 0 : i32
      %sign3A_300 = arith.cmpi slt, %jit3A_287, %sign3A_299 : i32
      %sign3A_301 = arith.extui %sign3A_300 : i1 to i32
      %sign3A_302 = arith.subi %sign3A_298, %sign3A_301 : i32
      %ne3A_303 = arith.cmpi ne, %sign3A_295, %sign3A_302 : i32
      %rem3A_304 = arith.remsi %add3A_286, %jit3A_287 : i32
      %ne3A_305 = arith.constant 0 : i32
      %ne3A_306 = arith.cmpi ne, %rem3A_304, %ne3A_305 : i32
      %and3A_307 = arith.andi %ne3A_303, %ne3A_306 : i1
      %sub3A_308 = arith.constant 1 : i32
      %sub3A_309 = arith.subi %div3A_288, %sub3A_308 : i32
      %select_n3A_310 = arith.select %and3A_307, %sub3A_309, %div3A_288 : i32
      %mul3A_311 = arith.constant 512 : i32
      %mul3A_312 = arith.muli %select_n3A_310, %mul3A_311 : i32
      %jit3A_313 = arith.constant 4 : i32
      %eq3A_314 = arith.constant 0 : i32
      %eq3A_315 = arith.cmpi eq, %jit3A_313, %eq3A_314 : i32
      %jit3A_316 = arith.constant 1 : i32
      %select_n3A_317 = arith.select %eq3A_315, %jit3A_316, %jit3A_313 : i32
      %rem3A_318 = arith.remsi %add3A_286, %select_n3A_317 : i32
      %ne3A_319 = arith.constant 0 : i32
      %ne3A_320 = arith.cmpi ne, %rem3A_318, %ne3A_319 : i32
      %lt3A_321 = arith.constant 0 : i32
      %lt3A_322 = arith.cmpi slt, %rem3A_318, %lt3A_321 : i32
      %lt3A_323 = arith.constant 0 : i32
      %lt3A_324 = arith.cmpi slt, %select_n3A_317, %lt3A_323 : i32
      %ne3A_325 = arith.xori %lt3A_322, %lt3A_324 : i1
      %and3A_326 = arith.andi %ne3A_325, %ne3A_320 : i1
      %add3A_327 = arith.addi %rem3A_318, %select_n3A_317 : i32
      %select_n3A_328 = arith.select %and3A_326, %add3A_327, %rem3A_318 : i32
      %mul3A_329 = arith.constant 128 : i32
      %mul3A_330 = arith.muli %select_n3A_328, %mul3A_329 : i32
      %add3A_331 = arith.addi %mul3A_312, %mul3A_330 : i32
      %dma_wait3A_332 = tpu.memref_slice %arg6[%add3A_331] : memref<25600xi32, #tpu.memory_space<vmem>> -> memref<128xi32, #tpu.memory_space<vmem>>
      %dma_wait3A_333 = arith.constant 0 : i32
      %dma_wait3A_334 = arith.constant 0 : i32
      %dma_wait3A_335 = tpu.memref_slice %arg3[%dma_wait3A_333, %dma_wait3A_334] : memref<1000000x64xf32, #tpu.memory_space<hbm>> -> memref<1000000x64xf32, #tpu.memory_space<hbm>>
      tpu.wait_indirect_dma semaphore(%arg17 : memref<!tpu.dma_semaphore, #tpu.memory_space<semaphore_mem>>) src(%dma_wait3A_335 : memref<1000000x64xf32, #tpu.memory_space<hbm>>) dst(%arg9 : memref<128x64xf32, #tpu.memory_space<vmem>>)
      %lt3A_336 = arith.constant 49 : i32
      %lt3A_337 = arith.cmpi slt, %add3A_88, %lt3A_336 : i32
      %convert_element_type3A_338 = arith.extui %lt3A_337 : i1 to i32
      %cond3A_339 = arith.constant 0 : i32
      %cond3A_340 = arith.cmpi ne, %convert_element_type3A_338, %cond3A_339 : i32
      scf.if %cond3A_340 {
        %add3A_443 = arith.constant 3 : i32
        %add3A_444 = arith.addi %add3A_286, %add3A_443 : i32
        %jit3A_445 = arith.constant 4 : i32
        %div3A_446 = arith.divsi %add3A_444, %jit3A_445 : i32
        %sign3A_447 = arith.constant 0 : i32
        %sign3A_448 = arith.cmpi sgt, %add3A_444, %sign3A_447 : i32
        %sign3A_449 = arith.extui %sign3A_448 : i1 to i32
        %sign3A_450 = arith.constant 0 : i32
        %sign3A_451 = arith.cmpi slt, %add3A_444, %sign3A_450 : i32
        %sign3A_452 = arith.extui %sign3A_451 : i1 to i32
        %sign3A_453 = arith.subi %sign3A_449, %sign3A_452 : i32
        %sign3A_454 = arith.constant 0 : i32
        %sign3A_455 = arith.cmpi sgt, %jit3A_445, %sign3A_454 : i32
        %sign3A_456 = arith.extui %sign3A_455 : i1 to i32
        %sign3A_457 = arith.constant 0 : i32
        %sign3A_458 = arith.cmpi slt, %jit3A_445, %sign3A_457 : i32
        %sign3A_459 = arith.extui %sign3A_458 : i1 to i32
        %sign3A_460 = arith.subi %sign3A_456, %sign3A_459 : i32
        %ne3A_461 = arith.cmpi ne, %sign3A_453, %sign3A_460 : i32
        %rem3A_462 = arith.remsi %add3A_444, %jit3A_445 : i32
        %ne3A_463 = arith.constant 0 : i32
        %ne3A_464 = arith.cmpi ne, %rem3A_462, %ne3A_463 : i32
        %and3A_465 = arith.andi %ne3A_461, %ne3A_464 : i1
        %sub3A_466 = arith.constant 1 : i32
        %sub3A_467 = arith.subi %div3A_446, %sub3A_466 : i32
        %select_n3A_468 = arith.select %and3A_465, %sub3A_467, %div3A_446 : i32
        %mul3A_469 = arith.constant 512 : i32
        %mul3A_470 = arith.muli %select_n3A_468, %mul3A_469 : i32
        %jit3A_471 = arith.constant 4 : i32
        %eq3A_472 = arith.constant 0 : i32
        %eq3A_473 = arith.cmpi eq, %jit3A_471, %eq3A_472 : i32
        %jit3A_474 = arith.constant 1 : i32
        %select_n3A_475 = arith.select %eq3A_473, %jit3A_474, %jit3A_471 : i32
        %rem3A_476 = arith.remsi %add3A_444, %select_n3A_475 : i32
        %ne3A_477 = arith.constant 0 : i32
        %ne3A_478 = arith.cmpi ne, %rem3A_476, %ne3A_477 : i32
        %lt3A_479 = arith.constant 0 : i32
        %lt3A_480 = arith.cmpi slt, %rem3A_476, %lt3A_479 : i32
        %lt3A_481 = arith.constant 0 : i32
        %lt3A_482 = arith.cmpi slt, %select_n3A_475, %lt3A_481 : i32
        %ne3A_483 = arith.xori %lt3A_480, %lt3A_482 : i1
        %and3A_484 = arith.andi %ne3A_483, %ne3A_478 : i1
        %add3A_485 = arith.addi %rem3A_476, %select_n3A_475 : i32
        %select_n3A_486 = arith.select %and3A_484, %add3A_485, %rem3A_476 : i32
        %mul3A_487 = arith.constant 128 : i32
        %mul3A_488 = arith.muli %select_n3A_486, %mul3A_487 : i32
        %add3A_489 = arith.addi %mul3A_470, %mul3A_488 : i32
        %dma_start3A_490 = tpu.memref_slice %arg6[%add3A_489] : memref<25600xi32, #tpu.memory_space<vmem>> -> memref<128xi32, #tpu.memory_space<vmem>>
        %dma_start3A_491 = arith.constant 0 : i32
        %dma_start3A_492 = arith.constant 0 : i32
        %dma_start3A_493 = tpu.memref_slice %arg3[%dma_start3A_491, %dma_start3A_492] : memref<1000000x64xf32, #tpu.memory_space<hbm>> -> memref<1000000x64xf32, #tpu.memory_space<hbm>>
        tpu.enqueue_indirect_dma source(%dma_start3A_493 : memref<1000000x64xf32, #tpu.memory_space<hbm>>) target(%arg8 : memref<128x64xf32, #tpu.memory_space<vmem>>) offsets(%dma_start3A_490 : memref<128xi32, #tpu.memory_space<vmem>>) semaphore(%arg16 : memref<!tpu.dma_semaphore, #tpu.memory_space<semaphore_mem>>)
      } else {
      }
      %ge3A_341 = arith.constant 1 : i32
      %ge3A_342 = arith.cmpi sge, %add3A_88, %ge3A_341 : i32
      %convert_element_type3A_343 = arith.extui %ge3A_342 : i1 to i32
      %cond3A_344 = arith.constant 0 : i32
      %cond3A_345 = arith.cmpi ne, %convert_element_type3A_343, %cond3A_344 : i32
      scf.if %cond3A_345 {
        %sub3A_443 = arith.constant 1 : i32
        %sub3A_444 = arith.subi %add3A_88, %sub3A_443 : i32
        %mul3A_445 = arith.constant 4 : i32
        %mul3A_446 = arith.muli %add3A, %mul3A_445 : i32
        %add3A_447 = arith.constant 2 : i32
        %add3A_448 = arith.addi %mul3A_446, %add3A_447 : i32
        %dma_wait3A_449 = arith.constant 0 : i32
        %dma_wait3A_450 = arith.constant 0 : i32
        %dma_wait3A_451 = arith.constant 0 : i32
        %dma_wait3A_452 = tpu.memref_slice %arg4[%sub3A_444, %dma_wait3A_449, %add3A_448, %dma_wait3A_450, %dma_wait3A_451] : memref<50x8x128x8x128xf32, #tpu.memory_space<hbm>> -> memref<1x8x1x8x128xf32, #tpu.memory_space<hbm>>
        %dma_wait3A_453 = tpu.memref_squeeze %dma_wait3A_452 : memref<1x8x1x8x128xf32, #tpu.memory_space<hbm>> -> memref<8x8x128xf32, #tpu.memory_space<hbm>>
        %dma_wait3A_454 = arith.constant 0 : i32
        %dma_wait3A_455 = arith.constant 0 : i32
        %dma_wait3A_456 = arith.constant 0 : i32
        %dma_wait3A_457 = tpu.memref_slice %arg4[%sub3A_444, %dma_wait3A_454, %add3A_448, %dma_wait3A_455, %dma_wait3A_456] : memref<50x8x128x8x128xf32, #tpu.memory_space<hbm>> -> memref<1x8x1x8x128xf32, #tpu.memory_space<hbm>>
        %dma_wait3A_458 = tpu.memref_squeeze %dma_wait3A_457 : memref<1x8x1x8x128xf32, #tpu.memory_space<hbm>> -> memref<8x8x128xf32, #tpu.memory_space<hbm>>
        tpu.wait_dma2 semaphore(%arg21 : memref<!tpu.dma_semaphore, #tpu.memory_space<semaphore_mem>>) src(%arg13 : memref<8x8x128xf32, #tpu.memory_space<vmem>>) dst(%dma_wait3A_458 : memref<8x8x128xf32, #tpu.memory_space<hbm>>)
      } else {
      }
      %parallel_loop3A_346 = arith.constant 0 : i32
      %parallel_loop3A_347 = arith.constant 128 : i32
      %parallel_loop3A_348 = arith.constant 1 : i32
      scf.for %parallel_loop3A_443 = %parallel_loop3A_346 to %parallel_loop3A_347 step %parallel_loop3A_348  : i32 {
        %parallel_loop3A_444 = arith.constant 0 : i32
        %parallel_loop3A_445 = vector.broadcast %parallel_loop3A_444 : i32 to vector<16xi32>
        %parallel_loop3A_446 = arith.muli %iota3A, %parallel_loop3A_445 : vector<16xi32>
        %parallel_loop3A_447 = vector.broadcast %parallel_loop3A_443 : i32 to vector<16xi32>
        %parallel_loop3A_448 = arith.addi %parallel_loop3A_446, %parallel_loop3A_447 : vector<16xi32>
        %parallel_loop3A_449 = arith.index_cast %parallel_loop3A_443 : i32 to index
        %parallel_loop3A_450 = arith.constant 0 : index
        %parallel_loop3A_451 = tpu.vector_load %arg9[%parallel_loop3A_449, %parallel_loop3A_450] {strides = array<i32>} : memref<128x64xf32, #tpu.memory_space<vmem>>, vector<16xf32>,
        %parallel_loop3A_452 = arith.constant 0 : i32
        %parallel_loop3A_453 = vector.broadcast %parallel_loop3A_452 : i32 to vector<16xi32>
        %parallel_loop3A_454 = arith.addi %parallel_loop3A_453, %iota3A : vector<16xi32>
        %parallel_loop3A_455 = arith.constant 8 : i32
        %parallel_loop3A_456 = vector.broadcast %parallel_loop3A_455 : i32 to vector<16xi32>
        %parallel_loop3A_457 = arith.divsi %parallel_loop3A_454, %parallel_loop3A_456 : vector<16xi32>
        %parallel_loop3A_458 = arith.constant 0 : i32
        %parallel_loop3A_459 = vector.broadcast %parallel_loop3A_458 : i32 to vector<16xi32>
        %parallel_loop3A_460 = arith.cmpi sgt, %parallel_loop3A_454, %parallel_loop3A_459 : vector<16xi32>
        %parallel_loop3A_461 = arith.extui %parallel_loop3A_460 : vector<16xi1> to vector<16xi32>
        %parallel_loop3A_462 = arith.constant 0 : i32
        %parallel_loop3A_463 = vector.broadcast %parallel_loop3A_462 : i32 to vector<16xi32>
        %parallel_loop3A_464 = arith.cmpi slt, %parallel_loop3A_454, %parallel_loop3A_463 : vector<16xi32>
        %parallel_loop3A_465 = arith.extui %parallel_loop3A_464 : vector<16xi1> to vector<16xi32>
        %parallel_loop3A_466 = arith.subi %parallel_loop3A_461, %parallel_loop3A_465 : vector<16xi32>
        %parallel_loop3A_467 = arith.constant 0 : i32
        %parallel_loop3A_468 = arith.cmpi sgt, %parallel_loop3A_455, %parallel_loop3A_467 : i32
        %parallel_loop3A_469 = arith.extui %parallel_loop3A_468 : i1 to i32
        %parallel_loop3A_470 = arith.constant 0 : i32
        %parallel_loop3A_471 = arith.cmpi slt, %parallel_loop3A_455, %parallel_loop3A_470 : i32
        %parallel_loop3A_472 = arith.extui %parallel_loop3A_471 : i1 to i32
        %parallel_loop3A_473 = arith.subi %parallel_loop3A_469, %parallel_loop3A_472 : i32
        %parallel_loop3A_474 = vector.broadcast %parallel_loop3A_473 : i32 to vector<16xi32>
        %parallel_loop3A_475 = arith.cmpi ne, %parallel_loop3A_466, %parallel_loop3A_474 : vector<16xi32>
        %parallel_loop3A_476 = vector.broadcast %parallel_loop3A_455 : i32 to vector<16xi32>
        %parallel_loop3A_477 = arith.remsi %parallel_loop3A_454, %parallel_loop3A_476 : vector<16xi32>
        %parallel_loop3A_478 = arith.constant 0 : i32
        %parallel_loop3A_479 = vector.broadcast %parallel_loop3A_478 : i32 to vector<16xi32>
        %parallel_loop3A_480 = arith.cmpi ne, %parallel_loop3A_477, %parallel_loop3A_479 : vector<16xi32>
        %parallel_loop3A_481 = arith.andi %parallel_loop3A_475, %parallel_loop3A_480 : vector<16xi1>
        %parallel_loop3A_482 = arith.constant 1 : i32
        %parallel_loop3A_483 = vector.broadcast %parallel_loop3A_482 : i32 to vector<16xi32>
        %parallel_loop3A_484 = arith.subi %parallel_loop3A_457, %parallel_loop3A_483 : vector<16xi32>
        %parallel_loop3A_485 = arith.select %parallel_loop3A_481, %parallel_loop3A_484, %parallel_loop3A_457 : vector<16xi1>, vector<16xi32>
        %parallel_loop3A_486 = arith.constant 8 : i32
        %parallel_loop3A_487 = arith.constant 0 : i32
        %parallel_loop3A_488 = arith.cmpi eq, %parallel_loop3A_486, %parallel_loop3A_487 : i32
        %parallel_loop3A_489 = arith.constant 1 : i32
        %parallel_loop3A_490 = arith.select %parallel_loop3A_488, %parallel_loop3A_489, %parallel_loop3A_486 : i32
        %parallel_loop3A_491 = vector.broadcast %parallel_loop3A_490 : i32 to vector<16xi32>
        %parallel_loop3A_492 = arith.remsi %parallel_loop3A_454, %parallel_loop3A_491 : vector<16xi32>
        %parallel_loop3A_493 = arith.constant 0 : i32
        %parallel_loop3A_494 = vector.broadcast %parallel_loop3A_493 : i32 to vector<16xi32>
        %parallel_loop3A_495 = arith.cmpi ne, %parallel_loop3A_492, %parallel_loop3A_494 : vector<16xi32>
        %parallel_loop3A_496 = arith.constant 0 : i32
        %parallel_loop3A_497 = vector.broadcast %parallel_loop3A_496 : i32 to vector<16xi32>
        %parallel_loop3A_498 = arith.cmpi slt, %parallel_loop3A_492, %parallel_loop3A_497 : vector<16xi32>
        %parallel_loop3A_499 = arith.constant 0 : i32
        %parallel_loop3A_500 = arith.cmpi slt, %parallel_loop3A_490, %parallel_loop3A_499 : i32
        %parallel_loop3A_501 = vector.broadcast %parallel_loop3A_500 : i1 to vector<16xi1>
        %parallel_loop3A_502 = vector.broadcast %parallel_loop3A_501 : vector<16xi1> to vector<16xi1>
        %parallel_loop3A_503 = arith.xori %parallel_loop3A_498, %parallel_loop3A_502 : vector<16xi1>
        %parallel_loop3A_504 = arith.andi %parallel_loop3A_503, %parallel_loop3A_495 : vector<16xi1>
        %parallel_loop3A_505 = vector.broadcast %parallel_loop3A_490 : i32 to vector<16xi32>
        %parallel_loop3A_506 = arith.addi %parallel_loop3A_492, %parallel_loop3A_505 : vector<16xi32>
        %parallel_loop3A_507 = arith.select %parallel_loop3A_504, %parallel_loop3A_506, %parallel_loop3A_492 : vector<16xi1>, vector<16xi32>
        %parallel_loop3A_508 = arith.constant 8.000000e+00 : f32
        %parallel_loop3A_509 = vector.broadcast %parallel_loop3A_508 : f32 to vector<16xf32>
        %parallel_loop3A_510 = arith.mulf %parallel_loop3A_451, %parallel_loop3A_509 : vector<16xf32>
        tpu.vector_store_idx %arg13[%parallel_loop3A_485, %parallel_loop3A_507, %parallel_loop3A_448], %parallel_loop3A_510 : memref<8x8x128xf32, #tpu.memory_space<vmem>>[vector<16xi32>, vector<16xi32>, vector<16xi32>], vector<16xf32>,
        %parallel_loop3A_511 = arith.index_cast %parallel_loop3A_443 : i32 to index
        %parallel_loop3A_512 = arith.constant 16 : index
        %parallel_loop3A_513 = tpu.vector_load %arg9[%parallel_loop3A_511, %parallel_loop3A_512] {strides = array<i32>} : memref<128x64xf32, #tpu.memory_space<vmem>>, vector<16xf32>,
        %parallel_loop3A_514 = arith.constant 16 : i32
        %parallel_loop3A_515 = vector.broadcast %parallel_loop3A_514 : i32 to vector<16xi32>
        %parallel_loop3A_516 = arith.addi %parallel_loop3A_515, %iota3A : vector<16xi32>
        %parallel_loop3A_517 = arith.constant 8 : i32
        %parallel_loop3A_518 = vector.broadcast %parallel_loop3A_517 : i32 to vector<16xi32>
        %parallel_loop3A_519 = arith.divsi %parallel_loop3A_516, %parallel_loop3A_518 : vector<16xi32>
        %parallel_loop3A_520 = arith.constant 0 : i32
        %parallel_loop3A_521 = vector.broadcast %parallel_loop3A_520 : i32 to vector<16xi32>
        %parallel_loop3A_522 = arith.cmpi sgt, %parallel_loop3A_516, %parallel_loop3A_521 : vector<16xi32>
        %parallel_loop3A_523 = arith.extui %parallel_loop3A_522 : vector<16xi1> to vector<16xi32>
        %parallel_loop3A_524 = arith.constant 0 : i32
        %parallel_loop3A_525 = vector.broadcast %parallel_loop3A_524 : i32 to vector<16xi32>
        %parallel_loop3A_526 = arith.cmpi slt, %parallel_loop3A_516, %parallel_loop3A_525 : vector<16xi32>
        %parallel_loop3A_527 = arith.extui %parallel_loop3A_526 : vector<16xi1> to vector<16xi32>
        %parallel_loop3A_528 = arith.subi %parallel_loop3A_523, %parallel_loop3A_527 : vector<16xi32>
        %parallel_loop3A_529 = arith.constant 0 : i32
        %parallel_loop3A_530 = arith.cmpi sgt, %parallel_loop3A_517, %parallel_loop3A_529 : i32
        %parallel_loop3A_531 = arith.extui %parallel_loop3A_530 : i1 to i32
        %parallel_loop3A_532 = arith.constant 0 : i32
        %parallel_loop3A_533 = arith.cmpi slt, %parallel_loop3A_517, %parallel_loop3A_532 : i32
        %parallel_loop3A_534 = arith.extui %parallel_loop3A_533 : i1 to i32
        %parallel_loop3A_535 = arith.subi %parallel_loop3A_531, %parallel_loop3A_534 : i32
        %parallel_loop3A_536 = vector.broadcast %parallel_loop3A_535 : i32 to vector<16xi32>
        %parallel_loop3A_537 = arith.cmpi ne, %parallel_loop3A_528, %parallel_loop3A_536 : vector<16xi32>
        %parallel_loop3A_538 = vector.broadcast %parallel_loop3A_517 : i32 to vector<16xi32>
        %parallel_loop3A_539 = arith.remsi %parallel_loop3A_516, %parallel_loop3A_538 : vector<16xi32>
        %parallel_loop3A_540 = arith.constant 0 : i32
        %parallel_loop3A_541 = vector.broadcast %parallel_loop3A_540 : i32 to vector<16xi32>
        %parallel_loop3A_542 = arith.cmpi ne, %parallel_loop3A_539, %parallel_loop3A_541 : vector<16xi32>
        %parallel_loop3A_543 = arith.andi %parallel_loop3A_537, %parallel_loop3A_542 : vector<16xi1>
        %parallel_loop3A_544 = arith.constant 1 : i32
        %parallel_loop3A_545 = vector.broadcast %parallel_loop3A_544 : i32 to vector<16xi32>
        %parallel_loop3A_546 = arith.subi %parallel_loop3A_519, %parallel_loop3A_545 : vector<16xi32>
        %parallel_loop3A_547 = arith.select %parallel_loop3A_543, %parallel_loop3A_546, %parallel_loop3A_519 : vector<16xi1>, vector<16xi32>
        %parallel_loop3A_548 = arith.constant 8 : i32
        %parallel_loop3A_549 = arith.constant 0 : i32
        %parallel_loop3A_550 = arith.cmpi eq, %parallel_loop3A_548, %parallel_loop3A_549 : i32
        %parallel_loop3A_551 = arith.constant 1 : i32
        %parallel_loop3A_552 = arith.select %parallel_loop3A_550, %parallel_loop3A_551, %parallel_loop3A_548 : i32
        %parallel_loop3A_553 = vector.broadcast %parallel_loop3A_552 : i32 to vector<16xi32>
        %parallel_loop3A_554 = arith.remsi %parallel_loop3A_516, %parallel_loop3A_553 : vector<16xi32>
        %parallel_loop3A_555 = arith.constant 0 : i32
        %parallel_loop3A_556 = vector.broadcast %parallel_loop3A_555 : i32 to vector<16xi32>
        %parallel_loop3A_557 = arith.cmpi ne, %parallel_loop3A_554, %parallel_loop3A_556 : vector<16xi32>
        %parallel_loop3A_558 = arith.constant 0 : i32
        %parallel_loop3A_559 = vector.broadcast %parallel_loop3A_558 : i32 to vector<16xi32>
        %parallel_loop3A_560 = arith.cmpi slt, %parallel_loop3A_554, %parallel_loop3A_559 : vector<16xi32>
        %parallel_loop3A_561 = arith.constant 0 : i32
        %parallel_loop3A_562 = arith.cmpi slt, %parallel_loop3A_552, %parallel_loop3A_561 : i32
        %parallel_loop3A_563 = vector.broadcast %parallel_loop3A_562 : i1 to vector<16xi1>
        %parallel_loop3A_564 = vector.broadcast %parallel_loop3A_563 : vector<16xi1> to vector<16xi1>
        %parallel_loop3A_565 = arith.xori %parallel_loop3A_560, %parallel_loop3A_564 : vector<16xi1>
        %parallel_loop3A_566 = arith.andi %parallel_loop3A_565, %parallel_loop3A_557 : vector<16xi1>
        %parallel_loop3A_567 = vector.broadcast %parallel_loop3A_552 : i32 to vector<16xi32>
        %parallel_loop3A_568 = arith.addi %parallel_loop3A_554, %parallel_loop3A_567 : vector<16xi32>
        %parallel_loop3A_569 = arith.select %parallel_loop3A_566, %parallel_loop3A_568, %parallel_loop3A_554 : vector<16xi1>, vector<16xi32>
        %parallel_loop3A_570 = arith.constant 8.000000e+00 : f32
        %parallel_loop3A_571 = vector.broadcast %parallel_loop3A_570 : f32 to vector<16xf32>
        %parallel_loop3A_572 = arith.mulf %parallel_loop3A_513, %parallel_loop3A_571 : vector<16xf32>
        tpu.vector_store_idx %arg13[%parallel_loop3A_547, %parallel_loop3A_569, %parallel_loop3A_448], %parallel_loop3A_572 : memref<8x8x128xf32, #tpu.memory_space<vmem>>[vector<16xi32>, vector<16xi32>, vector<16xi32>], vector<16xf32>,
        %parallel_loop3A_573 = arith.index_cast %parallel_loop3A_443 : i32 to index
        %parallel_loop3A_574 = arith.constant 32 : index
        %parallel_loop3A_575 = tpu.vector_load %arg9[%parallel_loop3A_573, %parallel_loop3A_574] {strides = array<i32>} : memref<128x64xf32, #tpu.memory_space<vmem>>, vector<16xf32>,
        %parallel_loop3A_576 = arith.constant 32 : i32
        %parallel_loop3A_577 = vector.broadcast %parallel_loop3A_576 : i32 to vector<16xi32>
        %parallel_loop3A_578 = arith.addi %parallel_loop3A_577, %iota3A : vector<16xi32>
        %parallel_loop3A_579 = arith.constant 8 : i32
        %parallel_loop3A_580 = vector.broadcast %parallel_loop3A_579 : i32 to vector<16xi32>
        %parallel_loop3A_581 = arith.divsi %parallel_loop3A_578, %parallel_loop3A_580 : vector<16xi32>
        %parallel_loop3A_582 = arith.constant 0 : i32
        %parallel_loop3A_583 = vector.broadcast %parallel_loop3A_582 : i32 to vector<16xi32>
        %parallel_loop3A_584 = arith.cmpi sgt, %parallel_loop3A_578, %parallel_loop3A_583 : vector<16xi32>
        %parallel_loop3A_585 = arith.extui %parallel_loop3A_584 : vector<16xi1> to vector<16xi32>
        %parallel_loop3A_586 = arith.constant 0 : i32
        %parallel_loop3A_587 = vector.broadcast %parallel_loop3A_586 : i32 to vector<16xi32>
        %parallel_loop3A_588 = arith.cmpi slt, %parallel_loop3A_578, %parallel_loop3A_587 : vector<16xi32>
        %parallel_loop3A_589 = arith.extui %parallel_loop3A_588 : vector<16xi1> to vector<16xi32>
        %parallel_loop3A_590 = arith.subi %parallel_loop3A_585, %parallel_loop3A_589 : vector<16xi32>
        %parallel_loop3A_591 = arith.constant 0 : i32
        %parallel_loop3A_592 = arith.cmpi sgt, %parallel_loop3A_579, %parallel_loop3A_591 : i32
        %parallel_loop3A_593 = arith.extui %parallel_loop3A_592 : i1 to i32
        %parallel_loop3A_594 = arith.constant 0 : i32
        %parallel_loop3A_595 = arith.cmpi slt, %parallel_loop3A_579, %parallel_loop3A_594 : i32
        %parallel_loop3A_596 = arith.extui %parallel_loop3A_595 : i1 to i32
        %parallel_loop3A_597 = arith.subi %parallel_loop3A_593, %parallel_loop3A_596 : i32
        %parallel_loop3A_598 = vector.broadcast %parallel_loop3A_597 : i32 to vector<16xi32>
        %parallel_loop3A_599 = arith.cmpi ne, %parallel_loop3A_590, %parallel_loop3A_598 : vector<16xi32>
        %parallel_loop3A_600 = vector.broadcast %parallel_loop3A_579 : i32 to vector<16xi32>
        %parallel_loop3A_601 = arith.remsi %parallel_loop3A_578, %parallel_loop3A_600 : vector<16xi32>
        %parallel_loop3A_602 = arith.constant 0 : i32
        %parallel_loop3A_603 = vector.broadcast %parallel_loop3A_602 : i32 to vector<16xi32>
        %parallel_loop3A_604 = arith.cmpi ne, %parallel_loop3A_601, %parallel_loop3A_603 : vector<16xi32>
        %parallel_loop3A_605 = arith.andi %parallel_loop3A_599, %parallel_loop3A_604 : vector<16xi1>
        %parallel_loop3A_606 = arith.constant 1 : i32
        %parallel_loop3A_607 = vector.broadcast %parallel_loop3A_606 : i32 to vector<16xi32>
        %parallel_loop3A_608 = arith.subi %parallel_loop3A_581, %parallel_loop3A_607 : vector<16xi32>
        %parallel_loop3A_609 = arith.select %parallel_loop3A_605, %parallel_loop3A_608, %parallel_loop3A_581 : vector<16xi1>, vector<16xi32>
        %parallel_loop3A_610 = arith.constant 8 : i32
        %parallel_loop3A_611 = arith.constant 0 : i32
        %parallel_loop3A_612 = arith.cmpi eq, %parallel_loop3A_610, %parallel_loop3A_611 : i32
        %parallel_loop3A_613 = arith.constant 1 : i32
        %parallel_loop3A_614 = arith.select %parallel_loop3A_612, %parallel_loop3A_613, %parallel_loop3A_610 : i32
        %parallel_loop3A_615 = vector.broadcast %parallel_loop3A_614 : i32 to vector<16xi32>
        %parallel_loop3A_616 = arith.remsi %parallel_loop3A_578, %parallel_loop3A_615 : vector<16xi32>
        %parallel_loop3A_617 = arith.constant 0 : i32
        %parallel_loop3A_618 = vector.broadcast %parallel_loop3A_617 : i32 to vector<16xi32>
        %parallel_loop3A_619 = arith.cmpi ne, %parallel_loop3A_616, %parallel_loop3A_618 : vector<16xi32>
        %parallel_loop3A_620 = arith.constant 0 : i32
        %parallel_loop3A_621 = vector.broadcast %parallel_loop3A_620 : i32 to vector<16xi32>
        %parallel_loop3A_622 = arith.cmpi slt, %parallel_loop3A_616, %parallel_loop3A_621 : vector<16xi32>
        %parallel_loop3A_623 = arith.constant 0 : i32
        %parallel_loop3A_624 = arith.cmpi slt, %parallel_loop3A_614, %parallel_loop3A_623 : i32
        %parallel_loop3A_625 = vector.broadcast %parallel_loop3A_624 : i1 to vector<16xi1>
        %parallel_loop3A_626 = vector.broadcast %parallel_loop3A_625 : vector<16xi1> to vector<16xi1>
        %parallel_loop3A_627 = arith.xori %parallel_loop3A_622, %parallel_loop3A_626 : vector<16xi1>
        %parallel_loop3A_628 = arith.andi %parallel_loop3A_627, %parallel_loop3A_619 : vector<16xi1>
        %parallel_loop3A_629 = vector.broadcast %parallel_loop3A_614 : i32 to vector<16xi32>
        %parallel_loop3A_630 = arith.addi %parallel_loop3A_616, %parallel_loop3A_629 : vector<16xi32>
        %parallel_loop3A_631 = arith.select %parallel_loop3A_628, %parallel_loop3A_630, %parallel_loop3A_616 : vector<16xi1>, vector<16xi32>
        %parallel_loop3A_632 = arith.constant 8.000000e+00 : f32
        %parallel_loop3A_633 = vector.broadcast %parallel_loop3A_632 : f32 to vector<16xf32>
        %parallel_loop3A_634 = arith.mulf %parallel_loop3A_575, %parallel_loop3A_633 : vector<16xf32>
        tpu.vector_store_idx %arg13[%parallel_loop3A_609, %parallel_loop3A_631, %parallel_loop3A_448], %parallel_loop3A_634 : memref<8x8x128xf32, #tpu.memory_space<vmem>>[vector<16xi32>, vector<16xi32>, vector<16xi32>], vector<16xf32>,
        %parallel_loop3A_635 = arith.index_cast %parallel_loop3A_443 : i32 to index
        %parallel_loop3A_636 = arith.constant 48 : index
        %parallel_loop3A_637 = tpu.vector_load %arg9[%parallel_loop3A_635, %parallel_loop3A_636] {strides = array<i32>} : memref<128x64xf32, #tpu.memory_space<vmem>>, vector<16xf32>,
        %parallel_loop3A_638 = arith.constant 48 : i32
        %parallel_loop3A_639 = vector.broadcast %parallel_loop3A_638 : i32 to vector<16xi32>
        %parallel_loop3A_640 = arith.addi %parallel_loop3A_639, %iota3A : vector<16xi32>
        %parallel_loop3A_641 = arith.constant 8 : i32
        %parallel_loop3A_642 = vector.broadcast %parallel_loop3A_641 : i32 to vector<16xi32>
        %parallel_loop3A_643 = arith.divsi %parallel_loop3A_640, %parallel_loop3A_642 : vector<16xi32>
        %parallel_loop3A_644 = arith.constant 0 : i32
        %parallel_loop3A_645 = vector.broadcast %parallel_loop3A_644 : i32 to vector<16xi32>
        %parallel_loop3A_646 = arith.cmpi sgt, %parallel_loop3A_640, %parallel_loop3A_645 : vector<16xi32>
        %parallel_loop3A_647 = arith.extui %parallel_loop3A_646 : vector<16xi1> to vector<16xi32>
        %parallel_loop3A_648 = arith.constant 0 : i32
        %parallel_loop3A_649 = vector.broadcast %parallel_loop3A_648 : i32 to vector<16xi32>
        %parallel_loop3A_650 = arith.cmpi slt, %parallel_loop3A_640, %parallel_loop3A_649 : vector<16xi32>
        %parallel_loop3A_651 = arith.extui %parallel_loop3A_650 : vector<16xi1> to vector<16xi32>
        %parallel_loop3A_652 = arith.subi %parallel_loop3A_647, %parallel_loop3A_651 : vector<16xi32>
        %parallel_loop3A_653 = arith.constant 0 : i32
        %parallel_loop3A_654 = arith.cmpi sgt, %parallel_loop3A_641, %parallel_loop3A_653 : i32
        %parallel_loop3A_655 = arith.extui %parallel_loop3A_654 : i1 to i32
        %parallel_loop3A_656 = arith.constant 0 : i32
        %parallel_loop3A_657 = arith.cmpi slt, %parallel_loop3A_641, %parallel_loop3A_656 : i32
        %parallel_loop3A_658 = arith.extui %parallel_loop3A_657 : i1 to i32
        %parallel_loop3A_659 = arith.subi %parallel_loop3A_655, %parallel_loop3A_658 : i32
        %parallel_loop3A_660 = vector.broadcast %parallel_loop3A_659 : i32 to vector<16xi32>
        %parallel_loop3A_661 = arith.cmpi ne, %parallel_loop3A_652, %parallel_loop3A_660 : vector<16xi32>
        %parallel_loop3A_662 = vector.broadcast %parallel_loop3A_641 : i32 to vector<16xi32>
        %parallel_loop3A_663 = arith.remsi %parallel_loop3A_640, %parallel_loop3A_662 : vector<16xi32>
        %parallel_loop3A_664 = arith.constant 0 : i32
        %parallel_loop3A_665 = vector.broadcast %parallel_loop3A_664 : i32 to vector<16xi32>
        %parallel_loop3A_666 = arith.cmpi ne, %parallel_loop3A_663, %parallel_loop3A_665 : vector<16xi32>
        %parallel_loop3A_667 = arith.andi %parallel_loop3A_661, %parallel_loop3A_666 : vector<16xi1>
        %parallel_loop3A_668 = arith.constant 1 : i32
        %parallel_loop3A_669 = vector.broadcast %parallel_loop3A_668 : i32 to vector<16xi32>
        %parallel_loop3A_670 = arith.subi %parallel_loop3A_643, %parallel_loop3A_669 : vector<16xi32>
        %parallel_loop3A_671 = arith.select %parallel_loop3A_667, %parallel_loop3A_670, %parallel_loop3A_643 : vector<16xi1>, vector<16xi32>
        %parallel_loop3A_672 = arith.constant 8 : i32
        %parallel_loop3A_673 = arith.constant 0 : i32
        %parallel_loop3A_674 = arith.cmpi eq, %parallel_loop3A_672, %parallel_loop3A_673 : i32
        %parallel_loop3A_675 = arith.constant 1 : i32
        %parallel_loop3A_676 = arith.select %parallel_loop3A_674, %parallel_loop3A_675, %parallel_loop3A_672 : i32
        %parallel_loop3A_677 = vector.broadcast %parallel_loop3A_676 : i32 to vector<16xi32>
        %parallel_loop3A_678 = arith.remsi %parallel_loop3A_640, %parallel_loop3A_677 : vector<16xi32>
        %parallel_loop3A_679 = arith.constant 0 : i32
        %parallel_loop3A_680 = vector.broadcast %parallel_loop3A_679 : i32 to vector<16xi32>
        %parallel_loop3A_681 = arith.cmpi ne, %parallel_loop3A_678, %parallel_loop3A_680 : vector<16xi32>
        %parallel_loop3A_682 = arith.constant 0 : i32
        %parallel_loop3A_683 = vector.broadcast %parallel_loop3A_682 : i32 to vector<16xi32>
        %parallel_loop3A_684 = arith.cmpi slt, %parallel_loop3A_678, %parallel_loop3A_683 : vector<16xi32>
        %parallel_loop3A_685 = arith.constant 0 : i32
        %parallel_loop3A_686 = arith.cmpi slt, %parallel_loop3A_676, %parallel_loop3A_685 : i32
        %parallel_loop3A_687 = vector.broadcast %parallel_loop3A_686 : i1 to vector<16xi1>
        %parallel_loop3A_688 = vector.broadcast %parallel_loop3A_687 : vector<16xi1> to vector<16xi1>
        %parallel_loop3A_689 = arith.xori %parallel_loop3A_684, %parallel_loop3A_688 : vector<16xi1>
        %parallel_loop3A_690 = arith.andi %parallel_loop3A_689, %parallel_loop3A_681 : vector<16xi1>
        %parallel_loop3A_691 = vector.broadcast %parallel_loop3A_676 : i32 to vector<16xi32>
        %parallel_loop3A_692 = arith.addi %parallel_loop3A_678, %parallel_loop3A_691 : vector<16xi32>
        %parallel_loop3A_693 = arith.select %parallel_loop3A_690, %parallel_loop3A_692, %parallel_loop3A_678 : vector<16xi1>, vector<16xi32>
        %parallel_loop3A_694 = arith.constant 8.000000e+00 : f32
        %parallel_loop3A_695 = vector.broadcast %parallel_loop3A_694 : f32 to vector<16xf32>
        %parallel_loop3A_696 = arith.mulf %parallel_loop3A_637, %parallel_loop3A_695 : vector<16xf32>
        tpu.vector_store_idx %arg13[%parallel_loop3A_671, %parallel_loop3A_693, %parallel_loop3A_448], %parallel_loop3A_696 : memref<8x8x128xf32, #tpu.memory_space<vmem>>[vector<16xi32>, vector<16xi32>, vector<16xi32>], vector<16xf32>,
      } {sc.loop_unroll_factor = 4 : i64, sc.parallel_access}
      %mul3A_349 = arith.constant 4 : i32
      %mul3A_350 = arith.muli %add3A, %mul3A_349 : i32
      %add3A_351 = arith.constant 2 : i32
      %add3A_352 = arith.addi %mul3A_350, %add3A_351 : i32
      %dma_start3A_353 = arith.constant 0 : i32
      %dma_start3A_354 = arith.constant 0 : i32
      %dma_start3A_355 = arith.constant 0 : i32
      %dma_start3A_356 = tpu.memref_slice %arg4[%add3A_88, %dma_start3A_353, %add3A_352, %dma_start3A_354, %dma_start3A_355] : memref<50x8x128x8x128xf32, #tpu.memory_space<hbm>> -> memref<1x8x1x8x128xf32, #tpu.memory_space<hbm>>
      %dma_start3A_357 = tpu.memref_squeeze %dma_start3A_356 : memref<1x8x1x8x128xf32, #tpu.memory_space<hbm>> -> memref<8x8x128xf32, #tpu.memory_space<hbm>>
      %dma_start3A_358 = arith.constant 0 : i32
      %dma_start3A_359 = arith.constant 0 : i32
      %dma_start3A_360 = arith.constant 0 : i32
      %dma_start3A_361 = tpu.memref_slice %arg4[%add3A_88, %dma_start3A_358, %add3A_352, %dma_start3A_359, %dma_start3A_360] : memref<50x8x128x8x128xf32, #tpu.memory_space<hbm>> -> memref<1x8x1x8x128xf32, #tpu.memory_space<hbm>>
      %dma_start3A_362 = tpu.memref_squeeze %dma_start3A_361 : memref<1x8x1x8x128xf32, #tpu.memory_space<hbm>> -> memref<8x8x128xf32, #tpu.memory_space<hbm>>
      tpu.enqueue_dma source(%arg13 : memref<8x8x128xf32, #tpu.memory_space<vmem>>) target(%dma_start3A_362 : memref<8x8x128xf32, #tpu.memory_space<hbm>>) target_semaphore(%arg21 : memref<!tpu.dma_semaphore, #tpu.memory_space<semaphore_mem>>)
      %mul3A_363 = arith.constant 4 : i32
      %mul3A_364 = arith.muli %add3A_88, %mul3A_363 : i32
      %add3A_365 = arith.constant 3 : i32
      %add3A_366 = arith.addi %mul3A_364, %add3A_365 : i32
      %jit3A_367 = arith.constant 4 : i32
      %div3A_368 = arith.divsi %add3A_366, %jit3A_367 : i32
      %sign3A_369 = arith.constant 0 : i32
      %sign3A_370 = arith.cmpi sgt, %add3A_366, %sign3A_369 : i32
      %sign3A_371 = arith.extui %sign3A_370 : i1 to i32
      %sign3A_372 = arith.constant 0 : i32
      %sign3A_373 = arith.cmpi slt, %add3A_366, %sign3A_372 : i32
      %sign3A_374 = arith.extui %sign3A_373 : i1 to i32
      %sign3A_375 = arith.subi %sign3A_371, %sign3A_374 : i32
      %sign3A_376 = arith.constant 0 : i32
      %sign3A_377 = arith.cmpi sgt, %jit3A_367, %sign3A_376 : i32
      %sign3A_378 = arith.extui %sign3A_377 : i1 to i32
      %sign3A_379 = arith.constant 0 : i32
      %sign3A_380 = arith.cmpi slt, %jit3A_367, %sign3A_379 : i32
      %sign3A_381 = arith.extui %sign3A_380 : i1 to i32
      %sign3A_382 = arith.subi %sign3A_378, %sign3A_381 : i32
      %ne3A_383 = arith.cmpi ne, %sign3A_375, %sign3A_382 : i32
      %rem3A_384 = arith.remsi %add3A_366, %jit3A_367 : i32
      %ne3A_385 = arith.constant 0 : i32
      %ne3A_386 = arith.cmpi ne, %rem3A_384, %ne3A_385 : i32
      %and3A_387 = arith.andi %ne3A_383, %ne3A_386 : i1
      %sub3A_388 = arith.constant 1 : i32
      %sub3A_389 = arith.subi %div3A_368, %sub3A_388 : i32
      %select_n3A_390 = arith.select %and3A_387, %sub3A_389, %div3A_368 : i32
      %mul3A_391 = arith.constant 512 : i32
      %mul3A_392 = arith.muli %select_n3A_390, %mul3A_391 : i32
      %jit3A_393 = arith.constant 4 : i32
      %eq3A_394 = arith.constant 0 : i32
      %eq3A_395 = arith.cmpi eq, %jit3A_393, %eq3A_394 : i32
      %jit3A_396 = arith.constant 1 : i32
      %select_n3A_397 = arith.select %eq3A_395, %jit3A_396, %jit3A_393 : i32
      %rem3A_398 = arith.remsi %add3A_366, %select_n3A_397 : i32
      %ne3A_399 = arith.constant 0 : i32
      %ne3A_400 = arith.cmpi ne, %rem3A_398, %ne3A_399 : i32
      %lt3A_401 = arith.constant 0 : i32
      %lt3A_402 = arith.cmpi slt, %rem3A_398, %lt3A_401 : i32
      %lt3A_403 = arith.constant 0 : i32
      %lt3A_404 = arith.cmpi slt, %select_n3A_397, %lt3A_403 : i32
      %ne3A_405 = arith.xori %lt3A_402, %lt3A_404 : i1
      %and3A_406 = arith.andi %ne3A_405, %ne3A_400 : i1
      %add3A_407 = arith.addi %rem3A_398, %select_n3A_397 : i32
      %select_n3A_408 = arith.select %and3A_406, %add3A_407, %rem3A_398 : i32
      %mul3A_409 = arith.constant 128 : i32
      %mul3A_410 = arith.muli %select_n3A_408, %mul3A_409 : i32
      %add3A_411 = arith.addi %mul3A_392, %mul3A_410 : i32
      %dma_wait3A_412 = tpu.memref_slice %arg6[%add3A_411] : memref<25600xi32, #tpu.memory_space<vmem>> -> memref<128xi32, #tpu.memory_space<vmem>>
      %dma_wait3A_413 = arith.constant 0 : i32
      %dma_wait3A_414 = arith.constant 0 : i32
      %dma_wait3A_415 = tpu.memref_slice %arg3[%dma_wait3A_413, %dma_wait3A_414] : memref<1000000x64xf32, #tpu.memory_space<hbm>> -> memref<1000000x64xf32, #tpu.memory_space<hbm>>
      tpu.wait_indirect_dma semaphore(%arg18 : memref<!tpu.dma_semaphore, #tpu.memory_space<semaphore_mem>>) src(%dma_wait3A_415 : memref<1000000x64xf32, #tpu.memory_space<hbm>>) dst(%arg10 : memref<128x64xf32, #tpu.memory_space<vmem>>)
      %lt3A_416 = arith.constant 49 : i32
      %lt3A_417 = arith.cmpi slt, %add3A_88, %lt3A_416 : i32
      %convert_element_type3A_418 = arith.extui %lt3A_417 : i1 to i32
      %cond3A_419 = arith.constant 0 : i32
      %cond3A_420 = arith.cmpi ne, %convert_element_type3A_418, %cond3A_419 : i32
      scf.if %cond3A_420 {
        %add3A_443 = arith.constant 3 : i32
        %add3A_444 = arith.addi %add3A_366, %add3A_443 : i32
        %jit3A_445 = arith.constant 4 : i32
        %div3A_446 = arith.divsi %add3A_444, %jit3A_445 : i32
        %sign3A_447 = arith.constant 0 : i32
        %sign3A_448 = arith.cmpi sgt, %add3A_444, %sign3A_447 : i32
        %sign3A_449 = arith.extui %sign3A_448 : i1 to i32
        %sign3A_450 = arith.constant 0 : i32
        %sign3A_451 = arith.cmpi slt, %add3A_444, %sign3A_450 : i32
        %sign3A_452 = arith.extui %sign3A_451 : i1 to i32
        %sign3A_453 = arith.subi %sign3A_449, %sign3A_452 : i32
        %sign3A_454 = arith.constant 0 : i32
        %sign3A_455 = arith.cmpi sgt, %jit3A_445, %sign3A_454 : i32
        %sign3A_456 = arith.extui %sign3A_455 : i1 to i32
        %sign3A_457 = arith.constant 0 : i32
        %sign3A_458 = arith.cmpi slt, %jit3A_445, %sign3A_457 : i32
        %sign3A_459 = arith.extui %sign3A_458 : i1 to i32
        %sign3A_460 = arith.subi %sign3A_456, %sign3A_459 : i32
        %ne3A_461 = arith.cmpi ne, %sign3A_453, %sign3A_460 : i32
        %rem3A_462 = arith.remsi %add3A_444, %jit3A_445 : i32
        %ne3A_463 = arith.constant 0 : i32
        %ne3A_464 = arith.cmpi ne, %rem3A_462, %ne3A_463 : i32
        %and3A_465 = arith.andi %ne3A_461, %ne3A_464 : i1
        %sub3A_466 = arith.constant 1 : i32
        %sub3A_467 = arith.subi %div3A_446, %sub3A_466 : i32
        %select_n3A_468 = arith.select %and3A_465, %sub3A_467, %div3A_446 : i32
        %mul3A_469 = arith.constant 512 : i32
        %mul3A_470 = arith.muli %select_n3A_468, %mul3A_469 : i32
        %jit3A_471 = arith.constant 4 : i32
        %eq3A_472 = arith.constant 0 : i32
        %eq3A_473 = arith.cmpi eq, %jit3A_471, %eq3A_472 : i32
        %jit3A_474 = arith.constant 1 : i32
        %select_n3A_475 = arith.select %eq3A_473, %jit3A_474, %jit3A_471 : i32
        %rem3A_476 = arith.remsi %add3A_444, %select_n3A_475 : i32
        %ne3A_477 = arith.constant 0 : i32
        %ne3A_478 = arith.cmpi ne, %rem3A_476, %ne3A_477 : i32
        %lt3A_479 = arith.constant 0 : i32
        %lt3A_480 = arith.cmpi slt, %rem3A_476, %lt3A_479 : i32
        %lt3A_481 = arith.constant 0 : i32
        %lt3A_482 = arith.cmpi slt, %select_n3A_475, %lt3A_481 : i32
        %ne3A_483 = arith.xori %lt3A_480, %lt3A_482 : i1
        %and3A_484 = arith.andi %ne3A_483, %ne3A_478 : i1
        %add3A_485 = arith.addi %rem3A_476, %select_n3A_475 : i32
        %select_n3A_486 = arith.select %and3A_484, %add3A_485, %rem3A_476 : i32
        %mul3A_487 = arith.constant 128 : i32
        %mul3A_488 = arith.muli %select_n3A_486, %mul3A_487 : i32
        %add3A_489 = arith.addi %mul3A_470, %mul3A_488 : i32
        %dma_start3A_490 = tpu.memref_slice %arg6[%add3A_489] : memref<25600xi32, #tpu.memory_space<vmem>> -> memref<128xi32, #tpu.memory_space<vmem>>
        %dma_start3A_491 = arith.constant 0 : i32
        %dma_start3A_492 = arith.constant 0 : i32
        %dma_start3A_493 = tpu.memref_slice %arg3[%dma_start3A_491, %dma_start3A_492] : memref<1000000x64xf32, #tpu.memory_space<hbm>> -> memref<1000000x64xf32, #tpu.memory_space<hbm>>
        tpu.enqueue_indirect_dma source(%dma_start3A_493 : memref<1000000x64xf32, #tpu.memory_space<hbm>>) target(%arg9 : memref<128x64xf32, #tpu.memory_space<vmem>>) offsets(%dma_start3A_490 : memref<128xi32, #tpu.memory_space<vmem>>) semaphore(%arg17 : memref<!tpu.dma_semaphore, #tpu.memory_space<semaphore_mem>>)
      } else {
      }
      %ge3A_421 = arith.constant 1 : i32
      %ge3A_422 = arith.cmpi sge, %add3A_88, %ge3A_421 : i32
      %convert_element_type3A_423 = arith.extui %ge3A_422 : i1 to i32
      %cond3A_424 = arith.constant 0 : i32
      %cond3A_425 = arith.cmpi ne, %convert_element_type3A_423, %cond3A_424 : i32
      scf.if %cond3A_425 {
        %sub3A_443 = arith.constant 1 : i32
        %sub3A_444 = arith.subi %add3A_88, %sub3A_443 : i32
        %mul3A_445 = arith.constant 4 : i32
        %mul3A_446 = arith.muli %add3A, %mul3A_445 : i32
        %add3A_447 = arith.constant 3 : i32
        %add3A_448 = arith.addi %mul3A_446, %add3A_447 : i32
        %dma_wait3A_449 = arith.constant 0 : i32
        %dma_wait3A_450 = arith.constant 0 : i32
        %dma_wait3A_451 = arith.constant 0 : i32
        %dma_wait3A_452 = tpu.memref_slice %arg4[%sub3A_444, %dma_wait3A_449, %add3A_448, %dma_wait3A_450, %dma_wait3A_451] : memref<50x8x128x8x128xf32, #tpu.memory_space<hbm>> -> memref<1x8x1x8x128xf32, #tpu.memory_space<hbm>>
        %dma_wait3A_453 = tpu.memref_squeeze %dma_wait3A_452 : memref<1x8x1x8x128xf32, #tpu.memory_space<hbm>> -> memref<8x8x128xf32, #tpu.memory_space<hbm>>
        %dma_wait3A_454 = arith.constant 0 : i32
        %dma_wait3A_455 = arith.constant 0 : i32
        %dma_wait3A_456 = arith.constant 0 : i32
        %dma_wait3A_457 = tpu.memref_slice %arg4[%sub3A_444, %dma_wait3A_454, %add3A_448, %dma_wait3A_455, %dma_wait3A_456] : memref<50x8x128x8x128xf32, #tpu.memory_space<hbm>> -> memref<1x8x1x8x128xf32, #tpu.memory_space<hbm>>
        %dma_wait3A_458 = tpu.memref_squeeze %dma_wait3A_457 : memref<1x8x1x8x128xf32, #tpu.memory_space<hbm>> -> memref<8x8x128xf32, #tpu.memory_space<hbm>>
        tpu.wait_dma2 semaphore(%arg22 : memref<!tpu.dma_semaphore, #tpu.memory_space<semaphore_mem>>) src(%arg14 : memref<8x8x128xf32, #tpu.memory_space<vmem>>) dst(%dma_wait3A_458 : memref<8x8x128xf32, #tpu.memory_space<hbm>>)
      } else {
      }
      %parallel_loop3A_426 = arith.constant 0 : i32
      %parallel_loop3A_427 = arith.constant 128 : i32
      %parallel_loop3A_428 = arith.constant 1 : i32
      scf.for %parallel_loop3A_443 = %parallel_loop3A_426 to %parallel_loop3A_427 step %parallel_loop3A_428  : i32 {
        %parallel_loop3A_444 = arith.constant 0 : i32
        %parallel_loop3A_445 = vector.broadcast %parallel_loop3A_444 : i32 to vector<16xi32>
        %parallel_loop3A_446 = arith.muli %iota3A, %parallel_loop3A_445 : vector<16xi32>
        %parallel_loop3A_447 = vector.broadcast %parallel_loop3A_443 : i32 to vector<16xi32>
        %parallel_loop3A_448 = arith.addi %parallel_loop3A_446, %parallel_loop3A_447 : vector<16xi32>
        %parallel_loop3A_449 = arith.index_cast %parallel_loop3A_443 : i32 to index
        %parallel_loop3A_450 = arith.constant 0 : index
        %parallel_loop3A_451 = tpu.vector_load %arg10[%parallel_loop3A_449, %parallel_loop3A_450] {strides = array<i32>} : memref<128x64xf32, #tpu.memory_space<vmem>>, vector<16xf32>,
        %parallel_loop3A_452 = arith.constant 0 : i32
        %parallel_loop3A_453 = vector.broadcast %parallel_loop3A_452 : i32 to vector<16xi32>
        %parallel_loop3A_454 = arith.addi %parallel_loop3A_453, %iota3A : vector<16xi32>
        %parallel_loop3A_455 = arith.constant 8 : i32
        %parallel_loop3A_456 = vector.broadcast %parallel_loop3A_455 : i32 to vector<16xi32>
        %parallel_loop3A_457 = arith.divsi %parallel_loop3A_454, %parallel_loop3A_456 : vector<16xi32>
        %parallel_loop3A_458 = arith.constant 0 : i32
        %parallel_loop3A_459 = vector.broadcast %parallel_loop3A_458 : i32 to vector<16xi32>
        %parallel_loop3A_460 = arith.cmpi sgt, %parallel_loop3A_454, %parallel_loop3A_459 : vector<16xi32>
        %parallel_loop3A_461 = arith.extui %parallel_loop3A_460 : vector<16xi1> to vector<16xi32>
        %parallel_loop3A_462 = arith.constant 0 : i32
        %parallel_loop3A_463 = vector.broadcast %parallel_loop3A_462 : i32 to vector<16xi32>
        %parallel_loop3A_464 = arith.cmpi slt, %parallel_loop3A_454, %parallel_loop3A_463 : vector<16xi32>
        %parallel_loop3A_465 = arith.extui %parallel_loop3A_464 : vector<16xi1> to vector<16xi32>
        %parallel_loop3A_466 = arith.subi %parallel_loop3A_461, %parallel_loop3A_465 : vector<16xi32>
        %parallel_loop3A_467 = arith.constant 0 : i32
        %parallel_loop3A_468 = arith.cmpi sgt, %parallel_loop3A_455, %parallel_loop3A_467 : i32
        %parallel_loop3A_469 = arith.extui %parallel_loop3A_468 : i1 to i32
        %parallel_loop3A_470 = arith.constant 0 : i32
        %parallel_loop3A_471 = arith.cmpi slt, %parallel_loop3A_455, %parallel_loop3A_470 : i32
        %parallel_loop3A_472 = arith.extui %parallel_loop3A_471 : i1 to i32
        %parallel_loop3A_473 = arith.subi %parallel_loop3A_469, %parallel_loop3A_472 : i32
        %parallel_loop3A_474 = vector.broadcast %parallel_loop3A_473 : i32 to vector<16xi32>
        %parallel_loop3A_475 = arith.cmpi ne, %parallel_loop3A_466, %parallel_loop3A_474 : vector<16xi32>
        %parallel_loop3A_476 = vector.broadcast %parallel_loop3A_455 : i32 to vector<16xi32>
        %parallel_loop3A_477 = arith.remsi %parallel_loop3A_454, %parallel_loop3A_476 : vector<16xi32>
        %parallel_loop3A_478 = arith.constant 0 : i32
        %parallel_loop3A_479 = vector.broadcast %parallel_loop3A_478 : i32 to vector<16xi32>
        %parallel_loop3A_480 = arith.cmpi ne, %parallel_loop3A_477, %parallel_loop3A_479 : vector<16xi32>
        %parallel_loop3A_481 = arith.andi %parallel_loop3A_475, %parallel_loop3A_480 : vector<16xi1>
        %parallel_loop3A_482 = arith.constant 1 : i32
        %parallel_loop3A_483 = vector.broadcast %parallel_loop3A_482 : i32 to vector<16xi32>
        %parallel_loop3A_484 = arith.subi %parallel_loop3A_457, %parallel_loop3A_483 : vector<16xi32>
        %parallel_loop3A_485 = arith.select %parallel_loop3A_481, %parallel_loop3A_484, %parallel_loop3A_457 : vector<16xi1>, vector<16xi32>
        %parallel_loop3A_486 = arith.constant 8 : i32
        %parallel_loop3A_487 = arith.constant 0 : i32
        %parallel_loop3A_488 = arith.cmpi eq, %parallel_loop3A_486, %parallel_loop3A_487 : i32
        %parallel_loop3A_489 = arith.constant 1 : i32
        %parallel_loop3A_490 = arith.select %parallel_loop3A_488, %parallel_loop3A_489, %parallel_loop3A_486 : i32
        %parallel_loop3A_491 = vector.broadcast %parallel_loop3A_490 : i32 to vector<16xi32>
        %parallel_loop3A_492 = arith.remsi %parallel_loop3A_454, %parallel_loop3A_491 : vector<16xi32>
        %parallel_loop3A_493 = arith.constant 0 : i32
        %parallel_loop3A_494 = vector.broadcast %parallel_loop3A_493 : i32 to vector<16xi32>
        %parallel_loop3A_495 = arith.cmpi ne, %parallel_loop3A_492, %parallel_loop3A_494 : vector<16xi32>
        %parallel_loop3A_496 = arith.constant 0 : i32
        %parallel_loop3A_497 = vector.broadcast %parallel_loop3A_496 : i32 to vector<16xi32>
        %parallel_loop3A_498 = arith.cmpi slt, %parallel_loop3A_492, %parallel_loop3A_497 : vector<16xi32>
        %parallel_loop3A_499 = arith.constant 0 : i32
        %parallel_loop3A_500 = arith.cmpi slt, %parallel_loop3A_490, %parallel_loop3A_499 : i32
        %parallel_loop3A_501 = vector.broadcast %parallel_loop3A_500 : i1 to vector<16xi1>
        %parallel_loop3A_502 = vector.broadcast %parallel_loop3A_501 : vector<16xi1> to vector<16xi1>
        %parallel_loop3A_503 = arith.xori %parallel_loop3A_498, %parallel_loop3A_502 : vector<16xi1>
        %parallel_loop3A_504 = arith.andi %parallel_loop3A_503, %parallel_loop3A_495 : vector<16xi1>
        %parallel_loop3A_505 = vector.broadcast %parallel_loop3A_490 : i32 to vector<16xi32>
        %parallel_loop3A_506 = arith.addi %parallel_loop3A_492, %parallel_loop3A_505 : vector<16xi32>
        %parallel_loop3A_507 = arith.select %parallel_loop3A_504, %parallel_loop3A_506, %parallel_loop3A_492 : vector<16xi1>, vector<16xi32>
        %parallel_loop3A_508 = arith.constant 8.000000e+00 : f32
        %parallel_loop3A_509 = vector.broadcast %parallel_loop3A_508 : f32 to vector<16xf32>
        %parallel_loop3A_510 = arith.mulf %parallel_loop3A_451, %parallel_loop3A_509 : vector<16xf32>
        tpu.vector_store_idx %arg14[%parallel_loop3A_485, %parallel_loop3A_507, %parallel_loop3A_448], %parallel_loop3A_510 : memref<8x8x128xf32, #tpu.memory_space<vmem>>[vector<16xi32>, vector<16xi32>, vector<16xi32>], vector<16xf32>,
        %parallel_loop3A_511 = arith.index_cast %parallel_loop3A_443 : i32 to index
        %parallel_loop3A_512 = arith.constant 16 : index
        %parallel_loop3A_513 = tpu.vector_load %arg10[%parallel_loop3A_511, %parallel_loop3A_512] {strides = array<i32>} : memref<128x64xf32, #tpu.memory_space<vmem>>, vector<16xf32>,
        %parallel_loop3A_514 = arith.constant 16 : i32
        %parallel_loop3A_515 = vector.broadcast %parallel_loop3A_514 : i32 to vector<16xi32>
        %parallel_loop3A_516 = arith.addi %parallel_loop3A_515, %iota3A : vector<16xi32>
        %parallel_loop3A_517 = arith.constant 8 : i32
        %parallel_loop3A_518 = vector.broadcast %parallel_loop3A_517 : i32 to vector<16xi32>
        %parallel_loop3A_519 = arith.divsi %parallel_loop3A_516, %parallel_loop3A_518 : vector<16xi32>
        %parallel_loop3A_520 = arith.constant 0 : i32
        %parallel_loop3A_521 = vector.broadcast %parallel_loop3A_520 : i32 to vector<16xi32>
        %parallel_loop3A_522 = arith.cmpi sgt, %parallel_loop3A_516, %parallel_loop3A_521 : vector<16xi32>
        %parallel_loop3A_523 = arith.extui %parallel_loop3A_522 : vector<16xi1> to vector<16xi32>
        %parallel_loop3A_524 = arith.constant 0 : i32
        %parallel_loop3A_525 = vector.broadcast %parallel_loop3A_524 : i32 to vector<16xi32>
        %parallel_loop3A_526 = arith.cmpi slt, %parallel_loop3A_516, %parallel_loop3A_525 : vector<16xi32>
        %parallel_loop3A_527 = arith.extui %parallel_loop3A_526 : vector<16xi1> to vector<16xi32>
        %parallel_loop3A_528 = arith.subi %parallel_loop3A_523, %parallel_loop3A_527 : vector<16xi32>
        %parallel_loop3A_529 = arith.constant 0 : i32
        %parallel_loop3A_530 = arith.cmpi sgt, %parallel_loop3A_517, %parallel_loop3A_529 : i32
        %parallel_loop3A_531 = arith.extui %parallel_loop3A_530 : i1 to i32
        %parallel_loop3A_532 = arith.constant 0 : i32
        %parallel_loop3A_533 = arith.cmpi slt, %parallel_loop3A_517, %parallel_loop3A_532 : i32
        %parallel_loop3A_534 = arith.extui %parallel_loop3A_533 : i1 to i32
        %parallel_loop3A_535 = arith.subi %parallel_loop3A_531, %parallel_loop3A_534 : i32
        %parallel_loop3A_536 = vector.broadcast %parallel_loop3A_535 : i32 to vector<16xi32>
        %parallel_loop3A_537 = arith.cmpi ne, %parallel_loop3A_528, %parallel_loop3A_536 : vector<16xi32>
        %parallel_loop3A_538 = vector.broadcast %parallel_loop3A_517 : i32 to vector<16xi32>
        %parallel_loop3A_539 = arith.remsi %parallel_loop3A_516, %parallel_loop3A_538 : vector<16xi32>
        %parallel_loop3A_540 = arith.constant 0 : i32
        %parallel_loop3A_541 = vector.broadcast %parallel_loop3A_540 : i32 to vector<16xi32>
        %parallel_loop3A_542 = arith.cmpi ne, %parallel_loop3A_539, %parallel_loop3A_541 : vector<16xi32>
        %parallel_loop3A_543 = arith.andi %parallel_loop3A_537, %parallel_loop3A_542 : vector<16xi1>
        %parallel_loop3A_544 = arith.constant 1 : i32
        %parallel_loop3A_545 = vector.broadcast %parallel_loop3A_544 : i32 to vector<16xi32>
        %parallel_loop3A_546 = arith.subi %parallel_loop3A_519, %parallel_loop3A_545 : vector<16xi32>
        %parallel_loop3A_547 = arith.select %parallel_loop3A_543, %parallel_loop3A_546, %parallel_loop3A_519 : vector<16xi1>, vector<16xi32>
        %parallel_loop3A_548 = arith.constant 8 : i32
        %parallel_loop3A_549 = arith.constant 0 : i32
        %parallel_loop3A_550 = arith.cmpi eq, %parallel_loop3A_548, %parallel_loop3A_549 : i32
        %parallel_loop3A_551 = arith.constant 1 : i32
        %parallel_loop3A_552 = arith.select %parallel_loop3A_550, %parallel_loop3A_551, %parallel_loop3A_548 : i32
        %parallel_loop3A_553 = vector.broadcast %parallel_loop3A_552 : i32 to vector<16xi32>
        %parallel_loop3A_554 = arith.remsi %parallel_loop3A_516, %parallel_loop3A_553 : vector<16xi32>
        %parallel_loop3A_555 = arith.constant 0 : i32
        %parallel_loop3A_556 = vector.broadcast %parallel_loop3A_555 : i32 to vector<16xi32>
        %parallel_loop3A_557 = arith.cmpi ne, %parallel_loop3A_554, %parallel_loop3A_556 : vector<16xi32>
        %parallel_loop3A_558 = arith.constant 0 : i32
        %parallel_loop3A_559 = vector.broadcast %parallel_loop3A_558 : i32 to vector<16xi32>
        %parallel_loop3A_560 = arith.cmpi slt, %parallel_loop3A_554, %parallel_loop3A_559 : vector<16xi32>
        %parallel_loop3A_561 = arith.constant 0 : i32
        %parallel_loop3A_562 = arith.cmpi slt, %parallel_loop3A_552, %parallel_loop3A_561 : i32
        %parallel_loop3A_563 = vector.broadcast %parallel_loop3A_562 : i1 to vector<16xi1>
        %parallel_loop3A_564 = vector.broadcast %parallel_loop3A_563 : vector<16xi1> to vector<16xi1>
        %parallel_loop3A_565 = arith.xori %parallel_loop3A_560, %parallel_loop3A_564 : vector<16xi1>
        %parallel_loop3A_566 = arith.andi %parallel_loop3A_565, %parallel_loop3A_557 : vector<16xi1>
        %parallel_loop3A_567 = vector.broadcast %parallel_loop3A_552 : i32 to vector<16xi32>
        %parallel_loop3A_568 = arith.addi %parallel_loop3A_554, %parallel_loop3A_567 : vector<16xi32>
        %parallel_loop3A_569 = arith.select %parallel_loop3A_566, %parallel_loop3A_568, %parallel_loop3A_554 : vector<16xi1>, vector<16xi32>
        %parallel_loop3A_570 = arith.constant 8.000000e+00 : f32
        %parallel_loop3A_571 = vector.broadcast %parallel_loop3A_570 : f32 to vector<16xf32>
        %parallel_loop3A_572 = arith.mulf %parallel_loop3A_513, %parallel_loop3A_571 : vector<16xf32>
        tpu.vector_store_idx %arg14[%parallel_loop3A_547, %parallel_loop3A_569, %parallel_loop3A_448], %parallel_loop3A_572 : memref<8x8x128xf32, #tpu.memory_space<vmem>>[vector<16xi32>, vector<16xi32>, vector<16xi32>], vector<16xf32>,
        %parallel_loop3A_573 = arith.index_cast %parallel_loop3A_443 : i32 to index
        %parallel_loop3A_574 = arith.constant 32 : index
        %parallel_loop3A_575 = tpu.vector_load %arg10[%parallel_loop3A_573, %parallel_loop3A_574] {strides = array<i32>} : memref<128x64xf32, #tpu.memory_space<vmem>>, vector<16xf32>,
        %parallel_loop3A_576 = arith.constant 32 : i32
        %parallel_loop3A_577 = vector.broadcast %parallel_loop3A_576 : i32 to vector<16xi32>
        %parallel_loop3A_578 = arith.addi %parallel_loop3A_577, %iota3A : vector<16xi32>
        %parallel_loop3A_579 = arith.constant 8 : i32
        %parallel_loop3A_580 = vector.broadcast %parallel_loop3A_579 : i32 to vector<16xi32>
        %parallel_loop3A_581 = arith.divsi %parallel_loop3A_578, %parallel_loop3A_580 : vector<16xi32>
        %parallel_loop3A_582 = arith.constant 0 : i32
        %parallel_loop3A_583 = vector.broadcast %parallel_loop3A_582 : i32 to vector<16xi32>
        %parallel_loop3A_584 = arith.cmpi sgt, %parallel_loop3A_578, %parallel_loop3A_583 : vector<16xi32>
        %parallel_loop3A_585 = arith.extui %parallel_loop3A_584 : vector<16xi1> to vector<16xi32>
        %parallel_loop3A_586 = arith.constant 0 : i32
        %parallel_loop3A_587 = vector.broadcast %parallel_loop3A_586 : i32 to vector<16xi32>
        %parallel_loop3A_588 = arith.cmpi slt, %parallel_loop3A_578, %parallel_loop3A_587 : vector<16xi32>
        %parallel_loop3A_589 = arith.extui %parallel_loop3A_588 : vector<16xi1> to vector<16xi32>
        %parallel_loop3A_590 = arith.subi %parallel_loop3A_585, %parallel_loop3A_589 : vector<16xi32>
        %parallel_loop3A_591 = arith.constant 0 : i32
        %parallel_loop3A_592 = arith.cmpi sgt, %parallel_loop3A_579, %parallel_loop3A_591 : i32
        %parallel_loop3A_593 = arith.extui %parallel_loop3A_592 : i1 to i32
        %parallel_loop3A_594 = arith.constant 0 : i32
        %parallel_loop3A_595 = arith.cmpi slt, %parallel_loop3A_579, %parallel_loop3A_594 : i32
        %parallel_loop3A_596 = arith.extui %parallel_loop3A_595 : i1 to i32
        %parallel_loop3A_597 = arith.subi %parallel_loop3A_593, %parallel_loop3A_596 : i32
        %parallel_loop3A_598 = vector.broadcast %parallel_loop3A_597 : i32 to vector<16xi32>
        %parallel_loop3A_599 = arith.cmpi ne, %parallel_loop3A_590, %parallel_loop3A_598 : vector<16xi32>
        %parallel_loop3A_600 = vector.broadcast %parallel_loop3A_579 : i32 to vector<16xi32>
        %parallel_loop3A_601 = arith.remsi %parallel_loop3A_578, %parallel_loop3A_600 : vector<16xi32>
        %parallel_loop3A_602 = arith.constant 0 : i32
        %parallel_loop3A_603 = vector.broadcast %parallel_loop3A_602 : i32 to vector<16xi32>
        %parallel_loop3A_604 = arith.cmpi ne, %parallel_loop3A_601, %parallel_loop3A_603 : vector<16xi32>
        %parallel_loop3A_605 = arith.andi %parallel_loop3A_599, %parallel_loop3A_604 : vector<16xi1>
        %parallel_loop3A_606 = arith.constant 1 : i32
        %parallel_loop3A_607 = vector.broadcast %parallel_loop3A_606 : i32 to vector<16xi32>
        %parallel_loop3A_608 = arith.subi %parallel_loop3A_581, %parallel_loop3A_607 : vector<16xi32>
        %parallel_loop3A_609 = arith.select %parallel_loop3A_605, %parallel_loop3A_608, %parallel_loop3A_581 : vector<16xi1>, vector<16xi32>
        %parallel_loop3A_610 = arith.constant 8 : i32
        %parallel_loop3A_611 = arith.constant 0 : i32
        %parallel_loop3A_612 = arith.cmpi eq, %parallel_loop3A_610, %parallel_loop3A_611 : i32
        %parallel_loop3A_613 = arith.constant 1 : i32
        %parallel_loop3A_614 = arith.select %parallel_loop3A_612, %parallel_loop3A_613, %parallel_loop3A_610 : i32
        %parallel_loop3A_615 = vector.broadcast %parallel_loop3A_614 : i32 to vector<16xi32>
        %parallel_loop3A_616 = arith.remsi %parallel_loop3A_578, %parallel_loop3A_615 : vector<16xi32>
        %parallel_loop3A_617 = arith.constant 0 : i32
        %parallel_loop3A_618 = vector.broadcast %parallel_loop3A_617 : i32 to vector<16xi32>
        %parallel_loop3A_619 = arith.cmpi ne, %parallel_loop3A_616, %parallel_loop3A_618 : vector<16xi32>
        %parallel_loop3A_620 = arith.constant 0 : i32
        %parallel_loop3A_621 = vector.broadcast %parallel_loop3A_620 : i32 to vector<16xi32>
        %parallel_loop3A_622 = arith.cmpi slt, %parallel_loop3A_616, %parallel_loop3A_621 : vector<16xi32>
        %parallel_loop3A_623 = arith.constant 0 : i32
        %parallel_loop3A_624 = arith.cmpi slt, %parallel_loop3A_614, %parallel_loop3A_623 : i32
        %parallel_loop3A_625 = vector.broadcast %parallel_loop3A_624 : i1 to vector<16xi1>
        %parallel_loop3A_626 = vector.broadcast %parallel_loop3A_625 : vector<16xi1> to vector<16xi1>
        %parallel_loop3A_627 = arith.xori %parallel_loop3A_622, %parallel_loop3A_626 : vector<16xi1>
        %parallel_loop3A_628 = arith.andi %parallel_loop3A_627, %parallel_loop3A_619 : vector<16xi1>
        %parallel_loop3A_629 = vector.broadcast %parallel_loop3A_614 : i32 to vector<16xi32>
        %parallel_loop3A_630 = arith.addi %parallel_loop3A_616, %parallel_loop3A_629 : vector<16xi32>
        %parallel_loop3A_631 = arith.select %parallel_loop3A_628, %parallel_loop3A_630, %parallel_loop3A_616 : vector<16xi1>, vector<16xi32>
        %parallel_loop3A_632 = arith.constant 8.000000e+00 : f32
        %parallel_loop3A_633 = vector.broadcast %parallel_loop3A_632 : f32 to vector<16xf32>
        %parallel_loop3A_634 = arith.mulf %parallel_loop3A_575, %parallel_loop3A_633 : vector<16xf32>
        tpu.vector_store_idx %arg14[%parallel_loop3A_609, %parallel_loop3A_631, %parallel_loop3A_448], %parallel_loop3A_634 : memref<8x8x128xf32, #tpu.memory_space<vmem>>[vector<16xi32>, vector<16xi32>, vector<16xi32>], vector<16xf32>,
        %parallel_loop3A_635 = arith.index_cast %parallel_loop3A_443 : i32 to index
        %parallel_loop3A_636 = arith.constant 48 : index
        %parallel_loop3A_637 = tpu.vector_load %arg10[%parallel_loop3A_635, %parallel_loop3A_636] {strides = array<i32>} : memref<128x64xf32, #tpu.memory_space<vmem>>, vector<16xf32>,
        %parallel_loop3A_638 = arith.constant 48 : i32
        %parallel_loop3A_639 = vector.broadcast %parallel_loop3A_638 : i32 to vector<16xi32>
        %parallel_loop3A_640 = arith.addi %parallel_loop3A_639, %iota3A : vector<16xi32>
        %parallel_loop3A_641 = arith.constant 8 : i32
        %parallel_loop3A_642 = vector.broadcast %parallel_loop3A_641 : i32 to vector<16xi32>
        %parallel_loop3A_643 = arith.divsi %parallel_loop3A_640, %parallel_loop3A_642 : vector<16xi32>
        %parallel_loop3A_644 = arith.constant 0 : i32
        %parallel_loop3A_645 = vector.broadcast %parallel_loop3A_644 : i32 to vector<16xi32>
        %parallel_loop3A_646 = arith.cmpi sgt, %parallel_loop3A_640, %parallel_loop3A_645 : vector<16xi32>
        %parallel_loop3A_647 = arith.extui %parallel_loop3A_646 : vector<16xi1> to vector<16xi32>
        %parallel_loop3A_648 = arith.constant 0 : i32
        %parallel_loop3A_649 = vector.broadcast %parallel_loop3A_648 : i32 to vector<16xi32>
        %parallel_loop3A_650 = arith.cmpi slt, %parallel_loop3A_640, %parallel_loop3A_649 : vector<16xi32>
        %parallel_loop3A_651 = arith.extui %parallel_loop3A_650 : vector<16xi1> to vector<16xi32>
        %parallel_loop3A_652 = arith.subi %parallel_loop3A_647, %parallel_loop3A_651 : vector<16xi32>
        %parallel_loop3A_653 = arith.constant 0 : i32
        %parallel_loop3A_654 = arith.cmpi sgt, %parallel_loop3A_641, %parallel_loop3A_653 : i32
        %parallel_loop3A_655 = arith.extui %parallel_loop3A_654 : i1 to i32
        %parallel_loop3A_656 = arith.constant 0 : i32
        %parallel_loop3A_657 = arith.cmpi slt, %parallel_loop3A_641, %parallel_loop3A_656 : i32
        %parallel_loop3A_658 = arith.extui %parallel_loop3A_657 : i1 to i32
        %parallel_loop3A_659 = arith.subi %parallel_loop3A_655, %parallel_loop3A_658 : i32
        %parallel_loop3A_660 = vector.broadcast %parallel_loop3A_659 : i32 to vector<16xi32>
        %parallel_loop3A_661 = arith.cmpi ne, %parallel_loop3A_652, %parallel_loop3A_660 : vector<16xi32>
        %parallel_loop3A_662 = vector.broadcast %parallel_loop3A_641 : i32 to vector<16xi32>
        %parallel_loop3A_663 = arith.remsi %parallel_loop3A_640, %parallel_loop3A_662 : vector<16xi32>
        %parallel_loop3A_664 = arith.constant 0 : i32
        %parallel_loop3A_665 = vector.broadcast %parallel_loop3A_664 : i32 to vector<16xi32>
        %parallel_loop3A_666 = arith.cmpi ne, %parallel_loop3A_663, %parallel_loop3A_665 : vector<16xi32>
        %parallel_loop3A_667 = arith.andi %parallel_loop3A_661, %parallel_loop3A_666 : vector<16xi1>
        %parallel_loop3A_668 = arith.constant 1 : i32
        %parallel_loop3A_669 = vector.broadcast %parallel_loop3A_668 : i32 to vector<16xi32>
        %parallel_loop3A_670 = arith.subi %parallel_loop3A_643, %parallel_loop3A_669 : vector<16xi32>
        %parallel_loop3A_671 = arith.select %parallel_loop3A_667, %parallel_loop3A_670, %parallel_loop3A_643 : vector<16xi1>, vector<16xi32>
        %parallel_loop3A_672 = arith.constant 8 : i32
        %parallel_loop3A_673 = arith.constant 0 : i32
        %parallel_loop3A_674 = arith.cmpi eq, %parallel_loop3A_672, %parallel_loop3A_673 : i32
        %parallel_loop3A_675 = arith.constant 1 : i32
        %parallel_loop3A_676 = arith.select %parallel_loop3A_674, %parallel_loop3A_675, %parallel_loop3A_672 : i32
        %parallel_loop3A_677 = vector.broadcast %parallel_loop3A_676 : i32 to vector<16xi32>
        %parallel_loop3A_678 = arith.remsi %parallel_loop3A_640, %parallel_loop3A_677 : vector<16xi32>
        %parallel_loop3A_679 = arith.constant 0 : i32
        %parallel_loop3A_680 = vector.broadcast %parallel_loop3A_679 : i32 to vector<16xi32>
        %parallel_loop3A_681 = arith.cmpi ne, %parallel_loop3A_678, %parallel_loop3A_680 : vector<16xi32>
        %parallel_loop3A_682 = arith.constant 0 : i32
        %parallel_loop3A_683 = vector.broadcast %parallel_loop3A_682 : i32 to vector<16xi32>
        %parallel_loop3A_684 = arith.cmpi slt, %parallel_loop3A_678, %parallel_loop3A_683 : vector<16xi32>
        %parallel_loop3A_685 = arith.constant 0 : i32
        %parallel_loop3A_686 = arith.cmpi slt, %parallel_loop3A_676, %parallel_loop3A_685 : i32
        %parallel_loop3A_687 = vector.broadcast %parallel_loop3A_686 : i1 to vector<16xi1>
        %parallel_loop3A_688 = vector.broadcast %parallel_loop3A_687 : vector<16xi1> to vector<16xi1>
        %parallel_loop3A_689 = arith.xori %parallel_loop3A_684, %parallel_loop3A_688 : vector<16xi1>
        %parallel_loop3A_690 = arith.andi %parallel_loop3A_689, %parallel_loop3A_681 : vector<16xi1>
        %parallel_loop3A_691 = vector.broadcast %parallel_loop3A_676 : i32 to vector<16xi32>
        %parallel_loop3A_692 = arith.addi %parallel_loop3A_678, %parallel_loop3A_691 : vector<16xi32>
        %parallel_loop3A_693 = arith.select %parallel_loop3A_690, %parallel_loop3A_692, %parallel_loop3A_678 : vector<16xi1>, vector<16xi32>
        %parallel_loop3A_694 = arith.constant 8.000000e+00 : f32
        %parallel_loop3A_695 = vector.broadcast %parallel_loop3A_694 : f32 to vector<16xf32>
        %parallel_loop3A_696 = arith.mulf %parallel_loop3A_637, %parallel_loop3A_695 : vector<16xf32>
        tpu.vector_store_idx %arg14[%parallel_loop3A_671, %parallel_loop3A_693, %parallel_loop3A_448], %parallel_loop3A_696 : memref<8x8x128xf32, #tpu.memory_space<vmem>>[vector<16xi32>, vector<16xi32>, vector<16xi32>], vector<16xf32>,
      } {sc.loop_unroll_factor = 4 : i64, sc.parallel_access}
      %mul3A_429 = arith.constant 4 : i32
      %mul3A_430 = arith.muli %add3A, %mul3A_429 : i32
      %add3A_431 = arith.constant 3 : i32
      %add3A_432 = arith.addi %mul3A_430, %add3A_431 : i32
      %dma_start3A_433 = arith.constant 0 : i32
      %dma_start3A_434 = arith.constant 0 : i32
      %dma_start3A_435 = arith.constant 0 : i32
      %dma_start3A_436 = tpu.memref_slice %arg4[%add3A_88, %dma_start3A_433, %add3A_432, %dma_start3A_434, %dma_start3A_435] : memref<50x8x128x8x128xf32, #tpu.memory_space<hbm>> -> memref<1x8x1x8x128xf32, #tpu.memory_space<hbm>>
      %dma_start3A_437 = tpu.memref_squeeze %dma_start3A_436 : memref<1x8x1x8x128xf32, #tpu.memory_space<hbm>> -> memref<8x8x128xf32, #tpu.memory_space<hbm>>
      %dma_start3A_438 = arith.constant 0 : i32
      %dma_start3A_439 = arith.constant 0 : i32
      %dma_start3A_440 = arith.constant 0 : i32
      %dma_start3A_441 = tpu.memref_slice %arg4[%add3A_88, %dma_start3A_438, %add3A_432, %dma_start3A_439, %dma_start3A_440] : memref<50x8x128x8x128xf32, #tpu.memory_space<hbm>> -> memref<1x8x1x8x128xf32, #tpu.memory_space<hbm>>
      %dma_start3A_442 = tpu.memref_squeeze %dma_start3A_441 : memref<1x8x1x8x128xf32, #tpu.memory_space<hbm>> -> memref<8x8x128xf32, #tpu.memory_space<hbm>>
      tpu.enqueue_dma source(%arg14 : memref<8x8x128xf32, #tpu.memory_space<vmem>>) target(%dma_start3A_442 : memref<8x8x128xf32, #tpu.memory_space<hbm>>) target_semaphore(%arg22 : memref<!tpu.dma_semaphore, #tpu.memory_space<semaphore_mem>>)
    }
    %scan3A_24 = arith.constant 50 : i32
    %mul3A_25 = arith.constant 4 : i32
    %mul3A_26 = arith.muli %add3A, %mul3A_25 : i32
    %add3A_27 = arith.constant 0 : i32
    %add3A_28 = arith.addi %mul3A_26, %add3A_27 : i32
    %dma_wait3A = arith.constant 49 : i32
    %dma_wait3A_29 = arith.constant 0 : i32
    %dma_wait3A_30 = arith.constant 0 : i32
    %dma_wait3A_31 = arith.constant 0 : i32
    %dma_wait3A_32 = tpu.memref_slice %arg4[%dma_wait3A, %dma_wait3A_29, %add3A_28, %dma_wait3A_30, %dma_wait3A_31] : memref<50x8x128x8x128xf32, #tpu.memory_space<hbm>> -> memref<1x8x1x8x128xf32, #tpu.memory_space<hbm>>
    %dma_wait3A_33 = tpu.memref_squeeze %dma_wait3A_32 : memref<1x8x1x8x128xf32, #tpu.memory_space<hbm>> -> memref<8x8x128xf32, #tpu.memory_space<hbm>>
    %dma_wait3A_34 = arith.constant 0 : i32
    %dma_wait3A_35 = arith.constant 0 : i32
    %dma_wait3A_36 = arith.constant 0 : i32
    %dma_wait3A_37 = tpu.memref_slice %arg4[%dma_wait3A, %dma_wait3A_34, %add3A_28, %dma_wait3A_35, %dma_wait3A_36] : memref<50x8x128x8x128xf32, #tpu.memory_space<hbm>> -> memref<1x8x1x8x128xf32, #tpu.memory_space<hbm>>
    %dma_wait3A_38 = tpu.memref_squeeze %dma_wait3A_37 : memref<1x8x1x8x128xf32, #tpu.memory_space<hbm>> -> memref<8x8x128xf32, #tpu.memory_space<hbm>>
    tpu.wait_dma2 semaphore(%arg19 : memref<!tpu.dma_semaphore, #tpu.memory_space<semaphore_mem>>) src(%arg11 : memref<8x8x128xf32, #tpu.memory_space<vmem>>) dst(%dma_wait3A_38 : memref<8x8x128xf32, #tpu.memory_space<hbm>>)
    %mul3A_39 = arith.constant 4 : i32
    %mul3A_40 = arith.muli %add3A, %mul3A_39 : i32
    %add3A_41 = arith.constant 1 : i32
    %add3A_42 = arith.addi %mul3A_40, %add3A_41 : i32
    %dma_wait3A_43 = arith.constant 49 : i32
    %dma_wait3A_44 = arith.constant 0 : i32
    %dma_wait3A_45 = arith.constant 0 : i32
    %dma_wait3A_46 = arith.constant 0 : i32
    %dma_wait3A_47 = tpu.memref_slice %arg4[%dma_wait3A_43, %dma_wait3A_44, %add3A_42, %dma_wait3A_45, %dma_wait3A_46] : memref<50x8x128x8x128xf32, #tpu.memory_space<hbm>> -> memref<1x8x1x8x128xf32, #tpu.memory_space<hbm>>
    %dma_wait3A_48 = tpu.memref_squeeze %dma_wait3A_47 : memref<1x8x1x8x128xf32, #tpu.memory_space<hbm>> -> memref<8x8x128xf32, #tpu.memory_space<hbm>>
    %dma_wait3A_49 = arith.constant 0 : i32
    %dma_wait3A_50 = arith.constant 0 : i32
    %dma_wait3A_51 = arith.constant 0 : i32
    %dma_wait3A_52 = tpu.memref_slice %arg4[%dma_wait3A_43, %dma_wait3A_49, %add3A_42, %dma_wait3A_50, %dma_wait3A_51] : memref<50x8x128x8x128xf32, #tpu.memory_space<hbm>> -> memref<1x8x1x8x128xf32, #tpu.memory_space<hbm>>
    %dma_wait3A_53 = tpu.memref_squeeze %dma_wait3A_52 : memref<1x8x1x8x128xf32, #tpu.memory_space<hbm>> -> memref<8x8x128xf32, #tpu.memory_space<hbm>>
    tpu.wait_dma2 semaphore(%arg20 : memref<!tpu.dma_semaphore, #tpu.memory_space<semaphore_mem>>) src(%arg12 : memref<8x8x128xf32, #tpu.memory_space<vmem>>) dst(%dma_wait3A_53 : memref<8x8x128xf32, #tpu.memory_space<hbm>>)
    %mul3A_54 = arith.constant 4 : i32
    %mul3A_55 = arith.muli %add3A, %mul3A_54 : i32
    %add3A_56 = arith.constant 2 : i32
    %add3A_57 = arith.addi %mul3A_55, %add3A_56 : i32
    %dma_wait3A_58 = arith.constant 49 : i32
    %dma_wait3A_59 = arith.constant 0 : i32
    %dma_wait3A_60 = arith.constant 0 : i32
    %dma_wait3A_61 = arith.constant 0 : i32
    %dma_wait3A_62 = tpu.memref_slice %arg4[%dma_wait3A_58, %dma_wait3A_59, %add3A_57, %dma_wait3A_60, %dma_wait3A_61] : memref<50x8x128x8x128xf32, #tpu.memory_space<hbm>> -> memref<1x8x1x8x128xf32, #tpu.memory_space<hbm>>
    %dma_wait3A_63 = tpu.memref_squeeze %dma_wait3A_62 : memref<1x8x1x8x128xf32, #tpu.memory_space<hbm>> -> memref<8x8x128xf32, #tpu.memory_space<hbm>>
    %dma_wait3A_64 = arith.constant 0 : i32
    %dma_wait3A_65 = arith.constant 0 : i32
    %dma_wait3A_66 = arith.constant 0 : i32
    %dma_wait3A_67 = tpu.memref_slice %arg4[%dma_wait3A_58, %dma_wait3A_64, %add3A_57, %dma_wait3A_65, %dma_wait3A_66] : memref<50x8x128x8x128xf32, #tpu.memory_space<hbm>> -> memref<1x8x1x8x128xf32, #tpu.memory_space<hbm>>
    %dma_wait3A_68 = tpu.memref_squeeze %dma_wait3A_67 : memref<1x8x1x8x128xf32, #tpu.memory_space<hbm>> -> memref<8x8x128xf32, #tpu.memory_space<hbm>>
    tpu.wait_dma2 semaphore(%arg21 : memref<!tpu.dma_semaphore, #tpu.memory_space<semaphore_mem>>) src(%arg13 : memref<8x8x128xf32, #tpu.memory_space<vmem>>) dst(%dma_wait3A_68 : memref<8x8x128xf32, #tpu.memory_space<hbm>>)
    %mul3A_69 = arith.constant 4 : i32
    %mul3A_70 = arith.muli %add3A, %mul3A_69 : i32
    %add3A_71 = arith.constant 3 : i32
    %add3A_72 = arith.addi %mul3A_70, %add3A_71 : i32
    %dma_wait3A_73 = arith.constant 49 : i32
    %dma_wait3A_74 = arith.constant 0 : i32
    %dma_wait3A_75 = arith.constant 0 : i32
    %dma_wait3A_76 = arith.constant 0 : i32
    %dma_wait3A_77 = tpu.memref_slice %arg4[%dma_wait3A_73, %dma_wait3A_74, %add3A_72, %dma_wait3A_75, %dma_wait3A_76] : memref<50x8x128x8x128xf32, #tpu.memory_space<hbm>> -> memref<1x8x1x8x128xf32, #tpu.memory_space<hbm>>
    %dma_wait3A_78 = tpu.memref_squeeze %dma_wait3A_77 : memref<1x8x1x8x128xf32, #tpu.memory_space<hbm>> -> memref<8x8x128xf32, #tpu.memory_space<hbm>>
    %dma_wait3A_79 = arith.constant 0 : i32
    %dma_wait3A_80 = arith.constant 0 : i32
    %dma_wait3A_81 = arith.constant 0 : i32
    %dma_wait3A_82 = tpu.memref_slice %arg4[%dma_wait3A_73, %dma_wait3A_79, %add3A_72, %dma_wait3A_80, %dma_wait3A_81] : memref<50x8x128x8x128xf32, #tpu.memory_space<hbm>> -> memref<1x8x1x8x128xf32, #tpu.memory_space<hbm>>
    %dma_wait3A_83 = tpu.memref_squeeze %dma_wait3A_82 : memref<1x8x1x8x128xf32, #tpu.memory_space<hbm>> -> memref<8x8x128xf32, #tpu.memory_space<hbm>>
    tpu.wait_dma2 semaphore(%arg22 : memref<!tpu.dma_semaphore, #tpu.memory_space<semaphore_mem>>) src(%arg14 : memref<8x8x128xf32, #tpu.memory_space<vmem>>) dst(%dma_wait3A_83 : memref<8x8x128xf32, #tpu.memory_space<hbm>>)
    return
  }
}

</mosaic_0001>

<sc_bundles>
// kernel: _embed_lookup.3.cloned.1.call-start
scs
__scs_entry_jumppad:
0x0: {  	(pc) =	sbr.rel $0x88, $3  }
0x1: {  	(tag) =	ssettag $0x0;
	lr =	simm.s32 $0x1  }
0x2: {  	[smem:$0x3F9F] =	sst lr;
	_ =	strace $0xD0000000  }
0x3: {  	_ = 	snop  }
0x4: {  	_ = 	snop  }
0x5: {  	_ = 	snop  }
0x6: {  	_ = 	snop  }
0x7: {  	_ = 	snop  }
__scs_overlays_trampoline_lowered:
0x8: {  	[smem:$0x3FAE] =	sst s0  }
0x9: {  	[smem:$0x3FAF] =	sst s1  }
0xa: {  	[smem:$0x3FB0] =	sst s2  }
0xb: {  	[smem:$0x3FB1] =	sst s3  }
0xc: {  	[smem:$0x3FB2] =	sst s4  }
0xd: {  	[smem:$0x3FB3] =	sst s5  }
0xe: {  	[smem:$0x3FB4] =	sst s6  }
0xf: {  	[smem:$0x3FB5] =	sst s7  }
0x10: {  	[smem:$0x3FB6] =	sst s8  }
0x11: {  	[smem:$0x3FB7] =	sst s9;
	s0 =	simm.s32 @!p0 $0x0  }
0x12: {  	s1 =	sld [smem:$0x3F9D];
	s0 =	simm.s32 @p0 $0x1  }
0x13: {  	[smem:$0x3FB8] =	sst s0;
	s0 =	simm.s32 @!p1 $0x0  }
0x14: {  	s2 =	sld [smem:$0x3F9C];
	s0 =	simm.s32 @p1 $0x1  }
0x15: {  	[smem:$0x3FB9] =	sst s0;
	s0 =	simm.s32 @!p2 $0x0  }
0x16: {  	s3 =	sld [smem:$0x3FDB];
	s0 =	simm.s32 @p2 $0x1  }
0x17: {  	s4 =	simm.s32 $0x1BF5;
	[smem:$0x3FBB] =	sst s0  }
0x18: {  	s0 =	sld [smem:$0x3F9E];
	_ =	swait.ge [sflag:s4], $0x0  }
0x19: {  	s7 =	sld [smem:$0x3F9F]  }
0x1a: {  	s8 =	sadd.s32 $0xFFFFE003, lr  }
0x1b: {  	s9 =	sadd.s32 $0xFFFFFEF7, lr;
	s5 =	simm.s32 $0xFFFFFFFF;
	p2 =	slt.u32 s8, $0xFFFFF086  }
0x1c: {  	p1 =	slt.u32 s9, $0xF7A;
	s5 =	simm.s32 @!p2 $0x0  }
0x1d: {  	s5 =	simm.s32 @p1 $0x1;
	p0 =	seq.s32 s7, s2  }
0x1e: {  	s7 =	smul.u32 @!p0 $0xF7A, s2;
	p2 =	seq.s32 @!p0 s5, $0x0  }
0x1f: {  	s9 =	smul.u32 $0xF7A, s1;
	s8 =	simm.s32 @!p0 $0x1BF5;
	p2 =	por !p2, p0  }
0x20: {  	[sflag:s8] =	ssyncset.s32 @!p0 $0xFFFFF086;
	s6 =	sadd.s32 @!p0 s3, s7;
	s7 =	simm.s32 @!p0 $0x108  }
0x21: {  	s3 =	sadd.s32 s3, s9;
	s6 =	sadd.s32 @!p0 $0x88, s6;
	s7 =	simm.s32 @p2 $0x1082  }
0x22: {  	[simem:s7], [sflag:s8] =	dma.local @!p0 [hbm:s6], $0xF7A  }
0x23: {  	s9 =	sor.u32 $0xD0000000, s2;
	s6 =	simm.s32 $0x108;
	_ =	swait.ge @!p0 [sflag:s8], $0x0  }
0x24: {  	s3 =	sadd.s32 $0x88, s3;
	s6 =	simm.s32 @!p1 $0x1082;
	[sflag:s4] =	ssyncset.s32 $0xFFFFF086  }
0x25: {  	[simem:s6], [sflag:s4] =	dma.local [hbm:s3], $0xF7A  }
0x26: {  	[smem:$0x3F9F] =	sst s1;
	(tag) =	ssettag s2;
	_ =	strace s9  }
0x27: {  	s1 =	sld [smem:$0x3FAF]  }
0x28: {  	s2 =	sld [smem:$0x3FB0]  }
0x29: {  	s4 =	sld [smem:$0x3FB2]  }
0x2a: {  	p0 =	seq.s32 s5, $0x0;
	s5 =	sld [smem:$0x3FB3]  }
0x2b: {  	s6 =	sld [smem:$0x3FB4]  }
0x2c: {  	s7 =	sld [smem:$0x3FB5]  }
0x2d: {  	s3 =	simm.s32 $0x108;
	s8 =	sld [smem:$0x3FB6]  }
0x2e: {  	s3 =	simm.s32 @!p0 $0x1082;
	s9 =	sld [smem:$0x3FB7]  }
0x2f: {  	lr =	sadd.s32 s0, s3;
	s0 =	sld [smem:$0x3FAE]  }
0x30: {  	s3 =	sld [smem:$0x3FB1]  }
0x31: {  	[smem:$0x3FBA] =	sst s10  }
0x32: {  	s10 =	sld [smem:$0x3FB8];
	_ =	sdelay $0x3  }
0x33: {  	p0 =	seq.s32 s10, $0x1;
	s10 =	sld [smem:$0x3FBA];
	_ =	sdelay $0x3  }
0x34: {  	[smem:$0x3FBA] =	sst s10  }
0x35: {  	s10 =	sld [smem:$0x3FB9];
	_ =	sdelay $0x3  }
0x36: {  	p1 =	seq.s32 s10, $0x1;
	s10 =	sld [smem:$0x3FBA];
	_ =	sdelay $0x3  }
0x37: {  	[smem:$0x3FBA] =	sst s10  }
0x38: {  	s10 =	sld [smem:$0x3FBB]  }
0x39: {  	_ = 	snop;
	(pc) =	sbr.ind lr, $3  }
0x3a: {  	_ = 	snop  }
0x3b: {  	_ = 	snop  }
0x3c: {  	p2 =	seq.s32 s10, $0x1;
	s10 =	sld [smem:$0x3FBA]  }
0x3d: {  	_ =	shalt  }
0x3e: {  	_ =	shalt  }
0x3f: {  	_ =	shalt  }
0x40: {  	_ =	shalt  }
0x41: {  	_ =	shalt  }
0x42: {  	_ =	shalt  }
0x43: {  	_ =	shalt  }
0x44: {  	_ =	shalt  }
0x45: {  	_ =	shalt  }
0x46: {  	_ =	shalt  }
0x47: {  	_ =	shalt  }
0x48: {  	_ =	shalt  }
0x49: {  	_ =	shalt  }
0x4a: {  	_ =	shalt  }
0x4b: {  	_ =	shalt  }
0x4c: {  	_ =	shalt  }
0x4d: {  	_ =	shalt  }
0x4e: {  	_ =	shalt  }
0x4f: {  	_ =	shalt  }
0x50: {  	_ =	shalt  }
0x51: {  	_ =	shalt  }
0x52: {  	_ =	shalt  }
0x53: {  	_ =	shalt  }
0x54: {  	_ =	shalt  }
0x55: {  	_ =	shalt  }
0x56: {  	_ =	shalt  }
0x57: {  	_ =	shalt  }
0x58: {  	_ =	shalt  }
0x59: {  	_ =	shalt  }
0x5a: {  	_ =	shalt  }
0x5b: {  	_ =	shalt  }
0x5c: {  	_ =	shalt  }
0x5d: {  	_ =	shalt  }
0x5e: {  	_ =	shalt  }
0x5f: {  	_ =	shalt  }
0x60: {  	_ =	shalt  }
0x61: {  	_ =	shalt  }
0x62: {  	_ =	shalt  }
0x63: {  	_ =	shalt  }
0x64: {  	_ =	shalt  }
0x65: {  	_ =	shalt  }
0x66: {  	_ =	shalt  }
0x67: {  	_ =	shalt  }
0x68: {  	_ =	shalt  }
0x69: {  	_ =	shalt  }
0x6a: {  	_ =	shalt  }
0x6b: {  	_ =	shalt  }
0x6c: {  	_ =	shalt  }
0x6d: {  	_ =	shalt  }
0x6e: {  	_ =	shalt  }
0x6f: {  	_ =	shalt  }
0x70: {  	_ =	shalt  }
0x71: {  	_ =	shalt  }
0x72: {  	_ =	shalt  }
0x73: {  	_ =	shalt  }
0x74: {  	_ =	shalt  }
0x75: {  	_ =	shalt  }
0x76: {  	_ =	shalt  }
0x77: {  	_ =	shalt  }
0x78: {  	_ =	shalt  }
0x79: {  	_ =	shalt  }
0x7a: {  	_ =	shalt  }
0x7b: {  	_ =	shalt  }
0x7c: {  	_ =	shalt  }
0x7d: {  	_ =	shalt  }
0x7e: {  	_ =	shalt  }
0x7f: {  	_ =	shalt  }
0x80: {  	_ =	shalt  }
0x81: {  	_ =	shalt  }
0x82: {  	_ =	shalt  }
0x83: {  	_ =	shalt  }
0x84: {  	_ =	shalt  }
0x85: {  	_ =	shalt  }
0x86: {  	_ =	shalt  }
0x87: {  	_ =	shalt  }
.Lfunc_end0:
.L_simem_size_0:
called_computation_lowered:
.L_overlay_start_0:
0x88: {  	s2 =	sld [smem:$0x3FD9]  }
0x89: {  	s3 =	sld [smem:$0x3FFE];
	_ =	sdelay $0x1  }
0x8a: {  	s1 =	srdreg.scid  }
0x8b: {  	s0 =	sand.u32 $0x1, s1  }
0x8c: {  	s17 =	sshll.u32 s0, $0xA;
	s2 =	sadd.s32 s3, s2  }
0x8d: {  	s2 =	sadd.s32 s2, s17  }
0x8e: {  	[smem:$0x3FC6] =	sst s2  }
0x8f: {  	_ = 	snop  }
0x90: {  	s2 =	sld [smem:$0x3FD0];
	(tm) =	ssettm $0x1  }
0x91: {  	s18 =	sld [smem:$0x3FFB];
	_ =	sdelay $0x3  }
0x92: {  	_ =	strace s18  }
0x93: {  	s3 =	sld [smem:$0x3FFC];
	_ =	sdelay $0x3  }
0x94: {  	_ =	strace s3  }
0x95: {  	s3 =	sld [smem:$0x3FFD];
	_ =	sdelay $0x3  }
0x96: {  	_ =	strace s3  }
0x97: {  	_ =	strace $0x8FFFFFFF  }
0x98: {  	s19 =	sld [smem:$0x3FDB];
	_ =	sdelay $0x1  }
0x99: {  	s4 =	simm.s32 $_scs_section_size  }
0x9a: {  	s5 =	simm.s32 $_size__tile_overlayer_lowered;
	s6 =	simm.s32 $_tile_overlayer_lowered  }
0x9b: {  	s22 =	simm.s32 $0x1BFF;
	s21 =	sshll.u32 s6, $0x1;
	s3 =	sadd.s32 s4, s19  }
0x9c: {  	s7 =	simm.s32 $0x0;
	s20 =	sshll.u32 s5, $0x1;
	s5 =	sadd.s32 s21, s3  }
0x9d: {  	[timem:s7], [sflag:s22] =	dma.local [hbm:s5], s20  }
0x9e: {  	_ =	swait.ge [sflag:s22], s20  }
0x9f: {  	s4 =	ssub.s32 $0x0, s20;
	[sflag:s22] =	ssyncset.done $0x0  }
0xa0: {  	[sflag:s22] =	ssyncadd.s32 s4;
	_ =	sdelay $0x1  }
0xa1: {  	s23 =	simm.s32 $0x1B8B  }
0xa2: {  	_ =	swait.ge [sflag:s23], $0x1  }
0xa3: {  	[sflag:s23] =	ssyncset.done $0x0  }
0xa4: {  	s25 =	simm.s32 $0x1B8E;
	s24 =	sld [smem:$0x3FFE];
	[sflag:s23] =	ssyncadd.s32 $0xFFFFFFFF  }
0xa5: {  	s26 =	simm.s32 $execute0_lowered;
	[smem:$0x3FD2] =	sst s25  }
0xa6: {  	s5 =	sshll.u32 s26, $0x1;
	_ =	strace $0x80000046;
	[dreg:$0x1] =	wrdreg $0xFFFFFFFF  }
0xa7: {  	s28 =	simm.s32 $_size_execute0_lowered;
	s3 =	sadd.s32 s3, s5;
	[dreg:$0x0] =	wrdreg $0x0  }
0xa8: {  	s5 =	sshll.u32 s28, $0x1;
	[dreg:$0x2] =	wrdreg s3  }
0xa9: {  	[dreg:$0x3] =	wrdreg s5  }
0xaa: {  	[dreg:$0x4] =	wrdreg $0xC0  }
0xab: {  	_ =	task [dreg:s7], $0x5FFFF  }
0xac: {  	[dreg:$0x1] =	wrdreg $0xFFFFFFFF  }
0xad: {  	[dreg:$0x0] =	wrdreg $0x60  }
0xae: {  	[dreg:$0x2] =	wrdreg s24  }
0xaf: {  	[dreg:$0x3] =	wrdreg s2  }
0xb0: {  	[dreg:$0x4] =	wrdreg $0x9  }
0xb1: {  	_ =	task.clear_ibuf [dreg:s7], $0x5FFFF;
	_ =	strace $0x90000046  }
0xb2: {  	s29 =	simm.s32 $0x9;
	_ =	strace $0x80000048  }
0xb3: {  	_ =	swait.ge [sflag:s29], $0x1  }
0xb4: {  	[sflag:s29] =	ssyncadd.s32 $0xFFFFFFFF  }
0xb5: {  	_ =	strace $0x90000048  }
0xb6: {  	_ =	sfence  }
0xb7: {  	s30 =	sld [smem:$0x0];
	_ =	sdelay $0x2  }
0xb8: {  	s31 =	sshll.u32 s1, $0xD;
	s1 =	sshrl.u32 s1, $0x2  }
0xb9: {  	s3 =	sand.u32 $0x4000, s31;
	s1 =	sadd.s32 s1, s30  }
0xba: {  	s0 =	sor.u32 s3, s0;
	s1 =	sshll.u32 s1, $0x11  }
0xbb: {  	s0 =	sor.u32 s1, s0  }
0xbc: {  	s0 =	sadd.s32 $0x8F2B, s0  }
0xbd: {  	[sflag:s0] =	ssyncadd.remote.s32 $0x1  }
0xbe: {  	_ =	sfence.sel $0xFFFF  }
0xbf: {  	[dreg:$0x0] =	wrdreg $0xFFFFFFFF;
	(pc) =	sbr.abs _section_cstart, $3  }
0xc0: {  	[dreg:$0x1] =	wrdreg $0xFFFFFFFF  }
0xc1: {  	_ =	task.clear_ibuf [dreg:s7], $0x2FFFF;
	_ =	strace $0x9FFFFFFF  }
0xc2: {  	(tm) =	ssettm $0x7FFFFFFF  }
0xc3: {  	_ =	shalt  }
tec
execute0_lowered:
.L_overlay_start_1:
0x0: {  	(tag) =	ssettag $0x1  }
0x1: {  	s0 =	srdreg.scid  }
0x2: {  	s2 =	stileid.u32;
	s1 =	rddreg [dreg:$0x0]  }
0x3: {  	s12 =	simm.s32 $0x7000;
	s19 =	simm.s32 $0x1;
	s21 =	simm.s32 $0x15400  }
0x4: {  	s22 =	simm.s32 $0x400;
	s23 =	simm.s32 $0x20000;
	s24 =	simm.s32 $0x2  }
0x5: {  	s25 =	simm.s32 $0x17400;
	s28 =	simm.s32 $0x19400;
	s29 =	simm.s32 $0x4  }
0x6: {  	s30 =	simm.s32 $0x1B400;
	s14 =	simm.s32 $0x8;
	s10 =	simm.s32 $0x0  }
0x7: {  	s0 =	sand.u32 $0x1, s0;
	s3 =	sshll.u32 s2, $0x1;
	s2 =	rddreg [dreg:$0x1]  }
0x8: {  	s5 =	sor.u32 s0, s3;
	s3 =	simm.s32 $0x0;
	s0 =	ssub.s32 $0x2, s0  }
0x9: {  	s4 =	smul.u32 $0xE00, s5;
	[smem:$0x7FF] =	sst s3;
	s26 =	sshrl.u32 s0, $0x1  }
0xa: {  	v4 =	vlaneseq.u32;
	s5 =	sshll.u32 s5, $0xC;
	_ =	strace $0x80000047;
	s0 =	ssub.s32 s0, s26  }
0xb: {  	v0 =	vmul.u32 $0x200, v4;
	s7 =	sor.u32 $0x400, s5;
	s8 =	sor.u32 $0x800, s5;
	s9 =	sor.u32 $0xC00, s5  }
0xc: {  	v2 =	vmul.u32 $0x80, v4;
	v4 =	vor.u32 $0x30, v4;
	s26 =	simm.s32 $0x3;
	s6 =	sadd.s32 s4, s1;
	s0 =	smax.u32 s0, $0x1  }
0xd: {  	v1 =	vor.u32 $0x2000, v0;
	v3 =	vor.u32 $0x4000, v0;
	v5 =	vor.u32 $0x6000, v0;
	s4 =	sadd.s32 $0xF42A00, s1;
	s31 =	sadd.s32 $0x600, s6;
	[dreg:$0x4] =	wrdreg s0  }
0xe: {  	v6 =	vor.u32 $0x800, v2;
	v7 =	vor.u32 $0x1000, v2;
	v8 =	vor.u32 $0x1800, v2;
	s1 =	simm.s32 $0x6;
	s0 =	simm.s32 $0x7;
	[dreg:$0x3] =	wrdreg s31  }
.LBB2_1:
0xf: {  	[dreg:$0x5] =	wrdreg s10  }
0x10: {  	s6 =	rddreg [dreg:$0x3];
	s20 =	simm.s32 $0x9  }
0x11: {  	[tilespmem:s3], [sflag:$0x9] =	stream.linear.gather [hbm4b:s6+s3], $0x7000, $0x38;
	[tilespmem:$0x1D400] =	vst v63  }
0x12: {  	_ =	swait.ge [sflag:s20], $0x7000  }
0x13: {  	[sflag:s20] =	ssyncset.done $0x0  }
0x14: {  	s11 =	simm.s32 $0x38;
	s13 =	simm.s32 $0x1;
	[sflag:s20] =	ssyncadd.s32 $0xFFFF9000  }
0x15: {  	v10 =	vor.u32 s13, v0;
	v9 =	vld [tilespmem:s11+$0x0]  }
0x16: {  	v12 =	vor.u32 s3, v0;
	v11 =	vld [tilespmem:s11+$0xFFFFFFC8];
	_ =	sdelay $0x1  }
0x17: {  	s10 =	simm.s32 $0x3;
	s15 =	simm.s32 $0xA8  }
0x18: {  	s6 =	simm.s32 $0x2;
	v14 =	vor.u32 s10, v0;
	v13 =	vld [tilespmem:s15+$0x0]  }
0x19: {  	v16 =	vor.u32 s6, v0;
	v15 =	vld [tilespmem:s15+$0xFFFFFFC8];
	[tilespmem:v10+s12+$0x0] =	vst.idx.msk $0xffff, v9  }
0x1a: {  	[tilespmem:v12+s12+$0x0] =	vst.idx.msk $0xffff, v11;
	v10 =	vor.u32 s13, v1;
	v9 =	vld [tilespmem:s11+$0x10]  }
0x1b: {  	v12 =	vor.u32 s3, v1;
	v11 =	vld [tilespmem:s11+$0xFFFFFFD8];
	_ =	sdelay $0x1  }
0x1c: {  	[tilespmem:v14+s12+$0x0] =	vst.idx.msk $0xffff, v13  }
0x1d: {  	v17 =	vmov s13;
	[tilespmem:v16+s12+$0x0] =	vst.idx.msk $0xffff, v15  }
0x1e: {  	v18 =	vmov s3;
	v16 =	vor.u32 s10, v1;
	v15 =	vld [tilespmem:s15+$0x10];
	[tilespmem:v10+s12+$0x0] =	vst.idx.msk $0xffff, v9;
	v9 =	vmul.u32 $0x38, v17  }
0x1f: {  	[tilespmem:v12+s12+$0x0] =	vst.idx.msk $0xffff, v11;
	v10 =	vmul.u32 $0x38, v18;
	v12 =	vor.u32 s13, v3;
	v11 =	vld [tilespmem:s11+$0x20]  }
0x20: {  	v14 =	vor.u32 s3, v3;
	v13 =	vld [tilespmem:s11+$0xFFFFFFE8];
	v9 =	vadd.s32 v4, v9  }
0x21: {  	s18 =	simm.s32 $0x118;
	v17 =	vld [tilespmem:s15+$0xFFFFFFD8];
	v18 =	vor.u32 s6, v1;
	s11 =	simm.s32 $0x5;
	v10 =	vadd.s32 v4, v10  }
0x22: {  	v19 =	vld [tilespmem:s18+$0x0];
	v20 =	vor.u32 s11, v0  }
0x23: {  	s16 =	simm.s32 $0x4;
	[tilespmem:v16+s12+$0x0] =	vst.idx.msk $0xffff, v15  }
0x24: {  	v22 =	vor.u32 s16, v0;
	v21 =	vld [tilespmem:s18+$0xFFFFFFC8];
	[tilespmem:v12+s12+$0x0] =	vst.idx.msk $0xffff, v11  }
0x25: {  	[tilespmem:v14+s12+$0x0] =	vst.idx.msk $0xffff, v13;
	v11 =	vmov s10;
	v14 =	vld.idx.msk [tilespmem:v9+s3+$0x0], $0x3  }
0x26: {  	v16 =	vor.u32 s13, v5;
	[tilespmem:v18+s12+$0x0] =	vst.idx.msk $0xffff, v17;
	v9 =	vld.idx.msk [tilespmem:v10+s3+$0x0], $0x3;
	v10 =	vmov s6;
	v12 =	vmul.u32 $0x38, v11  }
0x27: {  	v15 =	vld [tilespmem:s15+$0x20];
	[tilespmem:v20+s12+$0x0] =	vst.idx.msk $0xffff, v19;
	v19 =	vor.u32 s10, v3;
	v10 =	vmul.u32 $0x38, v10  }
0x28: {  	v13 =	vor.u32 s6, v3;
	v11 =	vld [tilespmem:s15+$0xFFFFFFE8];
	v12 =	vadd.s32 v4, v12  }
0x29: {  	s17 =	simm.s32 $0x6;
	s31 =	simm.s32 $0x7;
	[tilespmem:v22+s12+$0x0] =	vst.idx.msk $0xffff, v21;
	v20 =	vor.u32 s11, v1;
	v17 =	vld [tilespmem:s18+$0x10];
	v10 =	vadd.s32 v4, v10  }
0x2a: {  	s20 =	simm.s32 $0x0;
	v21 =	vor.u32 s16, v1;
	s13 =	simm.s32 $0x8;
	v18 =	vld [tilespmem:s18+$0xFFFFFFD8];
	s15 =	simm.s32 $0x188  }
.LBB2_2:
0x2b: {  	p0 =	slt.u32 s13, $0x1FE;
	v22 =	vld [tilespmem:s15+$0x0];
	v23 =	vor.u32 s31, v0;
	[tilespmem:v16+s12+$0x0] =	vst.idx.msk $0x3, v14  }
0x2c: {  	v25 =	vor.u32 s17, v0;
	v26 =	vmov v9;
	v24 =	vld [tilespmem:s15+$0xFFFFFFC8];
	[tilespmem:v19+s12+$0x0] =	vst.idx.msk $0xffff, v15  }
0x2d: {  	v9 =	vmov s11;
	v27 =	vor.u32 s20, v5;
	s20 =	smov.u32 s6;
	s6 =	smov.u32 s16;
	s16 =	smov.u32 s17;
	[tilespmem:v13+s12+$0x0] =	vst.idx.msk $0xffff, v11;
	v14 =	vld.idx.msk [tilespmem:v12+s3+$0x0], $0x3  }
.Ltmp0:
0x2e: {  	v16 =	vor.u32 s10, v5;
	s10 =	smov.u32 s11;
	s11 =	smov.u32 s31;
	v11 =	vmov s6;
	v12 =	vmul.u32 $0x38, v9;
	[tilespmem:v20+s12+$0x0] =	vst.idx.msk $0xffff, v17;
	v9 =	vld.idx.msk [tilespmem:v10+s3+$0x0], $0x3;
	(pc) =	sbr.rel @p0 .LBB2_2-.Ltmp0, $4  }
0x2f: {  	s17 =	smov.u32 s13;
	v19 =	vor.u32 s10, v3;
	v10 =	vmul.u32 $0x38, v11;
	[tilespmem:v21+s12+$0x0] =	vst.idx.msk $0xffff, v18;
	v15 =	vld [tilespmem:s18+$0x20]  }
0x30: {  	v13 =	vor.u32 s6, v3;
	v12 =	vadd.s32 v4, v12;
	[tilespmem:v23+s12+$0x0] =	vst.idx.msk $0xffff, v22;
	v11 =	vld [tilespmem:s18+$0xFFFFFFE8];
	s18 =	smov.u32 s15  }
0x31: {  	v20 =	vor.u32 s11, v1;
	v10 =	vadd.s32 v4, v10;
	[tilespmem:v25+s12+$0x0] =	vst.idx.msk $0xffff, v24;
	v17 =	vld [tilespmem:s15+$0x10]  }
0x32: {  	s13 =	sadd.s32 $0x2, s13;
	s31 =	sadd.s32 $0x1, s17;
	v21 =	vor.u32 s16, v1;
	s15 =	sadd.s32 $0x70, s15;
	v18 =	vld [tilespmem:s18+$0xFFFFFFD8];
	[tilespmem:v27+s12+$0x0] =	vst.idx.msk $0x3, v26  }
0x33: {  	v22 =	vld [tilespmem:s15+$0x0];
	v23 =	vor.u32 s31, v0  }
0x34: {  	v24 =	vld [tilespmem:s15+$0xFFFFFFC8];
	v25 =	vor.u32 s17, v0;
	_ =	sdelay $0x3  }
0x35: {  	[tilespmem:v23+s12+$0x0] =	vst.idx.msk $0xffff, v22  }
0x36: {  	v38 =	vor.u32 s31, v1;
	[tilespmem:v25+s12+$0x0] =	vst.idx.msk $0xffff, v24;
	v37 =	vld [tilespmem:s15+$0x10]  }
0x37: {  	[tilespmem:v16+s12+$0x0] =	vst.idx.msk $0x3, v14;
	v40 =	vor.u32 s17, v1;
	v39 =	vld [tilespmem:s15+$0xFFFFFFD8]  }
0x38: {  	v41 =	vmov s11;
	v42 =	vmov s16;
	[tilespmem:v19+s12+$0x0] =	vst.idx.msk $0xffff, v15  }
0x39: {  	v43 =	vor.u32 s20, v5;
	v47 =	vor.u32 s11, v3;
	v44 =	vmul.u32 $0x38, v41;
	[tilespmem:v20+s12+$0x0] =	vst.idx.msk $0xffff, v17  }
0x3a: {  	v48 =	vor.u32 s16, v3;
	v49 =	vmov s31;
	v45 =	vmul.u32 $0x38, v42;
	[tilespmem:v21+s12+$0x0] =	vst.idx.msk $0xffff, v18;
	v46 =	vld [tilespmem:s18+$0x20]  }
0x3b: {  	v52 =	vmov s17;
	v51 =	vadd.s32 v4, v44;
	v50 =	vld [tilespmem:s18+$0xFFFFFFE8];
	v24 =	vmul.u32 $0x38, v49;
	[tilespmem:v38+s12+$0x0] =	vst.idx.msk $0xffff, v37  }
0x3c: {  	v55 =	vor.u32 s31, v3;
	v53 =	vmul.u32 $0x38, v52;
	v18 =	vadd.s32 v4, v45;
	[tilespmem:v40+s12+$0x0] =	vst.idx.msk $0xffff, v39;
	v54 =	vld [tilespmem:s15+$0x20]  }
0x3d: {  	v56 =	vor.u32 s17, v3;
	[tilespmem:v13+s12+$0x0] =	vst.idx.msk $0xffff, v11;
	v24 =	vadd.s32 v4, v24;
	v11 =	vld [tilespmem:s15+$0xFFFFFFE8]  }
0x3e: {  	v57 =	vor.u32 s10, v5;
	v15 =	vadd.s32 v4, v53;
	[tilespmem:v43+s12+$0x0] =	vst.idx.msk $0x3, v9;
	v9 =	vld.idx.msk [tilespmem:v12+s3+$0x0], $0x3  }
0x3f: {  	v58 =	vor.u32 s6, v5;
	v10 =	vld.idx.msk [tilespmem:v10+s3+$0x0], $0x3;
	[tilespmem:v47+s12+$0x0] =	vst.idx.msk $0xffff, v46  }
0x40: {  	v60 =	vor.u32 s11, v5;
	[tilespmem:v48+s12+$0x0] =	vst.idx.msk $0xffff, v50;
	v59 =	vld.idx.msk [tilespmem:v51+s3+$0x0], $0x3  }
0x41: {  	v61 =	vor.u32 s16, v5;
	v18 =	vld.idx.msk [tilespmem:v18+s3+$0x0], $0x3;
	[tilespmem:v55+s12+$0x0] =	vst.idx.msk $0xffff, v54  }
0x42: {  	v62 =	vor.u32 s31, v5;
	[tilespmem:v56+s12+$0x0] =	vst.idx.msk $0xffff, v11;
	v11 =	vld.idx.msk [tilespmem:v24+s3+$0x0], $0x3  }
0x43: {  	v63 =	vor.u32 s17, v5;
	[tilespmem:v57+s12+$0x0] =	vst.idx.msk $0x3, v9;
	v9 =	vld.idx.msk [tilespmem:v15+s3+$0x0], $0x3  }
0x44: {  	[tilespmem:v58+s12+$0x0] =	vst.idx.msk $0x3, v10  }
0x45: {  	[tilespmem:v60+s12+$0x0] =	vst.idx.msk $0x3, v59  }
0x46: {  	[tilespmem:v61+s12+$0x0] =	vst.idx.msk $0x3, v18  }
0x47: {  	[tilespmem:v62+s12+$0x0] =	vst.idx.msk $0x3, v11  }
0x48: {  	s16 =	simm.s32 $0xD400;
	s15 =	simm.s32 $0x80;
	[tilespmem:v63+s12+$0x0] =	vst.idx.msk $0x3, v9  }
0x49: {  	[tilespmem:s16], [sflag:$0x1] =	stream.indirect.gather [hbm4b:s4+s15], $0x40, s12, s15, $0xb8;
	[tilespmem:$0x1D400] =	vst v63  }
0x4a: {  	s17 =	simm.s32 $0x7080;
	s18 =	simm.s32 $0xF400  }
0x4b: {  	[tilespmem:s18], [sflag:$0x2] =	stream.indirect.gather [hbm4b:s4+s15], $0x40, s17, s15, $0xb8;
	[tilespmem:$0x1D400] =	vst v63  }
0x4c: {  	s20 =	simm.s32 $0x7100;
	s31 =	simm.s32 $0x11400  }
0x4d: {  	[tilespmem:s31], [sflag:$0x3] =	stream.indirect.gather [hbm4b:s4+s15], $0x40, s20, s15, $0xb8;
	[tilespmem:$0x1D400] =	vst v63  }
0x4e: {  	s16 =	simm.s32 $0x0;
	s17 =	simm.s32 $0x0;
	s20 =	simm.s32 $0x13400  }
.LBB2_4:
0x4f: {  	_ =	swait.ge [sflag:s19], $0x2000;
	s6 =	sshll.u32 s17, $0x9  }
0x50: {  	[sflag:s19] =	ssyncset.done $0x0;
	s6 =	sand.u32 $0x3FFFFE00, s6  }
0x51: {  	p0 =	seq.s32 s17, $0x0;
	[sflag:s19] =	ssyncadd.s32 $0xFFFFE000;
	s10 =	sadd.s32 $0x7180, s6  }
0x52: {  	[tilespmem:s20], [sflag:$0x4] =	stream.indirect.gather [hbm4b:s4+s15], $0x40, s10, s15, $0xb8;
	[tilespmem:$0x1D400] =	vst v63  }
0x53: {  	s10 =	simm.s32 @!p0 $0x5  }
0x54: {  	s11 =	simm.s32 $0x3;
	_ =	swait.ge @!p0 [sflag:s10], $0x2000  }
0x55: {  	v9 =	vmov s11;
	[sflag:s10] =	ssyncset.done @!p0 $0x0  }
0x56: {  	v9 =	vand.u32 $0x7F, v9;
	[sflag:s10] =	ssyncadd.s32 @!p0 $0xFFFFE000;
	s10 =	simm.s32 $0xD480  }
0x57: {  	s18 =	simm.s32 $0x1;
	v16 =	vbroadcast v9, $0x0;
	v10 =	vld [tilespmem:s10+$0x40]  }
0x58: {  	s31 =	simm.s32 $0x2;
	v9 =	vmov s18  }
0x59: {  	v11 =	vmov s31;
	v9 =	vand.u32 $0x7D, v9;
	v14 =	vor.u32 v2, v16  }
0x5a: {  	v12 =	vand.u32 $0x7E, v11;
	v11 =	vbroadcast v9, $0x0;
	v15 =	vld [tilespmem:s10+$0xFFFFFFC0]  }
0x5b: {  	v13 =	vbroadcast v12, $0x0;
	v9 =	vmov s16  }
0x5c: {  	v9 =	vand.u32 $0x7C, v9;
	v17 =	vld [tilespmem:s10+$0x0];
	v18 =	vor.u32 v2, v11;
	v10 =	vmul.f32 $8.000000000e+00, v10  }
0x5d: {  	v12 =	vbroadcast v9, $0x0;
	v9 =	vld [tilespmem:s10+$0xFFFFFF80]  }
0x5e: {  	v19 =	vor.u32 v2, v13;
	[tilespmem:v14+s21+$0x0] =	vst.idx.msk $0xffff, v10  }
0x5f: {  	v10 =	vor.u32 v2, v12;
	v14 =	vmul.f32 $8.000000000e+00, v15;
	v15 =	vld [tilespmem:s10+$0x50];
	_ =	sdelay $0x1  }
0x60: {  	v17 =	vmul.f32 $8.000000000e+00, v17;
	[tilespmem:v18+s21+$0x0] =	vst.idx.msk $0xffff, v14;
	v14 =	vor.u32 v6, v16  }
0x61: {  	s31 =	simm.s32 $0x6;
	v9 =	vmul.f32 $8.000000000e+00, v9;
	v18 =	vld [tilespmem:s10+$0xFFFFFFD0]  }
0x62: {  	s13 =	simm.s32 $0x4;
	v22 =	vmov s31;
	s18 =	simm.s32 $0x7;
	[tilespmem:v19+s21+$0x0] =	vst.idx.msk $0xffff, v17  }
0x63: {  	v17 =	vmov s13;
	v19 =	vld [tilespmem:s10+$0x10];
	[tilespmem:v10+s21+$0x0] =	vst.idx.msk $0xffff, v9;
	v10 =	vmul.f32 $8.000000000e+00, v15;
	v15 =	vmov s18  }
0x64: {  	v21 =	vor.u32 v6, v11;
	v9 =	vand.u32 $0x7C, v17;
	v17 =	vld [tilespmem:s10+$0xFFFFFF90];
	s18 =	simm.s32 $0xD580;
	v15 =	vand.u32 $0x7F, v15  }
0x65: {  	v22 =	vand.u32 $0x7E, v22;
	v23 =	vor.u32 v6, v13;
	s13 =	simm.s32 $0x5;
	v24 =	vld [tilespmem:s18+$0x40];
	[tilespmem:v14+s21+$0x0] =	vst.idx.msk $0xffff, v10;
	v10 =	vbroadcast v15, $0x0  }
0x66: {  	v25 =	vor.u32 v6, v12;
	v20 =	vmov s13;
	v15 =	vmul.f32 $8.000000000e+00, v18;
	v18 =	vld [tilespmem:s10+$0x60]  }
0x67: {  	v9 =	vbroadcast v9, $0x0;
	v14 =	vand.u32 $0x7D, v20;
	v20 =	vld [tilespmem:s18+$0xFFFFFF80];
	v26 =	vor.u32 v2, v10  }
0x68: {  	v28 =	vor.u32 v7, v16;
	v19 =	vmul.f32 $8.000000000e+00, v19;
	v27 =	vld [tilespmem:s18+$0xFFFFFFC0];
	v14 =	vbroadcast v14, $0x0  }
0x69: {  	v29 =	vld [tilespmem:s18+$0x0];
	[tilespmem:v21+s21+$0x0] =	vst.idx.msk $0xffff, v15;
	v21 =	vor.u32 v2, v9;
	v15 =	vbroadcast v22, $0x0;
	v17 =	vmul.f32 $8.000000000e+00, v17  }
0x6a: {  	[tilespmem:v23+s21+$0x0] =	vst.idx.msk $0xffff, v19;
	v19 =	vor.u32 v2, v14;
	v23 =	vld [tilespmem:s10+$0xFFFFFFE0];
	v22 =	vmul.f32 $8.000000000e+00, v24  }
0x6b: {  	[tilespmem:v25+s21+$0x0] =	vst.idx.msk $0xffff, v17;
	v17 =	vor.u32 v2, v15;
	v25 =	vld [tilespmem:s10+$0x20];
	v18 =	vmul.f32 $8.000000000e+00, v18  }
0x6c: {  	v31 =	vor.u32 v7, v11;
	v20 =	vmul.f32 $8.000000000e+00, v20;
	v30 =	vld [tilespmem:s10+$0xFFFFFFA0];
	[tilespmem:v26+s21+$0x0] =	vst.idx.msk $0xffff, v22  }
0x6d: {  	v33 =	vor.u32 v7, v13;
	v24 =	vmul.f32 $8.000000000e+00, v27;
	v32 =	vld [tilespmem:s18+$0x50];
	[tilespmem:v28+s21+$0x0] =	vst.idx.msk $0xffff, v18  }
0x6e: {  	v34 =	vor.u32 v7, v12;
	v27 =	vor.u32 v6, v14;
	[tilespmem:v21+s21+$0x0] =	vst.idx.msk $0xffff, v20;
	v20 =	vmul.f32 $8.000000000e+00, v29;
	v35 =	vld [tilespmem:s10+$0x70]  }
0x6f: {  	s31 =	simm.s32 $0x9;
	s13 =	simm.s32 $0x8;
	v26 =	vor.u32 v8, v16;
	v22 =	vld [tilespmem:s18+$0xFFFFFF90];
	[tilespmem:v19+s21+$0x0] =	vst.idx.msk $0xffff, v24;
	v24 =	vor.u32 v6, v10;
	v19 =	vmul.f32 $8.000000000e+00, v23  }
0x70: {  	v18 =	vmov s13;
	v23 =	vmov s31;
	v21 =	vld [tilespmem:s18+$0xFFFFFFD0];
	[tilespmem:v17+s21+$0x0] =	vst.idx.msk $0xffff, v20;
	v20 =	vmul.f32 $8.000000000e+00, v25  }
0x71: {  	s13 =	simm.s32 $0xA;
	v18 =	vand.u32 $0x7C, v18;
	v25 =	vor.u32 v6, v9;
	[tilespmem:v31+s21+$0x0] =	vst.idx.msk $0xffff, v19;
	v17 =	vld [tilespmem:s18+$0x10];
	v30 =	vmul.f32 $8.000000000e+00, v30  }
0x72: {  	s31 =	simm.s32 $0xB;
	v28 =	vmov s13;
	v16 =	vbroadcast v18, $0x0;
	v18 =	vld [tilespmem:s10+$0xFFFFFFF0];
	[tilespmem:v33+s21+$0x0] =	vst.idx.msk $0xffff, v20;
	v29 =	vmul.f32 $8.000000000e+00, v32  }
0x73: {  	s11 =	simm.s32 $0xC;
	v31 =	vmov s31;
	v19 =	vor.u32 v6, v15;
	[tilespmem:v34+s21+$0x0] =	vst.idx.msk $0xffff, v30;
	v20 =	vld [tilespmem:s10+$0x30];
	v30 =	vmul.f32 $8.000000000e+00, v35  }
.LBB2_5:
0x74: {  	p0 =	slt.u32 s11, $0x7C;
	v31 =	vand.u32 $0x7F, v31;
	v22 =	vmul.f32 $8.000000000e+00, v22;
	[tilespmem:v24+s21+$0x0] =	vst.idx.msk $0xffff, v29;
	v24 =	vld [tilespmem:s10+$0xFFFFFFB0];
	v29 =	vor.u32 v8, v11;
	v11 =	vmovc v14;
	s10 =	smov.u32 s18;
	s18 =	sadd.s32 $0x100, s18  }
0x75: {  	v32 =	vld [tilespmem:s18+$0x40];
	v31 =	vbroadcast v31, $0x0;
	v14 =	vmul.f32 $8.000000000e+00, v21;
	v21 =	vor.u32 v8, v13;
	[tilespmem:v26+s21+$0x0] =	vst.idx.msk $0xffff, v30;
	v13 =	vmovc v15  }
0x76: {  	v15 =	vand.u32 $0x7D, v23;
	v23 =	vor.u32 v8, v12;
	v12 =	vmovc v9;
	[tilespmem:v25+s21+$0x0] =	vst.idx.msk $0xffff, v22;
	v17 =	vmul.f32 $8.000000000e+00, v17;
	v22 =	vld [tilespmem:s10+$0x60]  }
0x77: {  	v26 =	vand.u32 $0x7E, v28;
	v9 =	vmovc v16;
	v25 =	vld [tilespmem:s18+$0xFFFFFF80];
	v28 =	vor.u32 v2, v31;
	[tilespmem:v27+s21+$0x0] =	vst.idx.msk $0xffff, v14;
	v18 =	vmul.f32 $8.000000000e+00, v18  }
0x78: {  	v14 =	vbroadcast v15, $0x0;
	v16 =	vld [tilespmem:s18+$0xFFFFFFC0];
	[tilespmem:v19+s21+$0x0] =	vst.idx.msk $0xffff, v17;
	v17 =	vor.u32 v7, v10;
	v19 =	vmul.f32 $8.000000000e+00, v20  }
0x79: {  	v15 =	vbroadcast v26, $0x0;
	v20 =	vor.u32 v2, v9;
	v27 =	vld [tilespmem:s18+$0x0];
	v24 =	vmul.f32 $8.000000000e+00, v24;
	[tilespmem:v29+s21+$0x0] =	vst.idx.msk $0xffff, v18  }
0x7a: {  	v18 =	vor.u32 v2, v14;
	v26 =	vmul.f32 $8.000000000e+00, v32;
	v29 =	vld [tilespmem:s10+$0xFFFFFFE0];
	[tilespmem:v21+s21+$0x0] =	vst.idx.msk $0xffff, v19  }
0x7b: {  	v19 =	vor.u32 v2, v15;
	v30 =	vld [tilespmem:s10+$0x20];
	v21 =	vmul.f32 $8.000000000e+00, v22;
	[tilespmem:v23+s21+$0x0] =	vst.idx.msk $0xffff, v24  }
0x7c: {  	v33 =	vor.u32 v7, v11;
	v22 =	vmul.f32 $8.000000000e+00, v25;
	[tilespmem:v28+s21+$0x0] =	vst.idx.msk $0xffff, v26;
	v32 =	vld [tilespmem:s10+$0xFFFFFFA0]  }
0x7d: {  	v35 =	vor.u32 v7, v13;
	v16 =	vmul.f32 $8.000000000e+00, v16;
	v34 =	vld [tilespmem:s18+$0x50];
	[tilespmem:v17+s21+$0x0] =	vst.idx.msk $0xffff, v21  }
0x7e: {  	v36 =	vor.u32 v7, v12;
	v17 =	vmov s11;
	[tilespmem:v20+s21+$0x0] =	vst.idx.msk $0xffff, v22;
	v20 =	vmul.f32 $8.000000000e+00, v27;
	v37 =	vld [tilespmem:s10+$0x70]  }
.Ltmp1:
0x7f: {  	s13 =	sadd.s32 $0x1, s11;
	v24 =	vor.u32 v6, v31;
	v27 =	vand.u32 $0x7C, v17;
	v22 =	vld [tilespmem:s18+$0xFFFFFF90];
	[tilespmem:v18+s21+$0x0] =	vst.idx.msk $0xffff, v16;
	v16 =	vmul.f32 $8.000000000e+00, v29;
	(pc) =	sbr.rel @p0 .LBB2_5-.Ltmp1, $4  }
0x80: {  	v23 =	vmov s13;
	s13 =	sadd.s32 $0x2, s11;
	v26 =	vor.u32 v8, v10;
	v10 =	vmovc v31;
	v21 =	vld [tilespmem:s18+$0xFFFFFFD0];
	[tilespmem:v19+s21+$0x0] =	vst.idx.msk $0xffff, v20;
	v19 =	vmul.f32 $8.000000000e+00, v30  }
0x81: {  	v28 =	vmov s13;
	v25 =	vor.u32 v6, v9;
	v17 =	vld [tilespmem:s18+$0x10];
	v20 =	vmul.f32 $8.000000000e+00, v32;
	[tilespmem:v33+s21+$0x0] =	vst.idx.msk $0xffff, v16  }
0x82: {  	s13 =	sadd.s32 $0x3, s11;
	v16 =	vbroadcast v27, $0x0;
	v27 =	vor.u32 v6, v14;
	v29 =	vmul.f32 $8.000000000e+00, v34;
	v18 =	vld [tilespmem:s10+$0xFFFFFFF0];
	[tilespmem:v35+s21+$0x0] =	vst.idx.msk $0xffff, v19  }
0x83: {  	v31 =	vmov s13;
	s11 =	sadd.s32 $0x4, s11;
	v19 =	vor.u32 v6, v15;
	[tilespmem:v36+s21+$0x0] =	vst.idx.msk $0xffff, v20;
	v20 =	vld [tilespmem:s10+$0x30];
	v30 =	vmul.f32 $8.000000000e+00, v37  }
0x84: {  	v31 =	vand.u32 $0x7F, v31;
	s11 =	sadd.s32 $0x100, s18  }
0x85: {  	v23 =	vand.u32 $0x7D, v23;
	v32 =	vld [tilespmem:s11+$0x40];
	v31 =	vbroadcast v31, $0x0  }
0x86: {  	v28 =	vand.u32 $0x7E, v28;
	v33 =	vld [tilespmem:s11+$0xFFFFFFC0];
	v23 =	vbroadcast v23, $0x0  }
0x87: {  	v35 =	vld [tilespmem:s11+$0x0];
	v28 =	vbroadcast v28, $0x0;
	v34 =	vor.u32 v2, v31  }
0x88: {  	v22 =	vmul.f32 $8.000000000e+00, v22;
	[tilespmem:v24+s21+$0x0] =	vst.idx.msk $0xffff, v29;
	v24 =	vld [tilespmem:s11+$0xFFFFFF80];
	v29 =	vor.u32 v2, v23  }
0x89: {  	[tilespmem:v26+s21+$0x0] =	vst.idx.msk $0xffff, v30;
	v21 =	vmul.f32 $8.000000000e+00, v21;
	v26 =	vor.u32 v2, v28  }
0x8a: {  	[tilespmem:v25+s21+$0x0] =	vst.idx.msk $0xffff, v22;
	v22 =	vor.u32 v2, v16;
	v25 =	vmul.f32 $8.000000000e+00, v32  }
0x8b: {  	[tilespmem:v27+s21+$0x0] =	vst.idx.msk $0xffff, v21;
	v21 =	vmul.f32 $8.000000000e+00, v33  }
0x8c: {  	v11 =	vor.u32 v8, v11;
	v27 =	vmul.f32 $8.000000000e+00, v35;
	[tilespmem:v34+s21+$0x0] =	vst.idx.msk $0xffff, v25;
	v25 =	vld [tilespmem:s10+$0xFFFFFFB0]  }
0x8d: {  	v13 =	vor.u32 v8, v13;
	v24 =	vmul.f32 $8.000000000e+00, v24;
	[tilespmem:v29+s21+$0x0] =	vst.idx.msk $0xffff, v21;
	v30 =	vld [tilespmem:s11+$0x50]  }
0x8e: {  	v12 =	vor.u32 v8, v12;
	v17 =	vmul.f32 $8.000000000e+00, v17;
	[tilespmem:v26+s21+$0x0] =	vst.idx.msk $0xffff, v27;
	v21 =	vld [tilespmem:s11+$0xFFFFFFD0]  }
0x8f: {  	v18 =	vmul.f32 $8.000000000e+00, v18;
	[tilespmem:v22+s21+$0x0] =	vst.idx.msk $0xffff, v24;
	v22 =	vor.u32 v6, v31;
	v24 =	vld [tilespmem:s11+$0x10]  }
0x90: {  	[tilespmem:v19+s21+$0x0] =	vst.idx.msk $0xffff, v17;
	v17 =	vmul.f32 $8.000000000e+00, v20;
	v20 =	vor.u32 v6, v23;
	v19 =	vld [tilespmem:s11+$0xFFFFFF90]  }
0x91: {  	[tilespmem:v11+s21+$0x0] =	vst.idx.msk $0xffff, v18;
	v11 =	vor.u32 v6, v28;
	v26 =	vld [tilespmem:s18+$0x60];
	v25 =	vmul.f32 $8.000000000e+00, v25  }
0x92: {  	v18 =	vld [tilespmem:s18+$0xFFFFFFE0];
	[tilespmem:v13+s21+$0x0] =	vst.idx.msk $0xffff, v17;
	v13 =	vor.u32 v6, v16;
	v17 =	vmul.f32 $8.000000000e+00, v30  }
0x93: {  	v27 =	vor.u32 v7, v10;
	v29 =	vld [tilespmem:s18+$0x20];
	[tilespmem:v12+s21+$0x0] =	vst.idx.msk $0xffff, v25;
	v12 =	vmul.f32 $8.000000000e+00, v21  }
0x94: {  	v21 =	vld [tilespmem:s18+$0xFFFFFFA0];
	v25 =	vor.u32 v7, v14;
	[tilespmem:v22+s21+$0x0] =	vst.idx.msk $0xffff, v17;
	v17 =	vmul.f32 $8.000000000e+00, v24  }
0x95: {  	v19 =	vmul.f32 $8.000000000e+00, v19;
	v22 =	vor.u32 v7, v15;
	v24 =	vld [tilespmem:s11+$0x60];
	[tilespmem:v20+s21+$0x0] =	vst.idx.msk $0xffff, v12  }
0x96: {  	v12 =	vmul.f32 $8.000000000e+00, v26;
	v20 =	vor.u32 v7, v9;
	[tilespmem:v11+s21+$0x0] =	vst.idx.msk $0xffff, v17;
	v11 =	vld [tilespmem:s11+$0xFFFFFFE0]  }
0x97: {  	[tilespmem:v13+s21+$0x0] =	vst.idx.msk $0xffff, v19;
	v13 =	vor.u32 v7, v31;
	v17 =	vmul.f32 $8.000000000e+00, v18;
	v18 =	vld [tilespmem:s11+$0x20]  }
0x98: {  	v19 =	vld [tilespmem:s11+$0xFFFFFFA0];
	v26 =	vor.u32 v7, v23;
	[tilespmem:v27+s21+$0x0] =	vst.idx.msk $0xffff, v12;
	v12 =	vmul.f32 $8.000000000e+00, v29  }
0x99: {  	v27 =	vld [tilespmem:s18+$0x70];
	v21 =	vmul.f32 $8.000000000e+00, v21;
	[tilespmem:v25+s21+$0x0] =	vst.idx.msk $0xffff, v17;
	v17 =	vor.u32 v7, v28  }
0x9a: {  	v25 =	vld [tilespmem:s18+$0xFFFFFFF0];
	[tilespmem:v22+s21+$0x0] =	vst.idx.msk $0xffff, v12;
	v22 =	vor.u32 v7, v16;
	v12 =	vmul.f32 $8.000000000e+00, v24  }
0x9b: {  	v10 =	vor.u32 v8, v10;
	[tilespmem:v20+s21+$0x0] =	vst.idx.msk $0xffff, v21;
	v20 =	vld [tilespmem:s18+$0x30];
	v11 =	vmul.f32 $8.000000000e+00, v11  }
0x9c: {  	v14 =	vor.u32 v8, v14;
	v21 =	vld [tilespmem:s18+$0xFFFFFFB0];
	[tilespmem:v13+s21+$0x0] =	vst.idx.msk $0xffff, v12;
	v12 =	vmul.f32 $8.000000000e+00, v18  }
0x9d: {  	v13 =	vor.u32 v8, v15;
	v18 =	vmul.f32 $8.000000000e+00, v19;
	v15 =	vld [tilespmem:s11+$0x70];
	[tilespmem:v26+s21+$0x0] =	vst.idx.msk $0xffff, v11  }
0x9e: {  	v9 =	vor.u32 v8, v9;
	v11 =	vmul.f32 $8.000000000e+00, v27;
	v19 =	vld [tilespmem:s11+$0xFFFFFFF0];
	[tilespmem:v17+s21+$0x0] =	vst.idx.msk $0xffff, v12  }
0x9f: {  	v12 =	vmul.f32 $8.000000000e+00, v25;
	v17 =	vor.u32 v8, v31;
	[tilespmem:v22+s21+$0x0] =	vst.idx.msk $0xffff, v18;
	v18 =	vld [tilespmem:s11+$0x30]  }
0xa0: {  	[tilespmem:v10+s21+$0x0] =	vst.idx.msk $0xffff, v11;
	v10 =	vmul.f32 $8.000000000e+00, v20;
	v11 =	vld [tilespmem:s11+$0xFFFFFFB0];
	v20 =	vor.u32 v8, v23  }
0xa1: {  	v21 =	vmul.f32 $8.000000000e+00, v21;
	[tilespmem:v14+s21+$0x0] =	vst.idx.msk $0xffff, v12;
	v12 =	vor.u32 v8, v28  }
0xa2: {  	[tilespmem:v13+s21+$0x0] =	vst.idx.msk $0xffff, v10;
	v13 =	vor.u32 v8, v16;
	v10 =	vmul.f32 $8.000000000e+00, v15  }
0xa3: {  	[tilespmem:v9+s21+$0x0] =	vst.idx.msk $0xffff, v21;
	v9 =	vmul.f32 $8.000000000e+00, v19  }
0xa4: {  	s18 =	sshll.u32 s17, $0x14;
	[tilespmem:v17+s21+$0x0] =	vst.idx.msk $0xffff, v10;
	v10 =	vmul.f32 $8.000000000e+00, v18  }
0xa5: {  	s13 =	sor.u32 s5, s18;
	v11 =	vmul.f32 $8.000000000e+00, v11;
	[tilespmem:v20+s21+$0x0] =	vst.idx.msk $0xffff, v9  }
0xa6: {  	s10 =	sshrl.u32 s13, $0x3;
	[tilespmem:v12+s21+$0x0] =	vst.idx.msk $0xffff, v10  }
0xa7: {  	p0 =	seq.s32 s17, $0x31;
	s10 =	sadd.s32 s2, s10;
	[tilespmem:v13+s21+$0x0] =	vst.idx.msk $0xffff, v11  }
0xa8: {  	[hbm4b:s10+s22] =	stream.strided.scatter [tilespmem:s21], [sflag:$0x5], $0x2000, s23, s22, $0x38;
	[tilespmem:$0x1D400] =	vst v63  }
0xa9: {  	p1 =	seq.s32 @!p0 s17, $0x0;
	_ =	swait.ge [sflag:s24], $0x2000  }
0xaa: {  	p1 =	por p0, !p1;
	s13 =	simm.s32 @!p0 $0xD400;
	[sflag:s24] =	ssyncset.done $0x0  }
0xab: {  	s11 =	simm.s32 @!p0 $0x80;
	s10 =	sadd.s32 @!p0 $0x7200, s6;
	[sflag:s24] =	ssyncadd.s32 $0xFFFFE000  }
0xac: {  	[tilespmem:s13], [sflag:$0x1] =	stream.indirect.gather @!p0 [hbm4b:s4+s11], $0x40, s10, s11, $0xb8;
	[tilespmem:$0x1D400] =	vst v63  }
0xad: {  	s11 =	simm.s32 $0x3;
	_ =	swait.ge @p1 [sflag:s1], $0x2000  }
0xae: {  	v9 =	vmov s11;
	[sflag:s1] =	ssyncset.done @p1 $0x0  }
0xaf: {  	s11 =	simm.s32 $0xF480;
	v9 =	vand.u32 $0x7F, v9;
	[sflag:s1] =	ssyncadd.s32 @p1 $0xFFFFE000  }
0xb0: {  	s13 =	simm.s32 $0x1;
	v16 =	vbroadcast v9, $0x0;
	v10 =	vld [tilespmem:s11+$0x40]  }
0xb1: {  	v9 =	vmov s13;
	s13 =	simm.s32 $0x2  }
0xb2: {  	v11 =	vmov s13;
	v9 =	vand.u32 $0x7D, v9;
	v14 =	vor.u32 v2, v16  }
0xb3: {  	s13 =	simm.s32 $0x0;
	v15 =	vld [tilespmem:s11+$0xFFFFFFC0];
	v12 =	vand.u32 $0x7E, v11;
	v11 =	vbroadcast v9, $0x0  }
0xb4: {  	v9 =	vmov s13;
	v13 =	vbroadcast v12, $0x0  }
0xb5: {  	v17 =	vld [tilespmem:s11+$0x0];
	v9 =	vand.u32 $0x7C, v9;
	v18 =	vor.u32 v2, v11;
	v10 =	vmul.f32 $8.000000000e+00, v10  }
0xb6: {  	v12 =	vbroadcast v9, $0x0;
	v9 =	vld [tilespmem:s11+$0xFFFFFF80]  }
0xb7: {  	v19 =	vor.u32 v2, v13;
	[tilespmem:v14+s25+$0x0] =	vst.idx.msk $0xffff, v10  }
0xb8: {  	v10 =	vor.u32 v2, v12;
	v14 =	vmul.f32 $8.000000000e+00, v15;
	v15 =	vld [tilespmem:s11+$0x50];
	_ =	sdelay $0x1  }
0xb9: {  	v17 =	vmul.f32 $8.000000000e+00, v17;
	[tilespmem:v18+s25+$0x0] =	vst.idx.msk $0xffff, v14;
	v14 =	vor.u32 v6, v16  }
0xba: {  	v9 =	vmul.f32 $8.000000000e+00, v9;
	v18 =	vld [tilespmem:s11+$0xFFFFFFD0]  }
0xbb: {  	s10 =	simm.s32 $0x7;
	s13 =	simm.s32 $0x4;
	v28 =	vor.u32 v7, v16;
	[tilespmem:v19+s25+$0x0] =	vst.idx.msk $0xffff, v17  }
0xbc: {  	v17 =	vmov s13;
	v19 =	vld [tilespmem:s11+$0x10];
	[tilespmem:v10+s25+$0x0] =	vst.idx.msk $0xffff, v9;
	v10 =	vmul.f32 $8.000000000e+00, v15;
	v15 =	vmov s10  }
0xbd: {  	v21 =	vor.u32 v6, v11;
	s13 =	simm.s32 $0x5;
	v9 =	vand.u32 $0x7C, v17;
	v17 =	vld [tilespmem:s11+$0xFFFFFF90];
	s10 =	simm.s32 $0xF580;
	v15 =	vand.u32 $0x7F, v15  }
0xbe: {  	v23 =	vor.u32 v6, v13;
	v20 =	vmov s13;
	s13 =	simm.s32 $0x6;
	v24 =	vld [tilespmem:s10+$0x40];
	[tilespmem:v14+s25+$0x0] =	vst.idx.msk $0xffff, v10;
	v10 =	vbroadcast v15, $0x0  }
0xbf: {  	v25 =	vor.u32 v6, v12;
	v22 =	vmov s13;
	v15 =	vmul.f32 $8.000000000e+00, v18;
	v18 =	vld [tilespmem:s11+$0x60]  }
0xc0: {  	v9 =	vbroadcast v9, $0x0;
	v14 =	vand.u32 $0x7D, v20;
	v20 =	vld [tilespmem:s10+$0xFFFFFF80];
	v26 =	vor.u32 v2, v10  }
0xc1: {  	v22 =	vand.u32 $0x7E, v22;
	v27 =	vld [tilespmem:s10+$0xFFFFFFC0];
	v19 =	vmul.f32 $8.000000000e+00, v19;
	v14 =	vbroadcast v14, $0x0  }
0xc2: {  	v29 =	vld [tilespmem:s10+$0x0];
	[tilespmem:v21+s25+$0x0] =	vst.idx.msk $0xffff, v15;
	v21 =	vor.u32 v2, v9;
	v15 =	vbroadcast v22, $0x0;
	v17 =	vmul.f32 $8.000000000e+00, v17  }
0xc3: {  	[tilespmem:v23+s25+$0x0] =	vst.idx.msk $0xffff, v19;
	v19 =	vor.u32 v2, v14;
	v23 =	vld [tilespmem:s11+$0xFFFFFFE0];
	v22 =	vmul.f32 $8.000000000e+00, v24  }
0xc4: {  	[tilespmem:v25+s25+$0x0] =	vst.idx.msk $0xffff, v17;
	v17 =	vor.u32 v2, v15;
	v25 =	vld [tilespmem:s11+$0x20];
	v18 =	vmul.f32 $8.000000000e+00, v18  }
0xc5: {  	v31 =	vor.u32 v7, v11;
	v20 =	vmul.f32 $8.000000000e+00, v20;
	v30 =	vld [tilespmem:s11+$0xFFFFFFA0];
	[tilespmem:v26+s25+$0x0] =	vst.idx.msk $0xffff, v22  }
0xc6: {  	v61 =	vor.u32 v7, v13;
	v24 =	vmul.f32 $8.000000000e+00, v27;
	v60 =	vld [tilespmem:s10+$0x50];
	[tilespmem:v28+s25+$0x0] =	vst.idx.msk $0xffff, v18  }
0xc7: {  	v62 =	vor.u32 v7, v12;
	s13 =	simm.s32 $0x8;
	v27 =	vor.u32 v6, v14;
	[tilespmem:v21+s25+$0x0] =	vst.idx.msk $0xffff, v20;
	v20 =	vmul.f32 $8.000000000e+00, v29;
	v63 =	vld [tilespmem:s11+$0x70]  }
0xc8: {  	v18 =	vmov s13;
	v22 =	vld [tilespmem:s10+$0xFFFFFF90];
	[tilespmem:v19+s25+$0x0] =	vst.idx.msk $0xffff, v24;
	v24 =	vor.u32 v6, v10;
	v19 =	vmul.f32 $8.000000000e+00, v23  }
0xc9: {  	v26 =	vor.u32 v8, v16;
	s13 =	simm.s32 $0x9;
	v18 =	vand.u32 $0x7C, v18;
	v21 =	vld [tilespmem:s10+$0xFFFFFFD0];
	[tilespmem:v17+s25+$0x0] =	vst.idx.msk $0xffff, v20;
	v20 =	vmul.f32 $8.000000000e+00, v25  }
0xca: {  	v23 =	vmov s13;
	s13 =	simm.s32 $0xA;
	v25 =	vor.u32 v6, v9;
	[tilespmem:v31+s25+$0x0] =	vst.idx.msk $0xffff, v19;
	v17 =	vld [tilespmem:s10+$0x10];
	v30 =	vmul.f32 $8.000000000e+00, v30  }
0xcb: {  	v28 =	vmov s13;
	v16 =	vbroadcast v18, $0x0;
	s13 =	simm.s32 $0xB;
	v18 =	vld [tilespmem:s11+$0xFFFFFFF0];
	[tilespmem:v61+s25+$0x0] =	vst.idx.msk $0xffff, v20;
	v29 =	vmul.f32 $8.000000000e+00, v60  }
0xcc: {  	s31 =	simm.s32 $0xC;
	v19 =	vor.u32 v6, v15;
	v31 =	vmov s13;
	[tilespmem:v62+s25+$0x0] =	vst.idx.msk $0xffff, v30;
	v20 =	vld [tilespmem:s11+$0x30];
	v30 =	vmul.f32 $8.000000000e+00, v63  }
.LBB2_7:
0xcd: {  	p2 =	slt.u32 s31, $0x7C;
	v31 =	vand.u32 $0x7F, v31;
	v22 =	vmul.f32 $8.000000000e+00, v22;
	[tilespmem:v24+s25+$0x0] =	vst.idx.msk $0xffff, v29;
	v24 =	vld [tilespmem:s11+$0xFFFFFFB0];
	v29 =	vor.u32 v8, v11;
	v11 =	vmovc v14;
	s11 =	smov.u32 s10;
	s10 =	sadd.s32 $0x100, s10  }
0xce: {  	v32 =	vld [tilespmem:s10+$0x40];
	v31 =	vbroadcast v31, $0x0;
	v14 =	vmul.f32 $8.000000000e+00, v21;
	v21 =	vor.u32 v8, v13;
	[tilespmem:v26+s25+$0x0] =	vst.idx.msk $0xffff, v30;
	v13 =	vmovc v15  }
0xcf: {  	v15 =	vand.u32 $0x7D, v23;
	v23 =	vor.u32 v8, v12;
	v12 =	vmovc v9;
	[tilespmem:v25+s25+$0x0] =	vst.idx.msk $0xffff, v22;
	v17 =	vmul.f32 $8.000000000e+00, v17;
	v22 =	vld [tilespmem:s11+$0x60]  }
0xd0: {  	v26 =	vand.u32 $0x7E, v28;
	v9 =	vmovc v16;
	v25 =	vld [tilespmem:s10+$0xFFFFFF80];
	v28 =	vor.u32 v2, v31;
	[tilespmem:v27+s25+$0x0] =	vst.idx.msk $0xffff, v14;
	v18 =	vmul.f32 $8.000000000e+00, v18  }
0xd1: {  	v14 =	vbroadcast v15, $0x0;
	v16 =	vld [tilespmem:s10+$0xFFFFFFC0];
	[tilespmem:v19+s25+$0x0] =	vst.idx.msk $0xffff, v17;
	v17 =	vor.u32 v7, v10;
	v19 =	vmul.f32 $8.000000000e+00, v20  }
0xd2: {  	v15 =	vbroadcast v26, $0x0;
	v20 =	vor.u32 v2, v9;
	v27 =	vld [tilespmem:s10+$0x0];
	v24 =	vmul.f32 $8.000000000e+00, v24;
	[tilespmem:v29+s25+$0x0] =	vst.idx.msk $0xffff, v18  }
0xd3: {  	v18 =	vor.u32 v2, v14;
	v26 =	vmul.f32 $8.000000000e+00, v32;
	v29 =	vld [tilespmem:s11+$0xFFFFFFE0];
	[tilespmem:v21+s25+$0x0] =	vst.idx.msk $0xffff, v19  }
0xd4: {  	v19 =	vor.u32 v2, v15;
	v30 =	vld [tilespmem:s11+$0x20];
	v21 =	vmul.f32 $8.000000000e+00, v22;
	[tilespmem:v23+s25+$0x0] =	vst.idx.msk $0xffff, v24  }
0xd5: {  	v33 =	vor.u32 v7, v11;
	v22 =	vmul.f32 $8.000000000e+00, v25;
	[tilespmem:v28+s25+$0x0] =	vst.idx.msk $0xffff, v26;
	v32 =	vld [tilespmem:s11+$0xFFFFFFA0]  }
0xd6: {  	v35 =	vor.u32 v7, v13;
	v16 =	vmul.f32 $8.000000000e+00, v16;
	v34 =	vld [tilespmem:s10+$0x50];
	[tilespmem:v17+s25+$0x0] =	vst.idx.msk $0xffff, v21  }
0xd7: {  	v36 =	vor.u32 v7, v12;
	v17 =	vmov s31;
	[tilespmem:v20+s25+$0x0] =	vst.idx.msk $0xffff, v22;
	v20 =	vmul.f32 $8.000000000e+00, v27;
	v37 =	vld [tilespmem:s11+$0x70]  }
.Ltmp2:
0xd8: {  	s13 =	sadd.s32 $0x1, s31;
	v24 =	vor.u32 v6, v31;
	v27 =	vand.u32 $0x7C, v17;
	v22 =	vld [tilespmem:s10+$0xFFFFFF90];
	[tilespmem:v18+s25+$0x0] =	vst.idx.msk $0xffff, v16;
	v16 =	vmul.f32 $8.000000000e+00, v29;
	(pc) =	sbr.rel @p2 .LBB2_7-.Ltmp2, $4  }
0xd9: {  	v23 =	vmov s13;
	s13 =	sadd.s32 $0x2, s31;
	v26 =	vor.u32 v8, v10;
	v10 =	vmovc v31;
	v21 =	vld [tilespmem:s10+$0xFFFFFFD0];
	[tilespmem:v19+s25+$0x0] =	vst.idx.msk $0xffff, v20;
	v19 =	vmul.f32 $8.000000000e+00, v30  }
0xda: {  	v28 =	vmov s13;
	v25 =	vor.u32 v6, v9;
	v17 =	vld [tilespmem:s10+$0x10];
	v20 =	vmul.f32 $8.000000000e+00, v32;
	[tilespmem:v33+s25+$0x0] =	vst.idx.msk $0xffff, v16  }
0xdb: {  	s13 =	sadd.s32 $0x3, s31;
	v16 =	vbroadcast v27, $0x0;
	v27 =	vor.u32 v6, v14;
	v29 =	vmul.f32 $8.000000000e+00, v34;
	v18 =	vld [tilespmem:s11+$0xFFFFFFF0];
	[tilespmem:v35+s25+$0x0] =	vst.idx.msk $0xffff, v19  }
0xdc: {  	v31 =	vmov s13;
	s31 =	sadd.s32 $0x4, s31;
	v19 =	vor.u32 v6, v15;
	[tilespmem:v36+s25+$0x0] =	vst.idx.msk $0xffff, v20;
	v20 =	vld [tilespmem:s11+$0x30];
	v30 =	vmul.f32 $8.000000000e+00, v37  }
0xdd: {  	v31 =	vand.u32 $0x7F, v31;
	s31 =	sadd.s32 $0x100, s10  }
0xde: {  	v23 =	vand.u32 $0x7D, v23;
	v32 =	vld [tilespmem:s31+$0x40];
	v31 =	vbroadcast v31, $0x0  }
0xdf: {  	v28 =	vand.u32 $0x7E, v28;
	v33 =	vld [tilespmem:s31+$0xFFFFFFC0];
	v23 =	vbroadcast v23, $0x0  }
0xe0: {  	v35 =	vld [tilespmem:s31+$0x0];
	v28 =	vbroadcast v28, $0x0;
	v34 =	vor.u32 v2, v31  }
0xe1: {  	v22 =	vmul.f32 $8.000000000e+00, v22;
	[tilespmem:v24+s25+$0x0] =	vst.idx.msk $0xffff, v29;
	v24 =	vld [tilespmem:s31+$0xFFFFFF80];
	v29 =	vor.u32 v2, v23  }
0xe2: {  	[tilespmem:v26+s25+$0x0] =	vst.idx.msk $0xffff, v30;
	v21 =	vmul.f32 $8.000000000e+00, v21;
	v26 =	vor.u32 v2, v28  }
0xe3: {  	[tilespmem:v25+s25+$0x0] =	vst.idx.msk $0xffff, v22;
	v22 =	vor.u32 v2, v16;
	v25 =	vmul.f32 $8.000000000e+00, v32  }
0xe4: {  	[tilespmem:v27+s25+$0x0] =	vst.idx.msk $0xffff, v21;
	v21 =	vmul.f32 $8.000000000e+00, v33  }
0xe5: {  	v11 =	vor.u32 v8, v11;
	v27 =	vmul.f32 $8.000000000e+00, v35;
	[tilespmem:v34+s25+$0x0] =	vst.idx.msk $0xffff, v25;
	v25 =	vld [tilespmem:s11+$0xFFFFFFB0]  }
0xe6: {  	v13 =	vor.u32 v8, v13;
	v24 =	vmul.f32 $8.000000000e+00, v24;
	[tilespmem:v29+s25+$0x0] =	vst.idx.msk $0xffff, v21;
	v30 =	vld [tilespmem:s31+$0x50]  }
0xe7: {  	v12 =	vor.u32 v8, v12;
	v17 =	vmul.f32 $8.000000000e+00, v17;
	[tilespmem:v26+s25+$0x0] =	vst.idx.msk $0xffff, v27;
	v21 =	vld [tilespmem:s31+$0xFFFFFFD0]  }
0xe8: {  	v18 =	vmul.f32 $8.000000000e+00, v18;
	[tilespmem:v22+s25+$0x0] =	vst.idx.msk $0xffff, v24;
	v22 =	vor.u32 v6, v31;
	v24 =	vld [tilespmem:s31+$0x10]  }
0xe9: {  	[tilespmem:v19+s25+$0x0] =	vst.idx.msk $0xffff, v17;
	v17 =	vmul.f32 $8.000000000e+00, v20;
	v20 =	vor.u32 v6, v23;
	v19 =	vld [tilespmem:s31+$0xFFFFFF90]  }
0xea: {  	[tilespmem:v11+s25+$0x0] =	vst.idx.msk $0xffff, v18;
	v11 =	vor.u32 v6, v28;
	v26 =	vld [tilespmem:s10+$0x60];
	v25 =	vmul.f32 $8.000000000e+00, v25  }
0xeb: {  	v18 =	vld [tilespmem:s10+$0xFFFFFFE0];
	[tilespmem:v13+s25+$0x0] =	vst.idx.msk $0xffff, v17;
	v13 =	vor.u32 v6, v16;
	v17 =	vmul.f32 $8.000000000e+00, v30  }
0xec: {  	v27 =	vor.u32 v7, v10;
	v29 =	vld [tilespmem:s10+$0x20];
	[tilespmem:v12+s25+$0x0] =	vst.idx.msk $0xffff, v25;
	v12 =	vmul.f32 $8.000000000e+00, v21  }
0xed: {  	v21 =	vld [tilespmem:s10+$0xFFFFFFA0];
	v25 =	vor.u32 v7, v14;
	[tilespmem:v22+s25+$0x0] =	vst.idx.msk $0xffff, v17;
	v17 =	vmul.f32 $8.000000000e+00, v24  }
0xee: {  	v19 =	vmul.f32 $8.000000000e+00, v19;
	v22 =	vor.u32 v7, v15;
	v24 =	vld [tilespmem:s31+$0x60];
	[tilespmem:v20+s25+$0x0] =	vst.idx.msk $0xffff, v12  }
0xef: {  	v12 =	vmul.f32 $8.000000000e+00, v26;
	v20 =	vor.u32 v7, v9;
	[tilespmem:v11+s25+$0x0] =	vst.idx.msk $0xffff, v17;
	v11 =	vld [tilespmem:s31+$0xFFFFFFE0]  }
0xf0: {  	[tilespmem:v13+s25+$0x0] =	vst.idx.msk $0xffff, v19;
	v13 =	vor.u32 v7, v31;
	v17 =	vmul.f32 $8.000000000e+00, v18;
	v18 =	vld [tilespmem:s31+$0x20]  }
0xf1: {  	v19 =	vld [tilespmem:s31+$0xFFFFFFA0];
	v26 =	vor.u32 v7, v23;
	[tilespmem:v27+s25+$0x0] =	vst.idx.msk $0xffff, v12;
	v12 =	vmul.f32 $8.000000000e+00, v29  }
0xf2: {  	v27 =	vld [tilespmem:s10+$0x70];
	v21 =	vmul.f32 $8.000000000e+00, v21;
	[tilespmem:v25+s25+$0x0] =	vst.idx.msk $0xffff, v17;
	v17 =	vor.u32 v7, v28  }
0xf3: {  	v25 =	vld [tilespmem:s10+$0xFFFFFFF0];
	[tilespmem:v22+s25+$0x0] =	vst.idx.msk $0xffff, v12;
	v22 =	vor.u32 v7, v16;
	v12 =	vmul.f32 $8.000000000e+00, v24  }
0xf4: {  	v10 =	vor.u32 v8, v10;
	[tilespmem:v20+s25+$0x0] =	vst.idx.msk $0xffff, v21;
	v20 =	vld [tilespmem:s10+$0x30];
	v11 =	vmul.f32 $8.000000000e+00, v11  }
0xf5: {  	v14 =	vor.u32 v8, v14;
	v21 =	vld [tilespmem:s10+$0xFFFFFFB0];
	[tilespmem:v13+s25+$0x0] =	vst.idx.msk $0xffff, v12;
	v12 =	vmul.f32 $8.000000000e+00, v18  }
0xf6: {  	v13 =	vor.u32 v8, v15;
	v18 =	vmul.f32 $8.000000000e+00, v19;
	v15 =	vld [tilespmem:s31+$0x70];
	[tilespmem:v26+s25+$0x0] =	vst.idx.msk $0xffff, v11  }
0xf7: {  	v9 =	vor.u32 v8, v9;
	v11 =	vmul.f32 $8.000000000e+00, v27;
	v19 =	vld [tilespmem:s31+$0xFFFFFFF0];
	[tilespmem:v17+s25+$0x0] =	vst.idx.msk $0xffff, v12  }
0xf8: {  	v12 =	vmul.f32 $8.000000000e+00, v25;
	v17 =	vor.u32 v8, v31;
	[tilespmem:v22+s25+$0x0] =	vst.idx.msk $0xffff, v18;
	v18 =	vld [tilespmem:s31+$0x30]  }
0xf9: {  	[tilespmem:v10+s25+$0x0] =	vst.idx.msk $0xffff, v11;
	v10 =	vmul.f32 $8.000000000e+00, v20;
	v11 =	vld [tilespmem:s31+$0xFFFFFFB0];
	v20 =	vor.u32 v8, v23  }
0xfa: {  	v21 =	vmul.f32 $8.000000000e+00, v21;
	[tilespmem:v14+s25+$0x0] =	vst.idx.msk $0xffff, v12;
	v12 =	vor.u32 v8, v28  }
0xfb: {  	[tilespmem:v13+s25+$0x0] =	vst.idx.msk $0xffff, v10;
	v13 =	vor.u32 v8, v16;
	v10 =	vmul.f32 $8.000000000e+00, v15  }
0xfc: {  	[tilespmem:v9+s25+$0x0] =	vst.idx.msk $0xffff, v21;
	v9 =	vmul.f32 $8.000000000e+00, v19  }
0xfd: {  	[tilespmem:v17+s25+$0x0] =	vst.idx.msk $0xffff, v10;
	v10 =	vmul.f32 $8.000000000e+00, v18  }
0xfe: {  	s13 =	sor.u32 s7, s18;
	v11 =	vmul.f32 $8.000000000e+00, v11;
	[tilespmem:v20+s25+$0x0] =	vst.idx.msk $0xffff, v9  }
0xff: {  	s10 =	sshrl.u32 s13, $0x3;
	[tilespmem:v12+s25+$0x0] =	vst.idx.msk $0xffff, v10  }
0x100: {  	s10 =	sadd.s32 s2, s10;
	[tilespmem:v13+s25+$0x0] =	vst.idx.msk $0xffff, v11  }
0x101: {  	[hbm4b:s10+s22] =	stream.strided.scatter [tilespmem:s25], [sflag:$0x6], $0x2000, s23, s22, $0x38;
	[tilespmem:$0x1D400] =	vst v63  }
0x102: {  	_ =	swait.ge [sflag:s26], $0x2000  }
0x103: {  	s11 =	simm.s32 @!p0 $0x80;
	[sflag:s26] =	ssyncset.done $0x0  }
0x104: {  	s13 =	simm.s32 @!p0 $0xF400;
	s10 =	sadd.s32 @!p0 $0x7280, s6;
	[sflag:s26] =	ssyncadd.s32 $0xFFFFE000  }
0x105: {  	[tilespmem:s13], [sflag:$0x2] =	stream.indirect.gather @!p0 [hbm4b:s4+s11], $0x40, s10, s11, $0xb8;
	[tilespmem:$0x1D400] =	vst v63  }
0x106: {  	s11 =	simm.s32 $0x3;
	_ =	swait.ge @p1 [sflag:s0], $0x2000  }
0x107: {  	v9 =	vmov s11;
	[sflag:s0] =	ssyncset.done @p1 $0x0  }
0x108: {  	s11 =	simm.s32 $0x11480;
	v9 =	vand.u32 $0x7F, v9;
	[sflag:s0] =	ssyncadd.s32 @p1 $0xFFFFE000  }
0x109: {  	s13 =	simm.s32 $0x1;
	v16 =	vbroadcast v9, $0x0;
	v10 =	vld [tilespmem:s11+$0x40]  }
0x10a: {  	v9 =	vmov s13;
	s13 =	simm.s32 $0x2  }
0x10b: {  	v11 =	vmov s13;
	v9 =	vand.u32 $0x7D, v9;
	v14 =	vor.u32 v2, v16  }
0x10c: {  	s13 =	simm.s32 $0x0;
	v15 =	vld [tilespmem:s11+$0xFFFFFFC0];
	v12 =	vand.u32 $0x7E, v11;
	v11 =	vbroadcast v9, $0x0  }
0x10d: {  	v9 =	vmov s13;
	v13 =	vbroadcast v12, $0x0  }
0x10e: {  	v17 =	vld [tilespmem:s11+$0x0];
	v9 =	vand.u32 $0x7C, v9;
	v18 =	vor.u32 v2, v11;
	v10 =	vmul.f32 $8.000000000e+00, v10  }
0x10f: {  	v12 =	vbroadcast v9, $0x0;
	v9 =	vld [tilespmem:s11+$0xFFFFFF80]  }
0x110: {  	v19 =	vor.u32 v2, v13;
	[tilespmem:v14+s28+$0x0] =	vst.idx.msk $0xffff, v10  }
0x111: {  	v10 =	vor.u32 v2, v12;
	v14 =	vmul.f32 $8.000000000e+00, v15;
	v15 =	vld [tilespmem:s11+$0x50];
	_ =	sdelay $0x1  }
0x112: {  	v17 =	vmul.f32 $8.000000000e+00, v17;
	[tilespmem:v18+s28+$0x0] =	vst.idx.msk $0xffff, v14;
	v14 =	vor.u32 v6, v16  }
0x113: {  	v9 =	vmul.f32 $8.000000000e+00, v9;
	v18 =	vld [tilespmem:s11+$0xFFFFFFD0]  }
0x114: {  	s10 =	simm.s32 $0x7;
	s13 =	simm.s32 $0x4;
	v28 =	vor.u32 v7, v16;
	[tilespmem:v19+s28+$0x0] =	vst.idx.msk $0xffff, v17  }
0x115: {  	v17 =	vmov s13;
	v19 =	vld [tilespmem:s11+$0x10];
	[tilespmem:v10+s28+$0x0] =	vst.idx.msk $0xffff, v9;
	v10 =	vmul.f32 $8.000000000e+00, v15;
	v15 =	vmov s10  }
0x116: {  	v21 =	vor.u32 v6, v11;
	s13 =	simm.s32 $0x5;
	v9 =	vand.u32 $0x7C, v17;
	v17 =	vld [tilespmem:s11+$0xFFFFFF90];
	s10 =	simm.s32 $0x11580;
	v15 =	vand.u32 $0x7F, v15  }
0x117: {  	v23 =	vor.u32 v6, v13;
	v20 =	vmov s13;
	s13 =	simm.s32 $0x6;
	v24 =	vld [tilespmem:s10+$0x40];
	[tilespmem:v14+s28+$0x0] =	vst.idx.msk $0xffff, v10;
	v10 =	vbroadcast v15, $0x0  }
0x118: {  	v25 =	vor.u32 v6, v12;
	v22 =	vmov s13;
	v15 =	vmul.f32 $8.000000000e+00, v18;
	v18 =	vld [tilespmem:s11+$0x60]  }
0x119: {  	v9 =	vbroadcast v9, $0x0;
	v14 =	vand.u32 $0x7D, v20;
	v20 =	vld [tilespmem:s10+$0xFFFFFF80];
	v26 =	vor.u32 v2, v10  }
0x11a: {  	v22 =	vand.u32 $0x7E, v22;
	v27 =	vld [tilespmem:s10+$0xFFFFFFC0];
	v19 =	vmul.f32 $8.000000000e+00, v19;
	v14 =	vbroadcast v14, $0x0  }
0x11b: {  	v29 =	vld [tilespmem:s10+$0x0];
	[tilespmem:v21+s28+$0x0] =	vst.idx.msk $0xffff, v15;
	v21 =	vor.u32 v2, v9;
	v15 =	vbroadcast v22, $0x0;
	v17 =	vmul.f32 $8.000000000e+00, v17  }
0x11c: {  	[tilespmem:v23+s28+$0x0] =	vst.idx.msk $0xffff, v19;
	v19 =	vor.u32 v2, v14;
	v23 =	vld [tilespmem:s11+$0xFFFFFFE0];
	v22 =	vmul.f32 $8.000000000e+00, v24  }
0x11d: {  	[tilespmem:v25+s28+$0x0] =	vst.idx.msk $0xffff, v17;
	v17 =	vor.u32 v2, v15;
	v25 =	vld [tilespmem:s11+$0x20];
	v18 =	vmul.f32 $8.000000000e+00, v18  }
0x11e: {  	v31 =	vor.u32 v7, v11;
	v20 =	vmul.f32 $8.000000000e+00, v20;
	v30 =	vld [tilespmem:s11+$0xFFFFFFA0];
	[tilespmem:v26+s28+$0x0] =	vst.idx.msk $0xffff, v22  }
0x11f: {  	v61 =	vor.u32 v7, v13;
	v24 =	vmul.f32 $8.000000000e+00, v27;
	v60 =	vld [tilespmem:s10+$0x50];
	[tilespmem:v28+s28+$0x0] =	vst.idx.msk $0xffff, v18  }
0x120: {  	v62 =	vor.u32 v7, v12;
	s13 =	simm.s32 $0x8;
	v27 =	vor.u32 v6, v14;
	[tilespmem:v21+s28+$0x0] =	vst.idx.msk $0xffff, v20;
	v20 =	vmul.f32 $8.000000000e+00, v29;
	v63 =	vld [tilespmem:s11+$0x70]  }
0x121: {  	v18 =	vmov s13;
	v22 =	vld [tilespmem:s10+$0xFFFFFF90];
	[tilespmem:v19+s28+$0x0] =	vst.idx.msk $0xffff, v24;
	v24 =	vor.u32 v6, v10;
	v19 =	vmul.f32 $8.000000000e+00, v23  }
0x122: {  	v26 =	vor.u32 v8, v16;
	s13 =	simm.s32 $0x9;
	v18 =	vand.u32 $0x7C, v18;
	v21 =	vld [tilespmem:s10+$0xFFFFFFD0];
	[tilespmem:v17+s28+$0x0] =	vst.idx.msk $0xffff, v20;
	v20 =	vmul.f32 $8.000000000e+00, v25  }
0x123: {  	v23 =	vmov s13;
	s13 =	simm.s32 $0xA;
	v25 =	vor.u32 v6, v9;
	[tilespmem:v31+s28+$0x0] =	vst.idx.msk $0xffff, v19;
	v17 =	vld [tilespmem:s10+$0x10];
	v30 =	vmul.f32 $8.000000000e+00, v30  }
0x124: {  	v28 =	vmov s13;
	v16 =	vbroadcast v18, $0x0;
	s13 =	simm.s32 $0xB;
	v18 =	vld [tilespmem:s11+$0xFFFFFFF0];
	[tilespmem:v61+s28+$0x0] =	vst.idx.msk $0xffff, v20;
	v29 =	vmul.f32 $8.000000000e+00, v60  }
0x125: {  	s31 =	simm.s32 $0xC;
	v19 =	vor.u32 v6, v15;
	v31 =	vmov s13;
	[tilespmem:v62+s28+$0x0] =	vst.idx.msk $0xffff, v30;
	v20 =	vld [tilespmem:s11+$0x30];
	v30 =	vmul.f32 $8.000000000e+00, v63  }
.LBB2_9:
0x126: {  	p2 =	slt.u32 s31, $0x7C;
	v31 =	vand.u32 $0x7F, v31;
	v22 =	vmul.f32 $8.000000000e+00, v22;
	[tilespmem:v24+s28+$0x0] =	vst.idx.msk $0xffff, v29;
	v24 =	vld [tilespmem:s11+$0xFFFFFFB0];
	v29 =	vor.u32 v8, v11;
	v11 =	vmovc v14;
	s11 =	smov.u32 s10;
	s10 =	sadd.s32 $0x100, s10  }
0x127: {  	v32 =	vld [tilespmem:s10+$0x40];
	v31 =	vbroadcast v31, $0x0;
	v14 =	vmul.f32 $8.000000000e+00, v21;
	v21 =	vor.u32 v8, v13;
	[tilespmem:v26+s28+$0x0] =	vst.idx.msk $0xffff, v30;
	v13 =	vmovc v15  }
0x128: {  	v15 =	vand.u32 $0x7D, v23;
	v23 =	vor.u32 v8, v12;
	v12 =	vmovc v9;
	[tilespmem:v25+s28+$0x0] =	vst.idx.msk $0xffff, v22;
	v17 =	vmul.f32 $8.000000000e+00, v17;
	v22 =	vld [tilespmem:s11+$0x60]  }
0x129: {  	v26 =	vand.u32 $0x7E, v28;
	v9 =	vmovc v16;
	v25 =	vld [tilespmem:s10+$0xFFFFFF80];
	v28 =	vor.u32 v2, v31;
	[tilespmem:v27+s28+$0x0] =	vst.idx.msk $0xffff, v14;
	v18 =	vmul.f32 $8.000000000e+00, v18  }
0x12a: {  	v14 =	vbroadcast v15, $0x0;
	v16 =	vld [tilespmem:s10+$0xFFFFFFC0];
	[tilespmem:v19+s28+$0x0] =	vst.idx.msk $0xffff, v17;
	v17 =	vor.u32 v7, v10;
	v19 =	vmul.f32 $8.000000000e+00, v20  }
0x12b: {  	v15 =	vbroadcast v26, $0x0;
	v20 =	vor.u32 v2, v9;
	v27 =	vld [tilespmem:s10+$0x0];
	v24 =	vmul.f32 $8.000000000e+00, v24;
	[tilespmem:v29+s28+$0x0] =	vst.idx.msk $0xffff, v18  }
0x12c: {  	v18 =	vor.u32 v2, v14;
	v26 =	vmul.f32 $8.000000000e+00, v32;
	v29 =	vld [tilespmem:s11+$0xFFFFFFE0];
	[tilespmem:v21+s28+$0x0] =	vst.idx.msk $0xffff, v19  }
0x12d: {  	v19 =	vor.u32 v2, v15;
	v30 =	vld [tilespmem:s11+$0x20];
	v21 =	vmul.f32 $8.000000000e+00, v22;
	[tilespmem:v23+s28+$0x0] =	vst.idx.msk $0xffff, v24  }
0x12e: {  	v33 =	vor.u32 v7, v11;
	v22 =	vmul.f32 $8.000000000e+00, v25;
	[tilespmem:v28+s28+$0x0] =	vst.idx.msk $0xffff, v26;
	v32 =	vld [tilespmem:s11+$0xFFFFFFA0]  }
0x12f: {  	v35 =	vor.u32 v7, v13;
	v16 =	vmul.f32 $8.000000000e+00, v16;
	v34 =	vld [tilespmem:s10+$0x50];
	[tilespmem:v17+s28+$0x0] =	vst.idx.msk $0xffff, v21  }
0x130: {  	v36 =	vor.u32 v7, v12;
	v17 =	vmov s31;
	[tilespmem:v20+s28+$0x0] =	vst.idx.msk $0xffff, v22;
	v20 =	vmul.f32 $8.000000000e+00, v27;
	v37 =	vld [tilespmem:s11+$0x70]  }
.Ltmp3:
0x131: {  	s13 =	sadd.s32 $0x1, s31;
	v24 =	vor.u32 v6, v31;
	v27 =	vand.u32 $0x7C, v17;
	v22 =	vld [tilespmem:s10+$0xFFFFFF90];
	[tilespmem:v18+s28+$0x0] =	vst.idx.msk $0xffff, v16;
	v16 =	vmul.f32 $8.000000000e+00, v29;
	(pc) =	sbr.rel @p2 .LBB2_9-.Ltmp3, $4  }
0x132: {  	v23 =	vmov s13;
	s13 =	sadd.s32 $0x2, s31;
	v26 =	vor.u32 v8, v10;
	v10 =	vmovc v31;
	v21 =	vld [tilespmem:s10+$0xFFFFFFD0];
	[tilespmem:v19+s28+$0x0] =	vst.idx.msk $0xffff, v20;
	v19 =	vmul.f32 $8.000000000e+00, v30  }
0x133: {  	v28 =	vmov s13;
	v25 =	vor.u32 v6, v9;
	v17 =	vld [tilespmem:s10+$0x10];
	v20 =	vmul.f32 $8.000000000e+00, v32;
	[tilespmem:v33+s28+$0x0] =	vst.idx.msk $0xffff, v16  }
0x134: {  	s13 =	sadd.s32 $0x3, s31;
	v16 =	vbroadcast v27, $0x0;
	v27 =	vor.u32 v6, v14;
	v29 =	vmul.f32 $8.000000000e+00, v34;
	v18 =	vld [tilespmem:s11+$0xFFFFFFF0];
	[tilespmem:v35+s28+$0x0] =	vst.idx.msk $0xffff, v19  }
0x135: {  	v31 =	vmov s13;
	s31 =	sadd.s32 $0x4, s31;
	v19 =	vor.u32 v6, v15;
	[tilespmem:v36+s28+$0x0] =	vst.idx.msk $0xffff, v20;
	v20 =	vld [tilespmem:s11+$0x30];
	v30 =	vmul.f32 $8.000000000e+00, v37  }
0x136: {  	v31 =	vand.u32 $0x7F, v31;
	s31 =	sadd.s32 $0x100, s10  }
0x137: {  	v23 =	vand.u32 $0x7D, v23;
	v32 =	vld [tilespmem:s31+$0x40];
	v31 =	vbroadcast v31, $0x0  }
0x138: {  	v28 =	vand.u32 $0x7E, v28;
	v33 =	vld [tilespmem:s31+$0xFFFFFFC0];
	v23 =	vbroadcast v23, $0x0  }
0x139: {  	v35 =	vld [tilespmem:s31+$0x0];
	v28 =	vbroadcast v28, $0x0;
	v34 =	vor.u32 v2, v31  }
0x13a: {  	v22 =	vmul.f32 $8.000000000e+00, v22;
	[tilespmem:v24+s28+$0x0] =	vst.idx.msk $0xffff, v29;
	v24 =	vld [tilespmem:s31+$0xFFFFFF80];
	v29 =	vor.u32 v2, v23  }
0x13b: {  	[tilespmem:v26+s28+$0x0] =	vst.idx.msk $0xffff, v30;
	v21 =	vmul.f32 $8.000000000e+00, v21;
	v26 =	vor.u32 v2, v28  }
0x13c: {  	[tilespmem:v25+s28+$0x0] =	vst.idx.msk $0xffff, v22;
	v22 =	vor.u32 v2, v16;
	v25 =	vmul.f32 $8.000000000e+00, v32  }
0x13d: {  	[tilespmem:v27+s28+$0x0] =	vst.idx.msk $0xffff, v21;
	v21 =	vmul.f32 $8.000000000e+00, v33  }
0x13e: {  	v11 =	vor.u32 v8, v11;
	v27 =	vmul.f32 $8.000000000e+00, v35;
	[tilespmem:v34+s28+$0x0] =	vst.idx.msk $0xffff, v25;
	v25 =	vld [tilespmem:s11+$0xFFFFFFB0]  }
0x13f: {  	v13 =	vor.u32 v8, v13;
	v24 =	vmul.f32 $8.000000000e+00, v24;
	[tilespmem:v29+s28+$0x0] =	vst.idx.msk $0xffff, v21;
	v30 =	vld [tilespmem:s31+$0x50]  }
0x140: {  	v12 =	vor.u32 v8, v12;
	v17 =	vmul.f32 $8.000000000e+00, v17;
	[tilespmem:v26+s28+$0x0] =	vst.idx.msk $0xffff, v27;
	v21 =	vld [tilespmem:s31+$0xFFFFFFD0]  }
0x141: {  	v18 =	vmul.f32 $8.000000000e+00, v18;
	[tilespmem:v22+s28+$0x0] =	vst.idx.msk $0xffff, v24;
	v22 =	vor.u32 v6, v31;
	v24 =	vld [tilespmem:s31+$0x10]  }
0x142: {  	[tilespmem:v19+s28+$0x0] =	vst.idx.msk $0xffff, v17;
	v17 =	vmul.f32 $8.000000000e+00, v20;
	v20 =	vor.u32 v6, v23;
	v19 =	vld [tilespmem:s31+$0xFFFFFF90]  }
0x143: {  	[tilespmem:v11+s28+$0x0] =	vst.idx.msk $0xffff, v18;
	v11 =	vor.u32 v6, v28;
	v26 =	vld [tilespmem:s10+$0x60];
	v25 =	vmul.f32 $8.000000000e+00, v25  }
0x144: {  	v18 =	vld [tilespmem:s10+$0xFFFFFFE0];
	[tilespmem:v13+s28+$0x0] =	vst.idx.msk $0xffff, v17;
	v13 =	vor.u32 v6, v16;
	v17 =	vmul.f32 $8.000000000e+00, v30  }
0x145: {  	v27 =	vor.u32 v7, v10;
	v29 =	vld [tilespmem:s10+$0x20];
	[tilespmem:v12+s28+$0x0] =	vst.idx.msk $0xffff, v25;
	v12 =	vmul.f32 $8.000000000e+00, v21  }
0x146: {  	v21 =	vld [tilespmem:s10+$0xFFFFFFA0];
	v25 =	vor.u32 v7, v14;
	[tilespmem:v22+s28+$0x0] =	vst.idx.msk $0xffff, v17;
	v17 =	vmul.f32 $8.000000000e+00, v24  }
0x147: {  	v19 =	vmul.f32 $8.000000000e+00, v19;
	v22 =	vor.u32 v7, v15;
	v24 =	vld [tilespmem:s31+$0x60];
	[tilespmem:v20+s28+$0x0] =	vst.idx.msk $0xffff, v12  }
0x148: {  	v12 =	vmul.f32 $8.000000000e+00, v26;
	v20 =	vor.u32 v7, v9;
	[tilespmem:v11+s28+$0x0] =	vst.idx.msk $0xffff, v17;
	v11 =	vld [tilespmem:s31+$0xFFFFFFE0]  }
0x149: {  	[tilespmem:v13+s28+$0x0] =	vst.idx.msk $0xffff, v19;
	v13 =	vor.u32 v7, v31;
	v17 =	vmul.f32 $8.000000000e+00, v18;
	v18 =	vld [tilespmem:s31+$0x20]  }
0x14a: {  	v19 =	vld [tilespmem:s31+$0xFFFFFFA0];
	v26 =	vor.u32 v7, v23;
	[tilespmem:v27+s28+$0x0] =	vst.idx.msk $0xffff, v12;
	v12 =	vmul.f32 $8.000000000e+00, v29  }
0x14b: {  	v27 =	vld [tilespmem:s10+$0x70];
	v21 =	vmul.f32 $8.000000000e+00, v21;
	[tilespmem:v25+s28+$0x0] =	vst.idx.msk $0xffff, v17;
	v17 =	vor.u32 v7, v28  }
0x14c: {  	v25 =	vld [tilespmem:s10+$0xFFFFFFF0];
	[tilespmem:v22+s28+$0x0] =	vst.idx.msk $0xffff, v12;
	v22 =	vor.u32 v7, v16;
	v12 =	vmul.f32 $8.000000000e+00, v24  }
0x14d: {  	v10 =	vor.u32 v8, v10;
	[tilespmem:v20+s28+$0x0] =	vst.idx.msk $0xffff, v21;
	v20 =	vld [tilespmem:s10+$0x30];
	v11 =	vmul.f32 $8.000000000e+00, v11  }
0x14e: {  	v14 =	vor.u32 v8, v14;
	v21 =	vld [tilespmem:s10+$0xFFFFFFB0];
	[tilespmem:v13+s28+$0x0] =	vst.idx.msk $0xffff, v12;
	v12 =	vmul.f32 $8.000000000e+00, v18  }
0x14f: {  	v13 =	vor.u32 v8, v15;
	v18 =	vmul.f32 $8.000000000e+00, v19;
	v15 =	vld [tilespmem:s31+$0x70];
	[tilespmem:v26+s28+$0x0] =	vst.idx.msk $0xffff, v11  }
0x150: {  	v9 =	vor.u32 v8, v9;
	v11 =	vmul.f32 $8.000000000e+00, v27;
	v19 =	vld [tilespmem:s31+$0xFFFFFFF0];
	[tilespmem:v17+s28+$0x0] =	vst.idx.msk $0xffff, v12  }
0x151: {  	v12 =	vmul.f32 $8.000000000e+00, v25;
	v17 =	vor.u32 v8, v31;
	[tilespmem:v22+s28+$0x0] =	vst.idx.msk $0xffff, v18;
	v18 =	vld [tilespmem:s31+$0x30]  }
0x152: {  	[tilespmem:v10+s28+$0x0] =	vst.idx.msk $0xffff, v11;
	v10 =	vmul.f32 $8.000000000e+00, v20;
	v11 =	vld [tilespmem:s31+$0xFFFFFFB0];
	v20 =	vor.u32 v8, v23  }
0x153: {  	v21 =	vmul.f32 $8.000000000e+00, v21;
	[tilespmem:v14+s28+$0x0] =	vst.idx.msk $0xffff, v12;
	v12 =	vor.u32 v8, v28  }
0x154: {  	[tilespmem:v13+s28+$0x0] =	vst.idx.msk $0xffff, v10;
	v13 =	vor.u32 v8, v16;
	v10 =	vmul.f32 $8.000000000e+00, v15  }
0x155: {  	[tilespmem:v9+s28+$0x0] =	vst.idx.msk $0xffff, v21;
	v9 =	vmul.f32 $8.000000000e+00, v19  }
0x156: {  	[tilespmem:v17+s28+$0x0] =	vst.idx.msk $0xffff, v10;
	v10 =	vmul.f32 $8.000000000e+00, v18  }
0x157: {  	s11 =	sor.u32 s8, s18;
	v11 =	vmul.f32 $8.000000000e+00, v11;
	[tilespmem:v20+s28+$0x0] =	vst.idx.msk $0xffff, v9  }
0x158: {  	s10 =	sshrl.u32 s11, $0x3;
	[tilespmem:v12+s28+$0x0] =	vst.idx.msk $0xffff, v10  }
0x159: {  	s10 =	sadd.s32 s2, s10;
	[tilespmem:v13+s28+$0x0] =	vst.idx.msk $0xffff, v11  }
0x15a: {  	[hbm4b:s10+s22] =	stream.strided.scatter [tilespmem:s28], [sflag:$0x7], $0x2000, s23, s22, $0x38;
	[tilespmem:$0x1D400] =	vst v63  }
0x15b: {  	_ =	swait.ge [sflag:s29], $0x2000  }
0x15c: {  	s6 =	sadd.s32 @!p0 $0x7300, s6;
	[sflag:s29] =	ssyncset.done $0x0  }
0x15d: {  	s11 =	simm.s32 @!p0 $0x11400;
	s10 =	simm.s32 @!p0 $0x80;
	[sflag:s29] =	ssyncadd.s32 $0xFFFFE000  }
0x15e: {  	[tilespmem:s11], [sflag:$0x3] =	stream.indirect.gather @!p0 [hbm4b:s4+s10], $0x40, s6, s10, $0xb8;
	[tilespmem:$0x1D400] =	vst v63  }
0x15f: {  	s13 =	simm.s32 $0x3;
	_ =	swait.ge @p1 [sflag:s14], $0x2000  }
0x160: {  	v9 =	vmov s13;
	[sflag:s14] =	ssyncset.done @p1 $0x0  }
0x161: {  	v9 =	vand.u32 $0x7F, v9;
	s10 =	simm.s32 $0x13480;
	[sflag:s14] =	ssyncadd.s32 @p1 $0xFFFFE000  }
0x162: {  	s31 =	simm.s32 $0x1;
	v16 =	vbroadcast v9, $0x0;
	v10 =	vld [tilespmem:s10+$0x40]  }
0x163: {  	v9 =	vmov s31;
	s11 =	simm.s32 $0x2  }
0x164: {  	v9 =	vand.u32 $0x7D, v9;
	v14 =	vor.u32 v2, v16;
	v11 =	vmov s11  }
0x165: {  	s13 =	simm.s32 $0x0;
	v12 =	vand.u32 $0x7E, v11;
	v11 =	vbroadcast v9, $0x0;
	v15 =	vld [tilespmem:s10+$0xFFFFFFC0]  }
0x166: {  	v9 =	vmov s13;
	v13 =	vbroadcast v12, $0x0  }
0x167: {  	v9 =	vand.u32 $0x7C, v9;
	v17 =	vld [tilespmem:s10+$0x0];
	v18 =	vor.u32 v2, v11;
	v10 =	vmul.f32 $8.000000000e+00, v10  }
0x168: {  	v12 =	vbroadcast v9, $0x0;
	v9 =	vld [tilespmem:s10+$0xFFFFFF80]  }
0x169: {  	v19 =	vor.u32 v2, v13;
	[tilespmem:v14+s30+$0x0] =	vst.idx.msk $0xffff, v10  }
0x16a: {  	v10 =	vor.u32 v2, v12;
	v14 =	vmul.f32 $8.000000000e+00, v15;
	v15 =	vld [tilespmem:s10+$0x50];
	_ =	sdelay $0x1  }
0x16b: {  	v17 =	vmul.f32 $8.000000000e+00, v17;
	[tilespmem:v18+s30+$0x0] =	vst.idx.msk $0xffff, v14;
	v14 =	vor.u32 v6, v16  }
0x16c: {  	v9 =	vmul.f32 $8.000000000e+00, v9;
	v18 =	vld [tilespmem:s10+$0xFFFFFFD0]  }
0x16d: {  	s31 =	simm.s32 $0x4;
	v28 =	vor.u32 v7, v16;
	s11 =	simm.s32 $0x7;
	[tilespmem:v19+s30+$0x0] =	vst.idx.msk $0xffff, v17  }
0x16e: {  	v17 =	vmov s31;
	v19 =	vld [tilespmem:s10+$0x10];
	[tilespmem:v10+s30+$0x0] =	vst.idx.msk $0xffff, v9;
	v10 =	vmul.f32 $8.000000000e+00, v15;
	v15 =	vmov s11  }
0x16f: {  	s6 =	simm.s32 $0x13580;
	s13 =	simm.s32 $0x5;
	v21 =	vor.u32 v6, v11;
	v9 =	vand.u32 $0x7C, v17;
	v17 =	vld [tilespmem:s10+$0xFFFFFF90];
	v15 =	vand.u32 $0x7F, v15  }
0x170: {  	v20 =	vmov s13;
	v24 =	vld [tilespmem:s6+$0x40];
	v23 =	vor.u32 v6, v13;
	s31 =	simm.s32 $0x6;
	[tilespmem:v14+s30+$0x0] =	vst.idx.msk $0xffff, v10;
	v10 =	vbroadcast v15, $0x0  }
0x171: {  	v25 =	vor.u32 v6, v12;
	v22 =	vmov s31;
	v15 =	vmul.f32 $8.000000000e+00, v18;
	v18 =	vld [tilespmem:s10+$0x60]  }
0x172: {  	v9 =	vbroadcast v9, $0x0;
	v14 =	vand.u32 $0x7D, v20;
	v20 =	vld [tilespmem:s6+$0xFFFFFF80];
	v26 =	vor.u32 v2, v10  }
0x173: {  	v27 =	vld [tilespmem:s6+$0xFFFFFFC0];
	v22 =	vand.u32 $0x7E, v22;
	v19 =	vmul.f32 $8.000000000e+00, v19;
	v14 =	vbroadcast v14, $0x0  }
0x174: {  	v29 =	vld [tilespmem:s6+$0x0];
	[tilespmem:v21+s30+$0x0] =	vst.idx.msk $0xffff, v15;
	v21 =	vor.u32 v2, v9;
	v15 =	vbroadcast v22, $0x0;
	v17 =	vmul.f32 $8.000000000e+00, v17  }
0x175: {  	[tilespmem:v23+s30+$0x0] =	vst.idx.msk $0xffff, v19;
	v22 =	vmul.f32 $8.000000000e+00, v24;
	v19 =	vor.u32 v2, v14;
	v23 =	vld [tilespmem:s10+$0xFFFFFFE0]  }
0x176: {  	[tilespmem:v25+s30+$0x0] =	vst.idx.msk $0xffff, v17;
	v17 =	vor.u32 v2, v15;
	v25 =	vld [tilespmem:s10+$0x20];
	v18 =	vmul.f32 $8.000000000e+00, v18  }
0x177: {  	v31 =	vor.u32 v7, v11;
	v20 =	vmul.f32 $8.000000000e+00, v20;
	v30 =	vld [tilespmem:s10+$0xFFFFFFA0];
	[tilespmem:v26+s30+$0x0] =	vst.idx.msk $0xffff, v22  }
0x178: {  	v61 =	vor.u32 v7, v13;
	v24 =	vmul.f32 $8.000000000e+00, v27;
	v60 =	vld [tilespmem:s6+$0x50];
	[tilespmem:v28+s30+$0x0] =	vst.idx.msk $0xffff, v18  }
0x179: {  	v62 =	vor.u32 v7, v12;
	v27 =	vor.u32 v6, v14;
	[tilespmem:v21+s30+$0x0] =	vst.idx.msk $0xffff, v20;
	v20 =	vmul.f32 $8.000000000e+00, v29;
	v63 =	vld [tilespmem:s10+$0x70]  }
0x17a: {  	s13 =	simm.s32 $0x8;
	s31 =	simm.s32 $0x9;
	v26 =	vor.u32 v8, v16;
	v22 =	vld [tilespmem:s6+$0xFFFFFF90];
	[tilespmem:v19+s30+$0x0] =	vst.idx.msk $0xffff, v24;
	v24 =	vor.u32 v6, v10;
	v19 =	vmul.f32 $8.000000000e+00, v23  }
0x17b: {  	v18 =	vmov s13;
	v23 =	vmov s31;
	v21 =	vld [tilespmem:s6+$0xFFFFFFD0];
	[tilespmem:v17+s30+$0x0] =	vst.idx.msk $0xffff, v20;
	v20 =	vmul.f32 $8.000000000e+00, v25  }
0x17c: {  	s13 =	simm.s32 $0xA;
	v18 =	vand.u32 $0x7C, v18;
	v25 =	vor.u32 v6, v9;
	[tilespmem:v31+s30+$0x0] =	vst.idx.msk $0xffff, v19;
	v17 =	vld [tilespmem:s6+$0x10];
	v30 =	vmul.f32 $8.000000000e+00, v30  }
0x17d: {  	s31 =	simm.s32 $0xB;
	v28 =	vmov s13;
	v16 =	vbroadcast v18, $0x0;
	v18 =	vld [tilespmem:s10+$0xFFFFFFF0];
	[tilespmem:v61+s30+$0x0] =	vst.idx.msk $0xffff, v20;
	v29 =	vmul.f32 $8.000000000e+00, v60  }
0x17e: {  	s11 =	simm.s32 $0xC;
	v31 =	vmov s31;
	v19 =	vor.u32 v6, v15;
	[tilespmem:v62+s30+$0x0] =	vst.idx.msk $0xffff, v30;
	v20 =	vld [tilespmem:s10+$0x30];
	v30 =	vmul.f32 $8.000000000e+00, v63  }
.LBB2_11:
0x17f: {  	p0 =	slt.u32 s11, $0x7C;
	v31 =	vand.u32 $0x7F, v31;
	v22 =	vmul.f32 $8.000000000e+00, v22;
	[tilespmem:v24+s30+$0x0] =	vst.idx.msk $0xffff, v29;
	v24 =	vld [tilespmem:s10+$0xFFFFFFB0];
	v29 =	vor.u32 v8, v11;
	v11 =	vmovc v14;
	s10 =	smov.u32 s6;
	s6 =	sadd.s32 $0x100, s6  }
0x180: {  	v32 =	vld [tilespmem:s6+$0x40];
	v31 =	vbroadcast v31, $0x0;
	v14 =	vmul.f32 $8.000000000e+00, v21;
	v21 =	vor.u32 v8, v13;
	[tilespmem:v26+s30+$0x0] =	vst.idx.msk $0xffff, v30;
	v13 =	vmovc v15  }
0x181: {  	v15 =	vand.u32 $0x7D, v23;
	v23 =	vor.u32 v8, v12;
	v12 =	vmovc v9;
	[tilespmem:v25+s30+$0x0] =	vst.idx.msk $0xffff, v22;
	v17 =	vmul.f32 $8.000000000e+00, v17;
	v22 =	vld [tilespmem:s10+$0x60]  }
0x182: {  	v26 =	vand.u32 $0x7E, v28;
	v9 =	vmovc v16;
	v25 =	vld [tilespmem:s6+$0xFFFFFF80];
	v28 =	vor.u32 v2, v31;
	[tilespmem:v27+s30+$0x0] =	vst.idx.msk $0xffff, v14;
	v18 =	vmul.f32 $8.000000000e+00, v18  }
0x183: {  	v14 =	vbroadcast v15, $0x0;
	v16 =	vld [tilespmem:s6+$0xFFFFFFC0];
	[tilespmem:v19+s30+$0x0] =	vst.idx.msk $0xffff, v17;
	v17 =	vor.u32 v7, v10;
	v19 =	vmul.f32 $8.000000000e+00, v20  }
0x184: {  	v15 =	vbroadcast v26, $0x0;
	v20 =	vor.u32 v2, v9;
	v27 =	vld [tilespmem:s6+$0x0];
	v24 =	vmul.f32 $8.000000000e+00, v24;
	[tilespmem:v29+s30+$0x0] =	vst.idx.msk $0xffff, v18  }
0x185: {  	v18 =	vor.u32 v2, v14;
	v26 =	vmul.f32 $8.000000000e+00, v32;
	v29 =	vld [tilespmem:s10+$0xFFFFFFE0];
	[tilespmem:v21+s30+$0x0] =	vst.idx.msk $0xffff, v19  }
0x186: {  	v19 =	vor.u32 v2, v15;
	v30 =	vld [tilespmem:s10+$0x20];
	v21 =	vmul.f32 $8.000000000e+00, v22;
	[tilespmem:v23+s30+$0x0] =	vst.idx.msk $0xffff, v24  }
0x187: {  	v33 =	vor.u32 v7, v11;
	v22 =	vmul.f32 $8.000000000e+00, v25;
	[tilespmem:v28+s30+$0x0] =	vst.idx.msk $0xffff, v26;
	v32 =	vld [tilespmem:s10+$0xFFFFFFA0]  }
0x188: {  	v35 =	vor.u32 v7, v13;
	v16 =	vmul.f32 $8.000000000e+00, v16;
	v34 =	vld [tilespmem:s6+$0x50];
	[tilespmem:v17+s30+$0x0] =	vst.idx.msk $0xffff, v21  }
0x189: {  	v36 =	vor.u32 v7, v12;
	v17 =	vmov s11;
	[tilespmem:v20+s30+$0x0] =	vst.idx.msk $0xffff, v22;
	v20 =	vmul.f32 $8.000000000e+00, v27;
	v37 =	vld [tilespmem:s10+$0x70]  }
.Ltmp4:
0x18a: {  	s13 =	sadd.s32 $0x1, s11;
	v24 =	vor.u32 v6, v31;
	v27 =	vand.u32 $0x7C, v17;
	v22 =	vld [tilespmem:s6+$0xFFFFFF90];
	[tilespmem:v18+s30+$0x0] =	vst.idx.msk $0xffff, v16;
	v16 =	vmul.f32 $8.000000000e+00, v29;
	(pc) =	sbr.rel @p0 .LBB2_11-.Ltmp4, $4  }
0x18b: {  	v23 =	vmov s13;
	s13 =	sadd.s32 $0x2, s11;
	v26 =	vor.u32 v8, v10;
	v10 =	vmovc v31;
	v21 =	vld [tilespmem:s6+$0xFFFFFFD0];
	[tilespmem:v19+s30+$0x0] =	vst.idx.msk $0xffff, v20;
	v19 =	vmul.f32 $8.000000000e+00, v30  }
0x18c: {  	v28 =	vmov s13;
	v25 =	vor.u32 v6, v9;
	v17 =	vld [tilespmem:s6+$0x10];
	v20 =	vmul.f32 $8.000000000e+00, v32;
	[tilespmem:v33+s30+$0x0] =	vst.idx.msk $0xffff, v16  }
0x18d: {  	s13 =	sadd.s32 $0x3, s11;
	v16 =	vbroadcast v27, $0x0;
	v27 =	vor.u32 v6, v14;
	v29 =	vmul.f32 $8.000000000e+00, v34;
	v18 =	vld [tilespmem:s10+$0xFFFFFFF0];
	[tilespmem:v35+s30+$0x0] =	vst.idx.msk $0xffff, v19  }
0x18e: {  	v31 =	vmov s13;
	s11 =	sadd.s32 $0x4, s11;
	v19 =	vor.u32 v6, v15;
	[tilespmem:v36+s30+$0x0] =	vst.idx.msk $0xffff, v20;
	v20 =	vld [tilespmem:s10+$0x30];
	v30 =	vmul.f32 $8.000000000e+00, v37  }
0x18f: {  	v31 =	vand.u32 $0x7F, v31;
	s11 =	sadd.s32 $0x100, s6  }
0x190: {  	v23 =	vand.u32 $0x7D, v23;
	v32 =	vld [tilespmem:s11+$0x40];
	v31 =	vbroadcast v31, $0x0  }
0x191: {  	v28 =	vand.u32 $0x7E, v28;
	v33 =	vld [tilespmem:s11+$0xFFFFFFC0];
	v23 =	vbroadcast v23, $0x0  }
0x192: {  	v35 =	vld [tilespmem:s11+$0x0];
	v28 =	vbroadcast v28, $0x0;
	v34 =	vor.u32 v2, v31  }
0x193: {  	v22 =	vmul.f32 $8.000000000e+00, v22;
	v47 =	vld [tilespmem:s11+$0xFFFFFF80];
	v48 =	vor.u32 v2, v23  }
0x194: {  	[tilespmem:v24+s30+$0x0] =	vst.idx.msk $0xffff, v29;
	v21 =	vmul.f32 $8.000000000e+00, v21;
	v49 =	vor.u32 v2, v28  }
0x195: {  	v50 =	vor.u32 v2, v16;
	[tilespmem:v25+s30+$0x0] =	vst.idx.msk $0xffff, v22;
	v51 =	vmul.f32 $8.000000000e+00, v32  }
0x196: {  	[tilespmem:v27+s30+$0x0] =	vst.idx.msk $0xffff, v21;
	v52 =	vmul.f32 $8.000000000e+00, v33  }
0x197: {  	v53 =	vld [tilespmem:s10+$0xFFFFFFB0];
	v11 =	vor.u32 v8, v11;
	v54 =	vmul.f32 $8.000000000e+00, v35;
	[tilespmem:v34+s30+$0x0] =	vst.idx.msk $0xffff, v51  }
0x198: {  	v13 =	vor.u32 v8, v13;
	v24 =	vmul.f32 $8.000000000e+00, v47;
	[tilespmem:v48+s30+$0x0] =	vst.idx.msk $0xffff, v52;
	v55 =	vld [tilespmem:s11+$0x50]  }
0x199: {  	v12 =	vor.u32 v8, v12;
	v17 =	vmul.f32 $8.000000000e+00, v17;
	[tilespmem:v49+s30+$0x0] =	vst.idx.msk $0xffff, v54;
	v21 =	vld [tilespmem:s11+$0xFFFFFFD0]  }
0x19a: {  	v18 =	vmul.f32 $8.000000000e+00, v18;
	v56 =	vor.u32 v6, v31;
	[tilespmem:v50+s30+$0x0] =	vst.idx.msk $0xffff, v24;
	v57 =	vld [tilespmem:s11+$0x10]  }
0x19b: {  	v60 =	vor.u32 v6, v23;
	[tilespmem:v19+s30+$0x0] =	vst.idx.msk $0xffff, v17;
	v58 =	vmul.f32 $8.000000000e+00, v20;
	v59 =	vld [tilespmem:s11+$0xFFFFFF90]  }
0x19c: {  	v61 =	vld [tilespmem:s6+$0x60];
	v25 =	vmul.f32 $8.000000000e+00, v53;
	[tilespmem:v11+s30+$0x0] =	vst.idx.msk $0xffff, v18;
	v11 =	vor.u32 v6, v28  }
0x19d: {  	v63 =	vor.u32 v6, v16;
	v62 =	vld [tilespmem:s6+$0xFFFFFFE0];
	[tilespmem:v13+s30+$0x0] =	vst.idx.msk $0xffff, v58;
	v32 =	vmul.f32 $8.000000000e+00, v55  }
0x19e: {  	v33 =	vor.u32 v7, v10;
	[tilespmem:v12+s30+$0x0] =	vst.idx.msk $0xffff, v25;
	v34 =	vld [tilespmem:s6+$0x20];
	v35 =	vmul.f32 $8.000000000e+00, v21  }
0x19f: {  	v37 =	vor.u32 v7, v14;
	v36 =	vld [tilespmem:s6+$0xFFFFFFA0];
	v38 =	vmul.f32 $8.000000000e+00, v57;
	[tilespmem:v56+s30+$0x0] =	vst.idx.msk $0xffff, v32  }
0x1a0: {  	v39 =	vor.u32 v7, v15;
	v19 =	vmul.f32 $8.000000000e+00, v59;
	[tilespmem:v60+s30+$0x0] =	vst.idx.msk $0xffff, v35;
	v40 =	vld [tilespmem:s11+$0x60]  }
0x1a1: {  	v42 =	vor.u32 v7, v9;
	v41 =	vmul.f32 $8.000000000e+00, v61;
	[tilespmem:v11+s30+$0x0] =	vst.idx.msk $0xffff, v38;
	v11 =	vld [tilespmem:s11+$0xFFFFFFE0]  }
0x1a2: {  	v44 =	vor.u32 v7, v31;
	v43 =	vmul.f32 $8.000000000e+00, v62;
	[tilespmem:v63+s30+$0x0] =	vst.idx.msk $0xffff, v19;
	v45 =	vld [tilespmem:s11+$0x20]  }
0x1a3: {  	v47 =	vor.u32 v7, v23;
	[tilespmem:v33+s30+$0x0] =	vst.idx.msk $0xffff, v41;
	v46 =	vmul.f32 $8.000000000e+00, v34;
	v19 =	vld [tilespmem:s11+$0xFFFFFFA0]  }
0x1a4: {  	v48 =	vor.u32 v7, v28;
	[tilespmem:v37+s30+$0x0] =	vst.idx.msk $0xffff, v43;
	v27 =	vld [tilespmem:s6+$0x70];
	v21 =	vmul.f32 $8.000000000e+00, v36  }
0x1a5: {  	v50 =	vor.u32 v7, v16;
	[tilespmem:v39+s30+$0x0] =	vst.idx.msk $0xffff, v46;
	v49 =	vmul.f32 $8.000000000e+00, v40  }
0x1a6: {  	v10 =	vor.u32 v8, v10;
	v25 =	vld [tilespmem:s6+$0xFFFFFFF0];
	[tilespmem:v42+s30+$0x0] =	vst.idx.msk $0xffff, v21;
	v11 =	vmul.f32 $8.000000000e+00, v11  }
0x1a7: {  	v51 =	vld [tilespmem:s6+$0x30];
	v53 =	vmul.f32 $8.000000000e+00, v45;
	[tilespmem:v44+s30+$0x0] =	vst.idx.msk $0xffff, v49  }
0x1a8: {  	v52 =	vor.u32 v8, v14;
	v21 =	vld [tilespmem:s6+$0xFFFFFFB0];
	v56 =	vmul.f32 $8.000000000e+00, v19;
	[tilespmem:v47+s30+$0x0] =	vst.idx.msk $0xffff, v11  }
0x1a9: {  	v54 =	vor.u32 v8, v15;
	v11 =	vmul.f32 $8.000000000e+00, v27;
	[tilespmem:v48+s30+$0x0] =	vst.idx.msk $0xffff, v53;
	v55 =	vld [tilespmem:s11+$0x70]  }
0x1aa: {  	v9 =	vor.u32 v8, v9;
	[tilespmem:v50+s30+$0x0] =	vst.idx.msk $0xffff, v56;
	v57 =	vld [tilespmem:s11+$0xFFFFFFF0]  }
0x1ab: {  	v59 =	vor.u32 v8, v31;
	v58 =	vmul.f32 $8.000000000e+00, v25;
	[tilespmem:v10+s30+$0x0] =	vst.idx.msk $0xffff, v11;
	v11 =	vld [tilespmem:s11+$0xFFFFFFB0]  }
0x1ac: {  	[tilespmem:v26+s30+$0x0] =	vst.idx.msk $0xffff, v30;
	v61 =	vor.u32 v8, v23;
	v60 =	vld [tilespmem:s11+$0x30];
	v10 =	vmul.f32 $8.000000000e+00, v51  }
0x1ad: {  	v63 =	vor.u32 v8, v16;
	[tilespmem:v52+s30+$0x0] =	vst.idx.msk $0xffff, v58;
	v21 =	vmul.f32 $8.000000000e+00, v21  }
0x1ae: {  	s17 =	sadd.s32 $0x1, s17;
	v62 =	vor.u32 v8, v28;
	[tilespmem:v54+s30+$0x0] =	vst.idx.msk $0xffff, v10;
	v10 =	vmul.f32 $8.000000000e+00, v55  }
0x1af: {  	p0 =	sne.s32 s17, $0x32;
	[tilespmem:v9+s30+$0x0] =	vst.idx.msk $0xffff, v21;
	v9 =	vmul.f32 $8.000000000e+00, v57  }
.Ltmp5:
0x1b0: {  	v11 =	vmul.f32 $8.000000000e+00, v11;
	[tilespmem:v59+s30+$0x0] =	vst.idx.msk $0xffff, v10;
	(pc) =	sbr.rel @p0 .LBB2_4-.Ltmp5, $4  }
0x1b1: {  	s31 =	sor.u32 s9, s18;
	v10 =	vmul.f32 $8.000000000e+00, v60;
	[tilespmem:v61+s30+$0x0] =	vst.idx.msk $0xffff, v9  }
0x1b2: {  	s6 =	sshrl.u32 s31, $0x3;
	[tilespmem:v63+s30+$0x0] =	vst.idx.msk $0xffff, v11  }
0x1b3: {  	s6 =	sadd.s32 s2, s6;
	[tilespmem:v62+s30+$0x0] =	vst.idx.msk $0xffff, v10  }
0x1b4: {  	[hbm4b:s6+s22] =	stream.strided.scatter [tilespmem:s30], [sflag:$0x8], $0x2000, s23, s22, $0x38;
	[tilespmem:$0x1D400] =	vst v63  }
0x1b5: {  	s6 =	simm.s32 $0x5  }
0x1b6: {  	_ =	swait.ge [sflag:s6], $0x2000  }
0x1b7: {  	[sflag:s6] =	ssyncset.done $0x0  }
0x1b8: {  	[sflag:s6] =	ssyncadd.s32 $0xFFFFE000  }
0x1b9: {  	_ =	swait.ge [sflag:s1], $0x2000  }
0x1ba: {  	[sflag:s1] =	ssyncset.done $0x0  }
0x1bb: {  	[sflag:s1] =	ssyncadd.s32 $0xFFFFE000  }
0x1bc: {  	_ =	swait.ge [sflag:s0], $0x2000  }
0x1bd: {  	[sflag:s0] =	ssyncset.done $0x0  }
0x1be: {  	[sflag:s0] =	ssyncadd.s32 $0xFFFFE000  }
0x1bf: {  	_ =	swait.ge [sflag:s14], $0x2000  }
0x1c0: {  	s10 =	rddreg [dreg:$0x5]  }
0x1c1: {  	s31 =	rddreg [dreg:$0x4];
	s10 =	sadd.s32 $0x1, s10  }
0x1c2: {  	p0 =	sne.s32 s10, s31  }
.Ltmp6:
0x1c3: {  	_ = 	snop;
	(pc) =	sbr.rel @p0 .LBB2_1-.Ltmp6, $3  }
0x1c4: {  	_ =	sdelay $0x1  }
0x1c5: {  	[sflag:s14] =	ssyncset.done $0x0  }
0x1c6: {  	[sflag:s14] =	ssyncadd.s32 $0xFFFFE000  }
0x1c7: {  	_ =	sfence.sel $0x180000  }
0x1c8: {  	[bflag:$0x0] =	sbarrier.arrive $0xFFFF  }
0x1c9: {  	_ =	strace $0x90000047  }
0x1ca: {  	s0 =	stileid.u32;
	[bflag:$0x2] =	sbarrier.arrive $0xFFFF  }
0x1cb: {  	p0 =	sne.s32 s0, $0x0;
	s0 =	rddreg [dreg:$0x2]  }
0x1cc: {  	s0 =	sadd.s32 @!p0 $0x100000, s0  }
0x1cd: {  	[sflag:s0] =	ssyncadd.tile.s32 @!p0 $0x1;
	_ =	shalt  }
.Lfunc_end2:
_tile_overlayer_lowered:
.L_overlay_start_2:
0x1ce: {  	(tag) =	ssettag $0x2  }
0x1cf: {  	s0 =	rddreg [dreg:$0x0];
	s2 =	stileid.u32  }
0x1d0: {  	s1 =	rddreg [dreg:$0x1];
	p0 =	sne.s32 s2, $0x0  }
0x1d1: {  	s3 =	rddreg [dreg:$0x2];
	[bflag:$0x3] =	sbarrier.arrive $0xFFFF;
	s2 =	simm.s32 @!p0 $0x1C09  }
0x1d2: {  	[timem:s3], [sflag:s2] =	dma.local @!p0 [hbm:s0], s1  }
0x1d3: {  	s0 =	simm.s32 @!p0 $0x9  }
0x1d4: {  	_ =	swait.ge @!p0 [sflag:s0], s1  }
0x1d5: {  	s1 =	ssub.s32 @!p0 $0x0, s1;
	[sflag:s0] =	ssyncset.done @!p0 $0x0  }
0x1d6: {  	[sflag:s0] =	ssyncadd.s32 @!p0 s1  }
0x1d7: {  	[bflag:$0x3] =	sbarrier.arrive $0xFFFF  }
0x1d8: {  	_ =	shalt  }

</sc_bundles>
